<compile_context>
chip_gen: v7x
topology: tpu7x:2x2x1
jax: 0.10.2.dev20260603
libtpu: 0.0.44.dev20260713+nightly
codegen_flags: <defaults>
</compile_context>

<pallas_src>
import jax
import jax.numpy as jnp
from jax.experimental import pallas as pl
from jax.experimental.pallas import tpu as pltpu

_STEP = 8
_M = 16
_N = 4096
_F = 64
_ROWS = 2048
_LANES = 128
_BLK = 128


def _body(x_ref, spikes_ref, rate_ref, scr_ref):
    j = pl.program_id(0)

    @pl.when(j == 0)
    def _():
        x_full = x_ref[...]
        scr_ref[0] = jnp.min(x_full)
        scr_ref[1] = (jnp.max(x_full) - jnp.min(x_full)) / jnp.float32(_M - 2)

    i_min = scr_ref[0]
    rng = scr_ref[1]
    sigma = jnp.float32(1.0 / 1.5) * rng
    inv = jnp.float32(1.0) / (jnp.float32(2.0) * sigma * sigma)
    x = x_ref[pl.ds(j * _BLK, _BLK), :]
    for i in range(_M):
        mu_i = i_min + jnp.float32((2.0 * i - 3.0) / 2.0) * rng
        diff = x - mu_i
        d = jnp.exp(diff * diff * (-inv))
        v = d
        acc = None
        for k in range(_STEP):
            if k:
                v = v + d
            s = (v >= jnp.float32(1.0)).astype(jnp.float32)
            v = v - s
            spikes_ref[k, i] = s.astype(jnp.int8)
            acc = s if acc is None else acc + s
        rate_ref[i] = acc * jnp.float32(1.0 / _STEP)


def kernel(inputs, num_popneurons, VTH):
    x = inputs.reshape(_ROWS, _LANES)
    spikes_s8, rate = pl.pallas_call(
        _body,
        grid=(_ROWS // _BLK,),
        in_specs=[pl.BlockSpec((_ROWS, _LANES), lambda j: (0, 0))],
        out_specs=[
            pl.BlockSpec((_STEP, _M, _BLK, _LANES), lambda j: (0, 0, j, 0)),
            pl.BlockSpec((_M, _BLK, _LANES), lambda j: (0, j, 0)),
        ],
        out_shape=[
            jax.ShapeDtypeStruct((_STEP, _M, _ROWS, _LANES), jnp.int8),
            jax.ShapeDtypeStruct((_M, _ROWS, _LANES), jnp.float32),
        ],
        scratch_shapes=[pltpu.SMEM((2,), jnp.float32)],
    )(x)
    spikes = spikes_s8.astype(jnp.float32).reshape(_STEP, _M, _N, _F)
    return spikes, rate.reshape(_M, _N, _F)

# --- scband reference (transcript-rebuilt; emitter-appended) ---
"""Pipeline reference for scband-pencoder-51711406243954 (READ-ONLY COPY).

The authoritative reference and input builder live on the scoring server;
editing this copy changes nothing except your own understanding.
"""

import jax, jax.numpy as jnp
import numpy as np

STEP = 8

def setup_inputs(seed: int = 0) -> dict:
    key = jax.random.key(seed)
    inputs = jax.random.normal(key, (4096, 64), dtype=jnp.float32)
    return {"inputs": inputs, "num_popneurons": 16, "VTH": 1}

def reference(inputs, num_popneurons, VTH):
    m = num_popneurons
    I_min = jnp.min(inputs)
    I_max = jnp.max(inputs)
    idx = jnp.arange(16, dtype=jnp.float32)
    mu = I_min + (2.0 * idx - 3.0) / 2.0 * ((I_max - I_min) / (m - 2))
    sigma = (1.0 / 1.5) * ((I_max - I_min) / (m - 2))
    # delta_v[i] = exp(-(inputs - mu_i)^2 / (2 sigma^2)), shape (m, N, F)
    delta_v = jnp.exp(-(inputs[None, :, :] - mu[:, None, None]) ** 2 / (2.0 * sigma * sigma))
    v = jnp.zeros_like(delta_v)
    spikes_list = []
    for _k in range(STEP):
        v = v + delta_v
        s = (v >= VTH).astype(jnp.float32)
        v = v - s * VTH
        spikes_list.append(s)
    spikes = jnp.stack(spikes_list, axis=0)  # (step, m, N, F)
    popneuron_rate = jnp.sum(spikes, axis=0) / STEP
    return spikes, popneuron_rate

if __name__ == "__main__":
    import jax
    _d = setup_inputs()
    print(jax.jit(kernel)(*tuple(_d.values())))

</pallas_src>

<mosaic_0001>
module attributes {stable_mosaic.version = 14 : i64} {
  func.func @_body(%arg0: i32, %arg1: memref<2048x128xf32, #tpu.memory_space<vmem>>, %arg2: memref<8x16x128x128xi8, #tpu.memory_space<vmem>>, %arg3: memref<16x128x128xf32, #tpu.memory_space<vmem>>, %arg4: memref<2xf32, #tpu.memory_space<smem>>) attributes {dimension_semantics = [#tpu.dimension_semantics<arbitrary>], iteration_bounds = array<i64: 16>, scalar_prefetch = 0 : i64, scratch_operands = 1 : i64, tpu.core_type = #tpu.core_type<tc>, window_params = [{pipeline_mode = #tpu.pipeline_mode<synchronous>, transform_indices = @transform_0, window_bounds = array<i64: 2048, 128>}, {transform_indices = @transform_1, window_bounds = array<i64: 8, 16, 128, 128>}, {transform_indices = @transform_2, window_bounds = array<i64: 16, 128, 128>}]} {
    %eq3A = arith.constant 0 : i32
    %eq3A_0 = arith.cmpi eq, %arg0, %eq3A : i32
    %convert_element_type3A = arith.extui %eq3A_0 : i1 to i32
    %cond3A = arith.constant 0 : i32
    %cond3A_1 = arith.cmpi ne, %convert_element_type3A, %cond3A : i32
    scf.if %cond3A_1 {
      %get3A_2329 = arith.constant 0 : index
      %get3A_2330 = arith.constant 0 : index
      %get3A_2331 = vector.load %arg1[%get3A_2329, %get3A_2330] : memref<2048x128xf32, #tpu.memory_space<vmem>>, vector<2048x128xf32>
      %reduce_min3A = vector.shape_cast %get3A_2331 : vector<2048x128xf32> to vector<1x2048x128xf32>
      %reduce_min3A_2332 = arith.constant dense<0x7F800000> : vector<1xf32>
      %reduce_min3A_2333 = vector.multi_reduction <minimumf>, %reduce_min3A, %reduce_min3A_2332 [1, 2] : vector<1x2048x128xf32> to vector<1xf32>
      %reduce_min3A_2334 = vector.shape_cast %reduce_min3A_2333 : vector<1xf32> to vector<1x1x1xf32>
      %reduce_min3A_2335 = vector.extract %reduce_min3A_2334[0, 0, 0] : f32 from vector<1x1x1xf32>
      %swap3A_2336 = arith.constant 0 : index
      %swap3A_2337 = memref.load %arg4[%swap3A_2336] : memref<2xf32, #tpu.memory_space<smem>>
      memref.store %reduce_min3A_2335, %arg4[%swap3A_2336] : memref<2xf32, #tpu.memory_space<smem>>
      %reduce_max3A = vector.shape_cast %get3A_2331 : vector<2048x128xf32> to vector<1x2048x128xf32>
      %reduce_max3A_2338 = arith.constant dense<0xFF800000> : vector<1xf32>
      %reduce_max3A_2339 = vector.multi_reduction <maximumf>, %reduce_max3A, %reduce_max3A_2338 [1, 2] : vector<1x2048x128xf32> to vector<1xf32>
      %reduce_max3A_2340 = vector.shape_cast %reduce_max3A_2339 : vector<1xf32> to vector<1x1x1xf32>
      %reduce_max3A_2341 = vector.extract %reduce_max3A_2340[0, 0, 0] : f32 from vector<1x1x1xf32>
      %reduce_min3A_2342 = vector.shape_cast %get3A_2331 : vector<2048x128xf32> to vector<1x2048x128xf32>
      %reduce_min3A_2343 = arith.constant dense<0x7F800000> : vector<1xf32>
      %reduce_min3A_2344 = vector.multi_reduction <minimumf>, %reduce_min3A_2342, %reduce_min3A_2343 [1, 2] : vector<1x2048x128xf32> to vector<1xf32>
      %reduce_min3A_2345 = vector.shape_cast %reduce_min3A_2344 : vector<1xf32> to vector<1x1x1xf32>
      %reduce_min3A_2346 = vector.extract %reduce_min3A_2345[0, 0, 0] : f32 from vector<1x1x1xf32>
      %sub3A_2347 = arith.subf %reduce_max3A_2341, %reduce_min3A_2346 : f32
      %div3A_2348 = arith.constant 1.400000e+01 : f32
      %div3A_2349 = arith.divf %sub3A_2347, %div3A_2348 : f32
      %swap3A_2350 = arith.constant 1 : index
      %swap3A_2351 = memref.load %arg4[%swap3A_2350] : memref<2xf32, #tpu.memory_space<smem>>
      memref.store %div3A_2349, %arg4[%swap3A_2350] : memref<2xf32, #tpu.memory_space<smem>>
    } else {
    }
    %get3A = arith.constant 0 : index
    %get3A_2 = memref.load %arg4[%get3A] : memref<2xf32, #tpu.memory_space<smem>>
    %get3A_3 = arith.constant 1 : index
    %get3A_4 = memref.load %arg4[%get3A_3] : memref<2xf32, #tpu.memory_space<smem>>
    %mul3A = arith.constant 0.666666686 : f32
    %mul3A_5 = arith.mulf %mul3A, %get3A_4 : f32
    %mul3A_6 = arith.constant 2.000000e+00 : f32
    %mul3A_7 = arith.mulf %mul3A_6, %mul3A_5 : f32
    %mul3A_8 = arith.mulf %mul3A_7, %mul3A_5 : f32
    %div3A = arith.constant 1.000000e+00 : f32
    %div3A_9 = arith.divf %div3A, %mul3A_8 : f32
    %mul3A_10 = arith.constant 128 : i32
    %mul3A_11 = arith.muli %arg0, %mul3A_10 : i32
    %get3A_12 = arith.index_cast %mul3A_11 : i32 to index
    %get3A_13 = arith.constant 0 : index
    %get3A_14 = vector.load %arg1[%get3A_12, %get3A_13] : memref<2048x128xf32, #tpu.memory_space<vmem>>, vector<128x128xf32>
    %mul3A_15 = arith.constant -1.500000e+00 : f32
    %mul3A_16 = arith.mulf %mul3A_15, %get3A_4 : f32
    %add3A = arith.addf %get3A_2, %mul3A_16 : f32
    %sub3A = vector.broadcast %add3A : f32 to vector<128x128xf32>
    %sub3A_17 = arith.subf %get3A_14, %sub3A : vector<128x128xf32>
    %mul3A_18 = arith.mulf %sub3A_17, %sub3A_17 : vector<128x128xf32>
    %neg3A = arith.constant 0.000000e+00 : f32
    %neg3A_19 = arith.subf %neg3A, %div3A_9 : f32
    %mul3A_20 = vector.broadcast %neg3A_19 : f32 to vector<128x128xf32>
    %mul3A_21 = arith.mulf %mul3A_18, %mul3A_20 : vector<128x128xf32>
    %exp3A = math.exp %mul3A_21 : vector<128x128xf32>
    %ge3A = arith.constant 1.000000e+00 : f32
    %ge3A_22 = vector.broadcast %ge3A : f32 to vector<128x128xf32>
    %ge3A_23 = arith.cmpf oge, %exp3A, %ge3A_22 : vector<128x128xf32>
    %convert_element_type3A_24 = arith.extui %ge3A_23 : vector<128x128xi1> to vector<128x128xi32>
    %convert_element_type3A_25 = arith.sitofp %convert_element_type3A_24 : vector<128x128xi32> to vector<128x128xf32>
    %sub3A_26 = arith.subf %exp3A, %convert_element_type3A_25 : vector<128x128xf32>
    %convert_element_type3A_27 = arith.fptosi %convert_element_type3A_25 : vector<128x128xf32> to vector<128x128xi8>
    %swap3A = arith.constant 0 : index
    %swap3A_28 = arith.constant 0 : index
    %swap3A_29 = arith.constant 0 : index
    %swap3A_30 = arith.constant 0 : index
    %swap3A_31 = vector.load %arg2[%swap3A, %swap3A_28, %swap3A_29, %swap3A_30] : memref<8x16x128x128xi8, #tpu.memory_space<vmem>>, vector<1x1x128x128xi8>
    %swap3A_32 = vector.shape_cast %swap3A_31 : vector<1x1x128x128xi8> to vector<128x128xi8>
    %swap3A_33 = vector.shape_cast %convert_element_type3A_27 : vector<128x128xi8> to vector<1x1x128x128xi8>
    tpu.vector_store %arg2[%swap3A, %swap3A_28, %swap3A_29, %swap3A_30], %swap3A_33 {strides = array<i32>} : memref<8x16x128x128xi8, #tpu.memory_space<vmem>>, vector<1x1x128x128xi8>,
    %add3A_34 = arith.addf %sub3A_26, %exp3A : vector<128x128xf32>
    %ge3A_35 = arith.constant 1.000000e+00 : f32
    %ge3A_36 = vector.broadcast %ge3A_35 : f32 to vector<128x128xf32>
    %ge3A_37 = arith.cmpf oge, %add3A_34, %ge3A_36 : vector<128x128xf32>
    %convert_element_type3A_38 = arith.extui %ge3A_37 : vector<128x128xi1> to vector<128x128xi32>
    %convert_element_type3A_39 = arith.sitofp %convert_element_type3A_38 : vector<128x128xi32> to vector<128x128xf32>
    %sub3A_40 = arith.subf %add3A_34, %convert_element_type3A_39 : vector<128x128xf32>
    %convert_element_type3A_41 = arith.fptosi %convert_element_type3A_39 : vector<128x128xf32> to vector<128x128xi8>
    %swap3A_42 = arith.constant 1 : index
    %swap3A_43 = arith.constant 0 : index
    %swap3A_44 = arith.constant 0 : index
    %swap3A_45 = arith.constant 0 : index
    %swap3A_46 = vector.load %arg2[%swap3A_42, %swap3A_43, %swap3A_44, %swap3A_45] : memref<8x16x128x128xi8, #tpu.memory_space<vmem>>, vector<1x1x128x128xi8>
    %swap3A_47 = vector.shape_cast %swap3A_46 : vector<1x1x128x128xi8> to vector<128x128xi8>
    %swap3A_48 = vector.shape_cast %convert_element_type3A_41 : vector<128x128xi8> to vector<1x1x128x128xi8>
    tpu.vector_store %arg2[%swap3A_42, %swap3A_43, %swap3A_44, %swap3A_45], %swap3A_48 {strides = array<i32>} : memref<8x16x128x128xi8, #tpu.memory_space<vmem>>, vector<1x1x128x128xi8>,
    %add3A_49 = arith.addf %convert_element_type3A_25, %convert_element_type3A_39 : vector<128x128xf32>
    %add3A_50 = arith.addf %sub3A_40, %exp3A : vector<128x128xf32>
    %ge3A_51 = arith.constant 1.000000e+00 : f32
    %ge3A_52 = vector.broadcast %ge3A_51 : f32 to vector<128x128xf32>
    %ge3A_53 = arith.cmpf oge, %add3A_50, %ge3A_52 : vector<128x128xf32>
    %convert_element_type3A_54 = arith.extui %ge3A_53 : vector<128x128xi1> to vector<128x128xi32>
    %convert_element_type3A_55 = arith.sitofp %convert_element_type3A_54 : vector<128x128xi32> to vector<128x128xf32>
    %sub3A_56 = arith.subf %add3A_50, %convert_element_type3A_55 : vector<128x128xf32>
    %convert_element_type3A_57 = arith.fptosi %convert_element_type3A_55 : vector<128x128xf32> to vector<128x128xi8>
    %swap3A_58 = arith.constant 2 : index
    %swap3A_59 = arith.constant 0 : index
    %swap3A_60 = arith.constant 0 : index
    %swap3A_61 = arith.constant 0 : index
    %swap3A_62 = vector.load %arg2[%swap3A_58, %swap3A_59, %swap3A_60, %swap3A_61] : memref<8x16x128x128xi8, #tpu.memory_space<vmem>>, vector<1x1x128x128xi8>
    %swap3A_63 = vector.shape_cast %swap3A_62 : vector<1x1x128x128xi8> to vector<128x128xi8>
    %swap3A_64 = vector.shape_cast %convert_element_type3A_57 : vector<128x128xi8> to vector<1x1x128x128xi8>
    tpu.vector_store %arg2[%swap3A_58, %swap3A_59, %swap3A_60, %swap3A_61], %swap3A_64 {strides = array<i32>} : memref<8x16x128x128xi8, #tpu.memory_space<vmem>>, vector<1x1x128x128xi8>,
    %add3A_65 = arith.addf %add3A_49, %convert_element_type3A_55 : vector<128x128xf32>
    %add3A_66 = arith.addf %sub3A_56, %exp3A : vector<128x128xf32>
    %ge3A_67 = arith.constant 1.000000e+00 : f32
    %ge3A_68 = vector.broadcast %ge3A_67 : f32 to vector<128x128xf32>
    %ge3A_69 = arith.cmpf oge, %add3A_66, %ge3A_68 : vector<128x128xf32>
    %convert_element_type3A_70 = arith.extui %ge3A_69 : vector<128x128xi1> to vector<128x128xi32>
    %convert_element_type3A_71 = arith.sitofp %convert_element_type3A_70 : vector<128x128xi32> to vector<128x128xf32>
    %sub3A_72 = arith.subf %add3A_66, %convert_element_type3A_71 : vector<128x128xf32>
    %convert_element_type3A_73 = arith.fptosi %convert_element_type3A_71 : vector<128x128xf32> to vector<128x128xi8>
    %swap3A_74 = arith.constant 3 : index
    %swap3A_75 = arith.constant 0 : index
    %swap3A_76 = arith.constant 0 : index
    %swap3A_77 = arith.constant 0 : index
    %swap3A_78 = vector.load %arg2[%swap3A_74, %swap3A_75, %swap3A_76, %swap3A_77] : memref<8x16x128x128xi8, #tpu.memory_space<vmem>>, vector<1x1x128x128xi8>
    %swap3A_79 = vector.shape_cast %swap3A_78 : vector<1x1x128x128xi8> to vector<128x128xi8>
    %swap3A_80 = vector.shape_cast %convert_element_type3A_73 : vector<128x128xi8> to vector<1x1x128x128xi8>
    tpu.vector_store %arg2[%swap3A_74, %swap3A_75, %swap3A_76, %swap3A_77], %swap3A_80 {strides = array<i32>} : memref<8x16x128x128xi8, #tpu.memory_space<vmem>>, vector<1x1x128x128xi8>,
    %add3A_81 = arith.addf %add3A_65, %convert_element_type3A_71 : vector<128x128xf32>
    %add3A_82 = arith.addf %sub3A_72, %exp3A : vector<128x128xf32>
    %ge3A_83 = arith.constant 1.000000e+00 : f32
    %ge3A_84 = vector.broadcast %ge3A_83 : f32 to vector<128x128xf32>
    %ge3A_85 = arith.cmpf oge, %add3A_82, %ge3A_84 : vector<128x128xf32>
    %convert_element_type3A_86 = arith.extui %ge3A_85 : vector<128x128xi1> to vector<128x128xi32>
    %convert_element_type3A_87 = arith.sitofp %convert_element_type3A_86 : vector<128x128xi32> to vector<128x128xf32>
    %sub3A_88 = arith.subf %add3A_82, %convert_element_type3A_87 : vector<128x128xf32>
    %convert_element_type3A_89 = arith.fptosi %convert_element_type3A_87 : vector<128x128xf32> to vector<128x128xi8>
    %swap3A_90 = arith.constant 4 : index
    %swap3A_91 = arith.constant 0 : index
    %swap3A_92 = arith.constant 0 : index
    %swap3A_93 = arith.constant 0 : index
    %swap3A_94 = vector.load %arg2[%swap3A_90, %swap3A_91, %swap3A_92, %swap3A_93] : memref<8x16x128x128xi8, #tpu.memory_space<vmem>>, vector<1x1x128x128xi8>
    %swap3A_95 = vector.shape_cast %swap3A_94 : vector<1x1x128x128xi8> to vector<128x128xi8>
    %swap3A_96 = vector.shape_cast %convert_element_type3A_89 : vector<128x128xi8> to vector<1x1x128x128xi8>
    tpu.vector_store %arg2[%swap3A_90, %swap3A_91, %swap3A_92, %swap3A_93], %swap3A_96 {strides = array<i32>} : memref<8x16x128x128xi8, #tpu.memory_space<vmem>>, vector<1x1x128x128xi8>,
    %add3A_97 = arith.addf %add3A_81, %convert_element_type3A_87 : vector<128x128xf32>
    %add3A_98 = arith.addf %sub3A_88, %exp3A : vector<128x128xf32>
    %ge3A_99 = arith.constant 1.000000e+00 : f32
    %ge3A_100 = vector.broadcast %ge3A_99 : f32 to vector<128x128xf32>
    %ge3A_101 = arith.cmpf oge, %add3A_98, %ge3A_100 : vector<128x128xf32>
    %convert_element_type3A_102 = arith.extui %ge3A_101 : vector<128x128xi1> to vector<128x128xi32>
    %convert_element_type3A_103 = arith.sitofp %convert_element_type3A_102 : vector<128x128xi32> to vector<128x128xf32>
    %sub3A_104 = arith.subf %add3A_98, %convert_element_type3A_103 : vector<128x128xf32>
    %convert_element_type3A_105 = arith.fptosi %convert_element_type3A_103 : vector<128x128xf32> to vector<128x128xi8>
    %swap3A_106 = arith.constant 5 : index
    %swap3A_107 = arith.constant 0 : index
    %swap3A_108 = arith.constant 0 : index
    %swap3A_109 = arith.constant 0 : index
    %swap3A_110 = vector.load %arg2[%swap3A_106, %swap3A_107, %swap3A_108, %swap3A_109] : memref<8x16x128x128xi8, #tpu.memory_space<vmem>>, vector<1x1x128x128xi8>
    %swap3A_111 = vector.shape_cast %swap3A_110 : vector<1x1x128x128xi8> to vector<128x128xi8>
    %swap3A_112 = vector.shape_cast %convert_element_type3A_105 : vector<128x128xi8> to vector<1x1x128x128xi8>
    tpu.vector_store %arg2[%swap3A_106, %swap3A_107, %swap3A_108, %swap3A_109], %swap3A_112 {strides = array<i32>} : memref<8x16x128x128xi8, #tpu.memory_space<vmem>>, vector<1x1x128x128xi8>,
    %add3A_113 = arith.addf %add3A_97, %convert_element_type3A_103 : vector<128x128xf32>
    %add3A_114 = arith.addf %sub3A_104, %exp3A : vector<128x128xf32>
    %ge3A_115 = arith.constant 1.000000e+00 : f32
    %ge3A_116 = vector.broadcast %ge3A_115 : f32 to vector<128x128xf32>
    %ge3A_117 = arith.cmpf oge, %add3A_114, %ge3A_116 : vector<128x128xf32>
    %convert_element_type3A_118 = arith.extui %ge3A_117 : vector<128x128xi1> to vector<128x128xi32>
    %convert_element_type3A_119 = arith.sitofp %convert_element_type3A_118 : vector<128x128xi32> to vector<128x128xf32>
    %sub3A_120 = arith.subf %add3A_114, %convert_element_type3A_119 : vector<128x128xf32>
    %convert_element_type3A_121 = arith.fptosi %convert_element_type3A_119 : vector<128x128xf32> to vector<128x128xi8>
    %swap3A_122 = arith.constant 6 : index
    %swap3A_123 = arith.constant 0 : index
    %swap3A_124 = arith.constant 0 : index
    %swap3A_125 = arith.constant 0 : index
    %swap3A_126 = vector.load %arg2[%swap3A_122, %swap3A_123, %swap3A_124, %swap3A_125] : memref<8x16x128x128xi8, #tpu.memory_space<vmem>>, vector<1x1x128x128xi8>
    %swap3A_127 = vector.shape_cast %swap3A_126 : vector<1x1x128x128xi8> to vector<128x128xi8>
    %swap3A_128 = vector.shape_cast %convert_element_type3A_121 : vector<128x128xi8> to vector<1x1x128x128xi8>
    tpu.vector_store %arg2[%swap3A_122, %swap3A_123, %swap3A_124, %swap3A_125], %swap3A_128 {strides = array<i32>} : memref<8x16x128x128xi8, #tpu.memory_space<vmem>>, vector<1x1x128x128xi8>,
    %add3A_129 = arith.addf %add3A_113, %convert_element_type3A_119 : vector<128x128xf32>
    %add3A_130 = arith.addf %sub3A_120, %exp3A : vector<128x128xf32>
    %ge3A_131 = arith.constant 1.000000e+00 : f32
    %ge3A_132 = vector.broadcast %ge3A_131 : f32 to vector<128x128xf32>
    %ge3A_133 = arith.cmpf oge, %add3A_130, %ge3A_132 : vector<128x128xf32>
    %convert_element_type3A_134 = arith.extui %ge3A_133 : vector<128x128xi1> to vector<128x128xi32>
    %convert_element_type3A_135 = arith.sitofp %convert_element_type3A_134 : vector<128x128xi32> to vector<128x128xf32>
    %convert_element_type3A_136 = arith.fptosi %convert_element_type3A_135 : vector<128x128xf32> to vector<128x128xi8>
    %swap3A_137 = arith.constant 7 : index
    %swap3A_138 = arith.constant 0 : index
    %swap3A_139 = arith.constant 0 : index
    %swap3A_140 = arith.constant 0 : index
    %swap3A_141 = vector.load %arg2[%swap3A_137, %swap3A_138, %swap3A_139, %swap3A_140] : memref<8x16x128x128xi8, #tpu.memory_space<vmem>>, vector<1x1x128x128xi8>
    %swap3A_142 = vector.shape_cast %swap3A_141 : vector<1x1x128x128xi8> to vector<128x128xi8>
    %swap3A_143 = vector.shape_cast %convert_element_type3A_136 : vector<128x128xi8> to vector<1x1x128x128xi8>
    tpu.vector_store %arg2[%swap3A_137, %swap3A_138, %swap3A_139, %swap3A_140], %swap3A_143 {strides = array<i32>} : memref<8x16x128x128xi8, #tpu.memory_space<vmem>>, vector<1x1x128x128xi8>,
    %add3A_144 = arith.addf %add3A_129, %convert_element_type3A_135 : vector<128x128xf32>
    %mul3A_145 = arith.constant 1.250000e-01 : f32
    %mul3A_146 = vector.broadcast %mul3A_145 : f32 to vector<128x128xf32>
    %mul3A_147 = arith.mulf %add3A_144, %mul3A_146 : vector<128x128xf32>
    %swap3A_148 = arith.constant 0 : index
    %swap3A_149 = arith.constant 0 : index
    %swap3A_150 = arith.constant 0 : index
    %swap3A_151 = vector.load %arg3[%swap3A_148, %swap3A_149, %swap3A_150] : memref<16x128x128xf32, #tpu.memory_space<vmem>>, vector<1x128x128xf32>
    %swap3A_152 = vector.shape_cast %swap3A_151 : vector<1x128x128xf32> to vector<128x128xf32>
    %swap3A_153 = vector.shape_cast %mul3A_147 : vector<128x128xf32> to vector<1x128x128xf32>
    tpu.vector_store %arg3[%swap3A_148, %swap3A_149, %swap3A_150], %swap3A_153 {strides = array<i32>} : memref<16x128x128xf32, #tpu.memory_space<vmem>>, vector<1x128x128xf32>,
    %mul3A_154 = arith.constant -5.000000e-01 : f32
    %mul3A_155 = arith.mulf %mul3A_154, %get3A_4 : f32
    %add3A_156 = arith.addf %get3A_2, %mul3A_155 : f32
    %sub3A_157 = vector.broadcast %add3A_156 : f32 to vector<128x128xf32>
    %sub3A_158 = arith.subf %get3A_14, %sub3A_157 : vector<128x128xf32>
    %mul3A_159 = arith.mulf %sub3A_158, %sub3A_158 : vector<128x128xf32>
    %neg3A_160 = arith.constant 0.000000e+00 : f32
    %neg3A_161 = arith.subf %neg3A_160, %div3A_9 : f32
    %mul3A_162 = vector.broadcast %neg3A_161 : f32 to vector<128x128xf32>
    %mul3A_163 = arith.mulf %mul3A_159, %mul3A_162 : vector<128x128xf32>
    %exp3A_164 = math.exp %mul3A_163 : vector<128x128xf32>
    %ge3A_165 = arith.constant 1.000000e+00 : f32
    %ge3A_166 = vector.broadcast %ge3A_165 : f32 to vector<128x128xf32>
    %ge3A_167 = arith.cmpf oge, %exp3A_164, %ge3A_166 : vector<128x128xf32>
    %convert_element_type3A_168 = arith.extui %ge3A_167 : vector<128x128xi1> to vector<128x128xi32>
    %convert_element_type3A_169 = arith.sitofp %convert_element_type3A_168 : vector<128x128xi32> to vector<128x128xf32>
    %sub3A_170 = arith.subf %exp3A_164, %convert_element_type3A_169 : vector<128x128xf32>
    %convert_element_type3A_171 = arith.fptosi %convert_element_type3A_169 : vector<128x128xf32> to vector<128x128xi8>
    %swap3A_172 = arith.constant 0 : index
    %swap3A_173 = arith.constant 1 : index
    %swap3A_174 = arith.constant 0 : index
    %swap3A_175 = arith.constant 0 : index
    %swap3A_176 = vector.load %arg2[%swap3A_172, %swap3A_173, %swap3A_174, %swap3A_175] : memref<8x16x128x128xi8, #tpu.memory_space<vmem>>, vector<1x1x128x128xi8>
    %swap3A_177 = vector.shape_cast %swap3A_176 : vector<1x1x128x128xi8> to vector<128x128xi8>
    %swap3A_178 = vector.shape_cast %convert_element_type3A_171 : vector<128x128xi8> to vector<1x1x128x128xi8>
    tpu.vector_store %arg2[%swap3A_172, %swap3A_173, %swap3A_174, %swap3A_175], %swap3A_178 {strides = array<i32>} : memref<8x16x128x128xi8, #tpu.memory_space<vmem>>, vector<1x1x128x128xi8>,
    %add3A_179 = arith.addf %sub3A_170, %exp3A_164 : vector<128x128xf32>
    %ge3A_180 = arith.constant 1.000000e+00 : f32
    %ge3A_181 = vector.broadcast %ge3A_180 : f32 to vector<128x128xf32>
    %ge3A_182 = arith.cmpf oge, %add3A_179, %ge3A_181 : vector<128x128xf32>
    %convert_element_type3A_183 = arith.extui %ge3A_182 : vector<128x128xi1> to vector<128x128xi32>
    %convert_element_type3A_184 = arith.sitofp %convert_element_type3A_183 : vector<128x128xi32> to vector<128x128xf32>
    %sub3A_185 = arith.subf %add3A_179, %convert_element_type3A_184 : vector<128x128xf32>
    %convert_element_type3A_186 = arith.fptosi %convert_element_type3A_184 : vector<128x128xf32> to vector<128x128xi8>
    %swap3A_187 = arith.constant 1 : index
    %swap3A_188 = arith.constant 1 : index
    %swap3A_189 = arith.constant 0 : index
    %swap3A_190 = arith.constant 0 : index
    %swap3A_191 = vector.load %arg2[%swap3A_187, %swap3A_188, %swap3A_189, %swap3A_190] : memref<8x16x128x128xi8, #tpu.memory_space<vmem>>, vector<1x1x128x128xi8>
    %swap3A_192 = vector.shape_cast %swap3A_191 : vector<1x1x128x128xi8> to vector<128x128xi8>
    %swap3A_193 = vector.shape_cast %convert_element_type3A_186 : vector<128x128xi8> to vector<1x1x128x128xi8>
    tpu.vector_store %arg2[%swap3A_187, %swap3A_188, %swap3A_189, %swap3A_190], %swap3A_193 {strides = array<i32>} : memref<8x16x128x128xi8, #tpu.memory_space<vmem>>, vector<1x1x128x128xi8>,
    %add3A_194 = arith.addf %convert_element_type3A_169, %convert_element_type3A_184 : vector<128x128xf32>
    %add3A_195 = arith.addf %sub3A_185, %exp3A_164 : vector<128x128xf32>
    %ge3A_196 = arith.constant 1.000000e+00 : f32
    %ge3A_197 = vector.broadcast %ge3A_196 : f32 to vector<128x128xf32>
    %ge3A_198 = arith.cmpf oge, %add3A_195, %ge3A_197 : vector<128x128xf32>
    %convert_element_type3A_199 = arith.extui %ge3A_198 : vector<128x128xi1> to vector<128x128xi32>
    %convert_element_type3A_200 = arith.sitofp %convert_element_type3A_199 : vector<128x128xi32> to vector<128x128xf32>
    %sub3A_201 = arith.subf %add3A_195, %convert_element_type3A_200 : vector<128x128xf32>
    %convert_element_type3A_202 = arith.fptosi %convert_element_type3A_200 : vector<128x128xf32> to vector<128x128xi8>
    %swap3A_203 = arith.constant 2 : index
    %swap3A_204 = arith.constant 1 : index
    %swap3A_205 = arith.constant 0 : index
    %swap3A_206 = arith.constant 0 : index
    %swap3A_207 = vector.load %arg2[%swap3A_203, %swap3A_204, %swap3A_205, %swap3A_206] : memref<8x16x128x128xi8, #tpu.memory_space<vmem>>, vector<1x1x128x128xi8>
    %swap3A_208 = vector.shape_cast %swap3A_207 : vector<1x1x128x128xi8> to vector<128x128xi8>
    %swap3A_209 = vector.shape_cast %convert_element_type3A_202 : vector<128x128xi8> to vector<1x1x128x128xi8>
    tpu.vector_store %arg2[%swap3A_203, %swap3A_204, %swap3A_205, %swap3A_206], %swap3A_209 {strides = array<i32>} : memref<8x16x128x128xi8, #tpu.memory_space<vmem>>, vector<1x1x128x128xi8>,
    %add3A_210 = arith.addf %add3A_194, %convert_element_type3A_200 : vector<128x128xf32>
    %add3A_211 = arith.addf %sub3A_201, %exp3A_164 : vector<128x128xf32>
    %ge3A_212 = arith.constant 1.000000e+00 : f32
    %ge3A_213 = vector.broadcast %ge3A_212 : f32 to vector<128x128xf32>
    %ge3A_214 = arith.cmpf oge, %add3A_211, %ge3A_213 : vector<128x128xf32>
    %convert_element_type3A_215 = arith.extui %ge3A_214 : vector<128x128xi1> to vector<128x128xi32>
    %convert_element_type3A_216 = arith.sitofp %convert_element_type3A_215 : vector<128x128xi32> to vector<128x128xf32>
    %sub3A_217 = arith.subf %add3A_211, %convert_element_type3A_216 : vector<128x128xf32>
    %convert_element_type3A_218 = arith.fptosi %convert_element_type3A_216 : vector<128x128xf32> to vector<128x128xi8>
    %swap3A_219 = arith.constant 3 : index
    %swap3A_220 = arith.constant 1 : index
    %swap3A_221 = arith.constant 0 : index
    %swap3A_222 = arith.constant 0 : index
    %swap3A_223 = vector.load %arg2[%swap3A_219, %swap3A_220, %swap3A_221, %swap3A_222] : memref<8x16x128x128xi8, #tpu.memory_space<vmem>>, vector<1x1x128x128xi8>
    %swap3A_224 = vector.shape_cast %swap3A_223 : vector<1x1x128x128xi8> to vector<128x128xi8>
    %swap3A_225 = vector.shape_cast %convert_element_type3A_218 : vector<128x128xi8> to vector<1x1x128x128xi8>
    tpu.vector_store %arg2[%swap3A_219, %swap3A_220, %swap3A_221, %swap3A_222], %swap3A_225 {strides = array<i32>} : memref<8x16x128x128xi8, #tpu.memory_space<vmem>>, vector<1x1x128x128xi8>,
    %add3A_226 = arith.addf %add3A_210, %convert_element_type3A_216 : vector<128x128xf32>
    %add3A_227 = arith.addf %sub3A_217, %exp3A_164 : vector<128x128xf32>
    %ge3A_228 = arith.constant 1.000000e+00 : f32
    %ge3A_229 = vector.broadcast %ge3A_228 : f32 to vector<128x128xf32>
    %ge3A_230 = arith.cmpf oge, %add3A_227, %ge3A_229 : vector<128x128xf32>
    %convert_element_type3A_231 = arith.extui %ge3A_230 : vector<128x128xi1> to vector<128x128xi32>
    %convert_element_type3A_232 = arith.sitofp %convert_element_type3A_231 : vector<128x128xi32> to vector<128x128xf32>
    %sub3A_233 = arith.subf %add3A_227, %convert_element_type3A_232 : vector<128x128xf32>
    %convert_element_type3A_234 = arith.fptosi %convert_element_type3A_232 : vector<128x128xf32> to vector<128x128xi8>
    %swap3A_235 = arith.constant 4 : index
    %swap3A_236 = arith.constant 1 : index
    %swap3A_237 = arith.constant 0 : index
    %swap3A_238 = arith.constant 0 : index
    %swap3A_239 = vector.load %arg2[%swap3A_235, %swap3A_236, %swap3A_237, %swap3A_238] : memref<8x16x128x128xi8, #tpu.memory_space<vmem>>, vector<1x1x128x128xi8>
    %swap3A_240 = vector.shape_cast %swap3A_239 : vector<1x1x128x128xi8> to vector<128x128xi8>
    %swap3A_241 = vector.shape_cast %convert_element_type3A_234 : vector<128x128xi8> to vector<1x1x128x128xi8>
    tpu.vector_store %arg2[%swap3A_235, %swap3A_236, %swap3A_237, %swap3A_238], %swap3A_241 {strides = array<i32>} : memref<8x16x128x128xi8, #tpu.memory_space<vmem>>, vector<1x1x128x128xi8>,
    %add3A_242 = arith.addf %add3A_226, %convert_element_type3A_232 : vector<128x128xf32>
    %add3A_243 = arith.addf %sub3A_233, %exp3A_164 : vector<128x128xf32>
    %ge3A_244 = arith.constant 1.000000e+00 : f32
    %ge3A_245 = vector.broadcast %ge3A_244 : f32 to vector<128x128xf32>
    %ge3A_246 = arith.cmpf oge, %add3A_243, %ge3A_245 : vector<128x128xf32>
    %convert_element_type3A_247 = arith.extui %ge3A_246 : vector<128x128xi1> to vector<128x128xi32>
    %convert_element_type3A_248 = arith.sitofp %convert_element_type3A_247 : vector<128x128xi32> to vector<128x128xf32>
    %sub3A_249 = arith.subf %add3A_243, %convert_element_type3A_248 : vector<128x128xf32>
    %convert_element_type3A_250 = arith.fptosi %convert_element_type3A_248 : vector<128x128xf32> to vector<128x128xi8>
    %swap3A_251 = arith.constant 5 : index
    %swap3A_252 = arith.constant 1 : index
    %swap3A_253 = arith.constant 0 : index
    %swap3A_254 = arith.constant 0 : index
    %swap3A_255 = vector.load %arg2[%swap3A_251, %swap3A_252, %swap3A_253, %swap3A_254] : memref<8x16x128x128xi8, #tpu.memory_space<vmem>>, vector<1x1x128x128xi8>
    %swap3A_256 = vector.shape_cast %swap3A_255 : vector<1x1x128x128xi8> to vector<128x128xi8>
    %swap3A_257 = vector.shape_cast %convert_element_type3A_250 : vector<128x128xi8> to vector<1x1x128x128xi8>
    tpu.vector_store %arg2[%swap3A_251, %swap3A_252, %swap3A_253, %swap3A_254], %swap3A_257 {strides = array<i32>} : memref<8x16x128x128xi8, #tpu.memory_space<vmem>>, vector<1x1x128x128xi8>,
    %add3A_258 = arith.addf %add3A_242, %convert_element_type3A_248 : vector<128x128xf32>
    %add3A_259 = arith.addf %sub3A_249, %exp3A_164 : vector<128x128xf32>
    %ge3A_260 = arith.constant 1.000000e+00 : f32
    %ge3A_261 = vector.broadcast %ge3A_260 : f32 to vector<128x128xf32>
    %ge3A_262 = arith.cmpf oge, %add3A_259, %ge3A_261 : vector<128x128xf32>
    %convert_element_type3A_263 = arith.extui %ge3A_262 : vector<128x128xi1> to vector<128x128xi32>
    %convert_element_type3A_264 = arith.sitofp %convert_element_type3A_263 : vector<128x128xi32> to vector<128x128xf32>
    %sub3A_265 = arith.subf %add3A_259, %convert_element_type3A_264 : vector<128x128xf32>
    %convert_element_type3A_266 = arith.fptosi %convert_element_type3A_264 : vector<128x128xf32> to vector<128x128xi8>
    %swap3A_267 = arith.constant 6 : index
    %swap3A_268 = arith.constant 1 : index
    %swap3A_269 = arith.constant 0 : index
    %swap3A_270 = arith.constant 0 : index
    %swap3A_271 = vector.load %arg2[%swap3A_267, %swap3A_268, %swap3A_269, %swap3A_270] : memref<8x16x128x128xi8, #tpu.memory_space<vmem>>, vector<1x1x128x128xi8>
    %swap3A_272 = vector.shape_cast %swap3A_271 : vector<1x1x128x128xi8> to vector<128x128xi8>
    %swap3A_273 = vector.shape_cast %convert_element_type3A_266 : vector<128x128xi8> to vector<1x1x128x128xi8>
    tpu.vector_store %arg2[%swap3A_267, %swap3A_268, %swap3A_269, %swap3A_270], %swap3A_273 {strides = array<i32>} : memref<8x16x128x128xi8, #tpu.memory_space<vmem>>, vector<1x1x128x128xi8>,
    %add3A_274 = arith.addf %add3A_258, %convert_element_type3A_264 : vector<128x128xf32>
    %add3A_275 = arith.addf %sub3A_265, %exp3A_164 : vector<128x128xf32>
    %ge3A_276 = arith.constant 1.000000e+00 : f32
    %ge3A_277 = vector.broadcast %ge3A_276 : f32 to vector<128x128xf32>
    %ge3A_278 = arith.cmpf oge, %add3A_275, %ge3A_277 : vector<128x128xf32>
    %convert_element_type3A_279 = arith.extui %ge3A_278 : vector<128x128xi1> to vector<128x128xi32>
    %convert_element_type3A_280 = arith.sitofp %convert_element_type3A_279 : vector<128x128xi32> to vector<128x128xf32>
    %convert_element_type3A_281 = arith.fptosi %convert_element_type3A_280 : vector<128x128xf32> to vector<128x128xi8>
    %swap3A_282 = arith.constant 7 : index
    %swap3A_283 = arith.constant 1 : index
    %swap3A_284 = arith.constant 0 : index
    %swap3A_285 = arith.constant 0 : index
    %swap3A_286 = vector.load %arg2[%swap3A_282, %swap3A_283, %swap3A_284, %swap3A_285] : memref<8x16x128x128xi8, #tpu.memory_space<vmem>>, vector<1x1x128x128xi8>
    %swap3A_287 = vector.shape_cast %swap3A_286 : vector<1x1x128x128xi8> to vector<128x128xi8>
    %swap3A_288 = vector.shape_cast %convert_element_type3A_281 : vector<128x128xi8> to vector<1x1x128x128xi8>
    tpu.vector_store %arg2[%swap3A_282, %swap3A_283, %swap3A_284, %swap3A_285], %swap3A_288 {strides = array<i32>} : memref<8x16x128x128xi8, #tpu.memory_space<vmem>>, vector<1x1x128x128xi8>,
    %add3A_289 = arith.addf %add3A_274, %convert_element_type3A_280 : vector<128x128xf32>
    %mul3A_290 = arith.constant 1.250000e-01 : f32
    %mul3A_291 = vector.broadcast %mul3A_290 : f32 to vector<128x128xf32>
    %mul3A_292 = arith.mulf %add3A_289, %mul3A_291 : vector<128x128xf32>
    %swap3A_293 = arith.constant 1 : index
    %swap3A_294 = arith.constant 0 : index
    %swap3A_295 = arith.constant 0 : index
    %swap3A_296 = vector.load %arg3[%swap3A_293, %swap3A_294, %swap3A_295] : memref<16x128x128xf32, #tpu.memory_space<vmem>>, vector<1x128x128xf32>
    %swap3A_297 = vector.shape_cast %swap3A_296 : vector<1x128x128xf32> to vector<128x128xf32>
    %swap3A_298 = vector.shape_cast %mul3A_292 : vector<128x128xf32> to vector<1x128x128xf32>
    tpu.vector_store %arg3[%swap3A_293, %swap3A_294, %swap3A_295], %swap3A_298 {strides = array<i32>} : memref<16x128x128xf32, #tpu.memory_space<vmem>>, vector<1x128x128xf32>,
    %mul3A_299 = arith.constant 5.000000e-01 : f32
    %mul3A_300 = arith.mulf %mul3A_299, %get3A_4 : f32
    %add3A_301 = arith.addf %get3A_2, %mul3A_300 : f32
    %sub3A_302 = vector.broadcast %add3A_301 : f32 to vector<128x128xf32>
    %sub3A_303 = arith.subf %get3A_14, %sub3A_302 : vector<128x128xf32>
    %mul3A_304 = arith.mulf %sub3A_303, %sub3A_303 : vector<128x128xf32>
    %neg3A_305 = arith.constant 0.000000e+00 : f32
    %neg3A_306 = arith.subf %neg3A_305, %div3A_9 : f32
    %mul3A_307 = vector.broadcast %neg3A_306 : f32 to vector<128x128xf32>
    %mul3A_308 = arith.mulf %mul3A_304, %mul3A_307 : vector<128x128xf32>
    %exp3A_309 = math.exp %mul3A_308 : vector<128x128xf32>
    %ge3A_310 = arith.constant 1.000000e+00 : f32
    %ge3A_311 = vector.broadcast %ge3A_310 : f32 to vector<128x128xf32>
    %ge3A_312 = arith.cmpf oge, %exp3A_309, %ge3A_311 : vector<128x128xf32>
    %convert_element_type3A_313 = arith.extui %ge3A_312 : vector<128x128xi1> to vector<128x128xi32>
    %convert_element_type3A_314 = arith.sitofp %convert_element_type3A_313 : vector<128x128xi32> to vector<128x128xf32>
    %sub3A_315 = arith.subf %exp3A_309, %convert_element_type3A_314 : vector<128x128xf32>
    %convert_element_type3A_316 = arith.fptosi %convert_element_type3A_314 : vector<128x128xf32> to vector<128x128xi8>
    %swap3A_317 = arith.constant 0 : index
    %swap3A_318 = arith.constant 2 : index
    %swap3A_319 = arith.constant 0 : index
    %swap3A_320 = arith.constant 0 : index
    %swap3A_321 = vector.load %arg2[%swap3A_317, %swap3A_318, %swap3A_319, %swap3A_320] : memref<8x16x128x128xi8, #tpu.memory_space<vmem>>, vector<1x1x128x128xi8>
    %swap3A_322 = vector.shape_cast %swap3A_321 : vector<1x1x128x128xi8> to vector<128x128xi8>
    %swap3A_323 = vector.shape_cast %convert_element_type3A_316 : vector<128x128xi8> to vector<1x1x128x128xi8>
    tpu.vector_store %arg2[%swap3A_317, %swap3A_318, %swap3A_319, %swap3A_320], %swap3A_323 {strides = array<i32>} : memref<8x16x128x128xi8, #tpu.memory_space<vmem>>, vector<1x1x128x128xi8>,
    %add3A_324 = arith.addf %sub3A_315, %exp3A_309 : vector<128x128xf32>
    %ge3A_325 = arith.constant 1.000000e+00 : f32
    %ge3A_326 = vector.broadcast %ge3A_325 : f32 to vector<128x128xf32>
    %ge3A_327 = arith.cmpf oge, %add3A_324, %ge3A_326 : vector<128x128xf32>
    %convert_element_type3A_328 = arith.extui %ge3A_327 : vector<128x128xi1> to vector<128x128xi32>
    %convert_element_type3A_329 = arith.sitofp %convert_element_type3A_328 : vector<128x128xi32> to vector<128x128xf32>
    %sub3A_330 = arith.subf %add3A_324, %convert_element_type3A_329 : vector<128x128xf32>
    %convert_element_type3A_331 = arith.fptosi %convert_element_type3A_329 : vector<128x128xf32> to vector<128x128xi8>
    %swap3A_332 = arith.constant 1 : index
    %swap3A_333 = arith.constant 2 : index
    %swap3A_334 = arith.constant 0 : index
    %swap3A_335 = arith.constant 0 : index
    %swap3A_336 = vector.load %arg2[%swap3A_332, %swap3A_333, %swap3A_334, %swap3A_335] : memref<8x16x128x128xi8, #tpu.memory_space<vmem>>, vector<1x1x128x128xi8>
    %swap3A_337 = vector.shape_cast %swap3A_336 : vector<1x1x128x128xi8> to vector<128x128xi8>
    %swap3A_338 = vector.shape_cast %convert_element_type3A_331 : vector<128x128xi8> to vector<1x1x128x128xi8>
    tpu.vector_store %arg2[%swap3A_332, %swap3A_333, %swap3A_334, %swap3A_335], %swap3A_338 {strides = array<i32>} : memref<8x16x128x128xi8, #tpu.memory_space<vmem>>, vector<1x1x128x128xi8>,
    %add3A_339 = arith.addf %convert_element_type3A_314, %convert_element_type3A_329 : vector<128x128xf32>
    %add3A_340 = arith.addf %sub3A_330, %exp3A_309 : vector<128x128xf32>
    %ge3A_341 = arith.constant 1.000000e+00 : f32
    %ge3A_342 = vector.broadcast %ge3A_341 : f32 to vector<128x128xf32>
    %ge3A_343 = arith.cmpf oge, %add3A_340, %ge3A_342 : vector<128x128xf32>
    %convert_element_type3A_344 = arith.extui %ge3A_343 : vector<128x128xi1> to vector<128x128xi32>
    %convert_element_type3A_345 = arith.sitofp %convert_element_type3A_344 : vector<128x128xi32> to vector<128x128xf32>
    %sub3A_346 = arith.subf %add3A_340, %convert_element_type3A_345 : vector<128x128xf32>
    %convert_element_type3A_347 = arith.fptosi %convert_element_type3A_345 : vector<128x128xf32> to vector<128x128xi8>
    %swap3A_348 = arith.constant 2 : index
    %swap3A_349 = arith.constant 2 : index
    %swap3A_350 = arith.constant 0 : index
    %swap3A_351 = arith.constant 0 : index
    %swap3A_352 = vector.load %arg2[%swap3A_348, %swap3A_349, %swap3A_350, %swap3A_351] : memref<8x16x128x128xi8, #tpu.memory_space<vmem>>, vector<1x1x128x128xi8>
    %swap3A_353 = vector.shape_cast %swap3A_352 : vector<1x1x128x128xi8> to vector<128x128xi8>
    %swap3A_354 = vector.shape_cast %convert_element_type3A_347 : vector<128x128xi8> to vector<1x1x128x128xi8>
    tpu.vector_store %arg2[%swap3A_348, %swap3A_349, %swap3A_350, %swap3A_351], %swap3A_354 {strides = array<i32>} : memref<8x16x128x128xi8, #tpu.memory_space<vmem>>, vector<1x1x128x128xi8>,
    %add3A_355 = arith.addf %add3A_339, %convert_element_type3A_345 : vector<128x128xf32>
    %add3A_356 = arith.addf %sub3A_346, %exp3A_309 : vector<128x128xf32>
    %ge3A_357 = arith.constant 1.000000e+00 : f32
    %ge3A_358 = vector.broadcast %ge3A_357 : f32 to vector<128x128xf32>
    %ge3A_359 = arith.cmpf oge, %add3A_356, %ge3A_358 : vector<128x128xf32>
    %convert_element_type3A_360 = arith.extui %ge3A_359 : vector<128x128xi1> to vector<128x128xi32>
    %convert_element_type3A_361 = arith.sitofp %convert_element_type3A_360 : vector<128x128xi32> to vector<128x128xf32>
    %sub3A_362 = arith.subf %add3A_356, %convert_element_type3A_361 : vector<128x128xf32>
    %convert_element_type3A_363 = arith.fptosi %convert_element_type3A_361 : vector<128x128xf32> to vector<128x128xi8>
    %swap3A_364 = arith.constant 3 : index
    %swap3A_365 = arith.constant 2 : index
    %swap3A_366 = arith.constant 0 : index
    %swap3A_367 = arith.constant 0 : index
    %swap3A_368 = vector.load %arg2[%swap3A_364, %swap3A_365, %swap3A_366, %swap3A_367] : memref<8x16x128x128xi8, #tpu.memory_space<vmem>>, vector<1x1x128x128xi8>
    %swap3A_369 = vector.shape_cast %swap3A_368 : vector<1x1x128x128xi8> to vector<128x128xi8>
    %swap3A_370 = vector.shape_cast %convert_element_type3A_363 : vector<128x128xi8> to vector<1x1x128x128xi8>
    tpu.vector_store %arg2[%swap3A_364, %swap3A_365, %swap3A_366, %swap3A_367], %swap3A_370 {strides = array<i32>} : memref<8x16x128x128xi8, #tpu.memory_space<vmem>>, vector<1x1x128x128xi8>,
    %add3A_371 = arith.addf %add3A_355, %convert_element_type3A_361 : vector<128x128xf32>
    %add3A_372 = arith.addf %sub3A_362, %exp3A_309 : vector<128x128xf32>
    %ge3A_373 = arith.constant 1.000000e+00 : f32
    %ge3A_374 = vector.broadcast %ge3A_373 : f32 to vector<128x128xf32>
    %ge3A_375 = arith.cmpf oge, %add3A_372, %ge3A_374 : vector<128x128xf32>
    %convert_element_type3A_376 = arith.extui %ge3A_375 : vector<128x128xi1> to vector<128x128xi32>
    %convert_element_type3A_377 = arith.sitofp %convert_element_type3A_376 : vector<128x128xi32> to vector<128x128xf32>
    %sub3A_378 = arith.subf %add3A_372, %convert_element_type3A_377 : vector<128x128xf32>
    %convert_element_type3A_379 = arith.fptosi %convert_element_type3A_377 : vector<128x128xf32> to vector<128x128xi8>
    %swap3A_380 = arith.constant 4 : index
    %swap3A_381 = arith.constant 2 : index
    %swap3A_382 = arith.constant 0 : index
    %swap3A_383 = arith.constant 0 : index
    %swap3A_384 = vector.load %arg2[%swap3A_380, %swap3A_381, %swap3A_382, %swap3A_383] : memref<8x16x128x128xi8, #tpu.memory_space<vmem>>, vector<1x1x128x128xi8>
    %swap3A_385 = vector.shape_cast %swap3A_384 : vector<1x1x128x128xi8> to vector<128x128xi8>
    %swap3A_386 = vector.shape_cast %convert_element_type3A_379 : vector<128x128xi8> to vector<1x1x128x128xi8>
    tpu.vector_store %arg2[%swap3A_380, %swap3A_381, %swap3A_382, %swap3A_383], %swap3A_386 {strides = array<i32>} : memref<8x16x128x128xi8, #tpu.memory_space<vmem>>, vector<1x1x128x128xi8>,
    %add3A_387 = arith.addf %add3A_371, %convert_element_type3A_377 : vector<128x128xf32>
    %add3A_388 = arith.addf %sub3A_378, %exp3A_309 : vector<128x128xf32>
    %ge3A_389 = arith.constant 1.000000e+00 : f32
    %ge3A_390 = vector.broadcast %ge3A_389 : f32 to vector<128x128xf32>
    %ge3A_391 = arith.cmpf oge, %add3A_388, %ge3A_390 : vector<128x128xf32>
    %convert_element_type3A_392 = arith.extui %ge3A_391 : vector<128x128xi1> to vector<128x128xi32>
    %convert_element_type3A_393 = arith.sitofp %convert_element_type3A_392 : vector<128x128xi32> to vector<128x128xf32>
    %sub3A_394 = arith.subf %add3A_388, %convert_element_type3A_393 : vector<128x128xf32>
    %convert_element_type3A_395 = arith.fptosi %convert_element_type3A_393 : vector<128x128xf32> to vector<128x128xi8>
    %swap3A_396 = arith.constant 5 : index
    %swap3A_397 = arith.constant 2 : index
    %swap3A_398 = arith.constant 0 : index
    %swap3A_399 = arith.constant 0 : index
    %swap3A_400 = vector.load %arg2[%swap3A_396, %swap3A_397, %swap3A_398, %swap3A_399] : memref<8x16x128x128xi8, #tpu.memory_space<vmem>>, vector<1x1x128x128xi8>
    %swap3A_401 = vector.shape_cast %swap3A_400 : vector<1x1x128x128xi8> to vector<128x128xi8>
    %swap3A_402 = vector.shape_cast %convert_element_type3A_395 : vector<128x128xi8> to vector<1x1x128x128xi8>
    tpu.vector_store %arg2[%swap3A_396, %swap3A_397, %swap3A_398, %swap3A_399], %swap3A_402 {strides = array<i32>} : memref<8x16x128x128xi8, #tpu.memory_space<vmem>>, vector<1x1x128x128xi8>,
    %add3A_403 = arith.addf %add3A_387, %convert_element_type3A_393 : vector<128x128xf32>
    %add3A_404 = arith.addf %sub3A_394, %exp3A_309 : vector<128x128xf32>
    %ge3A_405 = arith.constant 1.000000e+00 : f32
    %ge3A_406 = vector.broadcast %ge3A_405 : f32 to vector<128x128xf32>
    %ge3A_407 = arith.cmpf oge, %add3A_404, %ge3A_406 : vector<128x128xf32>
    %convert_element_type3A_408 = arith.extui %ge3A_407 : vector<128x128xi1> to vector<128x128xi32>
    %convert_element_type3A_409 = arith.sitofp %convert_element_type3A_408 : vector<128x128xi32> to vector<128x128xf32>
    %sub3A_410 = arith.subf %add3A_404, %convert_element_type3A_409 : vector<128x128xf32>
    %convert_element_type3A_411 = arith.fptosi %convert_element_type3A_409 : vector<128x128xf32> to vector<128x128xi8>
    %swap3A_412 = arith.constant 6 : index
    %swap3A_413 = arith.constant 2 : index
    %swap3A_414 = arith.constant 0 : index
    %swap3A_415 = arith.constant 0 : index
    %swap3A_416 = vector.load %arg2[%swap3A_412, %swap3A_413, %swap3A_414, %swap3A_415] : memref<8x16x128x128xi8, #tpu.memory_space<vmem>>, vector<1x1x128x128xi8>
    %swap3A_417 = vector.shape_cast %swap3A_416 : vector<1x1x128x128xi8> to vector<128x128xi8>
    %swap3A_418 = vector.shape_cast %convert_element_type3A_411 : vector<128x128xi8> to vector<1x1x128x128xi8>
    tpu.vector_store %arg2[%swap3A_412, %swap3A_413, %swap3A_414, %swap3A_415], %swap3A_418 {strides = array<i32>} : memref<8x16x128x128xi8, #tpu.memory_space<vmem>>, vector<1x1x128x128xi8>,
    %add3A_419 = arith.addf %add3A_403, %convert_element_type3A_409 : vector<128x128xf32>
    %add3A_420 = arith.addf %sub3A_410, %exp3A_309 : vector<128x128xf32>
    %ge3A_421 = arith.constant 1.000000e+00 : f32
    %ge3A_422 = vector.broadcast %ge3A_421 : f32 to vector<128x128xf32>
    %ge3A_423 = arith.cmpf oge, %add3A_420, %ge3A_422 : vector<128x128xf32>
    %convert_element_type3A_424 = arith.extui %ge3A_423 : vector<128x128xi1> to vector<128x128xi32>
    %convert_element_type3A_425 = arith.sitofp %convert_element_type3A_424 : vector<128x128xi32> to vector<128x128xf32>
    %convert_element_type3A_426 = arith.fptosi %convert_element_type3A_425 : vector<128x128xf32> to vector<128x128xi8>
    %swap3A_427 = arith.constant 7 : index
    %swap3A_428 = arith.constant 2 : index
    %swap3A_429 = arith.constant 0 : index
    %swap3A_430 = arith.constant 0 : index
    %swap3A_431 = vector.load %arg2[%swap3A_427, %swap3A_428, %swap3A_429, %swap3A_430] : memref<8x16x128x128xi8, #tpu.memory_space<vmem>>, vector<1x1x128x128xi8>
    %swap3A_432 = vector.shape_cast %swap3A_431 : vector<1x1x128x128xi8> to vector<128x128xi8>
    %swap3A_433 = vector.shape_cast %convert_element_type3A_426 : vector<128x128xi8> to vector<1x1x128x128xi8>
    tpu.vector_store %arg2[%swap3A_427, %swap3A_428, %swap3A_429, %swap3A_430], %swap3A_433 {strides = array<i32>} : memref<8x16x128x128xi8, #tpu.memory_space<vmem>>, vector<1x1x128x128xi8>,
    %add3A_434 = arith.addf %add3A_419, %convert_element_type3A_425 : vector<128x128xf32>
    %mul3A_435 = arith.constant 1.250000e-01 : f32
    %mul3A_436 = vector.broadcast %mul3A_435 : f32 to vector<128x128xf32>
    %mul3A_437 = arith.mulf %add3A_434, %mul3A_436 : vector<128x128xf32>
    %swap3A_438 = arith.constant 2 : index
    %swap3A_439 = arith.constant 0 : index
    %swap3A_440 = arith.constant 0 : index
    %swap3A_441 = vector.load %arg3[%swap3A_438, %swap3A_439, %swap3A_440] : memref<16x128x128xf32, #tpu.memory_space<vmem>>, vector<1x128x128xf32>
    %swap3A_442 = vector.shape_cast %swap3A_441 : vector<1x128x128xf32> to vector<128x128xf32>
    %swap3A_443 = vector.shape_cast %mul3A_437 : vector<128x128xf32> to vector<1x128x128xf32>
    tpu.vector_store %arg3[%swap3A_438, %swap3A_439, %swap3A_440], %swap3A_443 {strides = array<i32>} : memref<16x128x128xf32, #tpu.memory_space<vmem>>, vector<1x128x128xf32>,
    %mul3A_444 = arith.constant 1.500000e+00 : f32
    %mul3A_445 = arith.mulf %mul3A_444, %get3A_4 : f32
    %add3A_446 = arith.addf %get3A_2, %mul3A_445 : f32
    %sub3A_447 = vector.broadcast %add3A_446 : f32 to vector<128x128xf32>
    %sub3A_448 = arith.subf %get3A_14, %sub3A_447 : vector<128x128xf32>
    %mul3A_449 = arith.mulf %sub3A_448, %sub3A_448 : vector<128x128xf32>
    %neg3A_450 = arith.constant 0.000000e+00 : f32
    %neg3A_451 = arith.subf %neg3A_450, %div3A_9 : f32
    %mul3A_452 = vector.broadcast %neg3A_451 : f32 to vector<128x128xf32>
    %mul3A_453 = arith.mulf %mul3A_449, %mul3A_452 : vector<128x128xf32>
    %exp3A_454 = math.exp %mul3A_453 : vector<128x128xf32>
    %ge3A_455 = arith.constant 1.000000e+00 : f32
    %ge3A_456 = vector.broadcast %ge3A_455 : f32 to vector<128x128xf32>
    %ge3A_457 = arith.cmpf oge, %exp3A_454, %ge3A_456 : vector<128x128xf32>
    %convert_element_type3A_458 = arith.extui %ge3A_457 : vector<128x128xi1> to vector<128x128xi32>
    %convert_element_type3A_459 = arith.sitofp %convert_element_type3A_458 : vector<128x128xi32> to vector<128x128xf32>
    %sub3A_460 = arith.subf %exp3A_454, %convert_element_type3A_459 : vector<128x128xf32>
    %convert_element_type3A_461 = arith.fptosi %convert_element_type3A_459 : vector<128x128xf32> to vector<128x128xi8>
    %swap3A_462 = arith.constant 0 : index
    %swap3A_463 = arith.constant 3 : index
    %swap3A_464 = arith.constant 0 : index
    %swap3A_465 = arith.constant 0 : index
    %swap3A_466 = vector.load %arg2[%swap3A_462, %swap3A_463, %swap3A_464, %swap3A_465] : memref<8x16x128x128xi8, #tpu.memory_space<vmem>>, vector<1x1x128x128xi8>
    %swap3A_467 = vector.shape_cast %swap3A_466 : vector<1x1x128x128xi8> to vector<128x128xi8>
    %swap3A_468 = vector.shape_cast %convert_element_type3A_461 : vector<128x128xi8> to vector<1x1x128x128xi8>
    tpu.vector_store %arg2[%swap3A_462, %swap3A_463, %swap3A_464, %swap3A_465], %swap3A_468 {strides = array<i32>} : memref<8x16x128x128xi8, #tpu.memory_space<vmem>>, vector<1x1x128x128xi8>,
    %add3A_469 = arith.addf %sub3A_460, %exp3A_454 : vector<128x128xf32>
    %ge3A_470 = arith.constant 1.000000e+00 : f32
    %ge3A_471 = vector.broadcast %ge3A_470 : f32 to vector<128x128xf32>
    %ge3A_472 = arith.cmpf oge, %add3A_469, %ge3A_471 : vector<128x128xf32>
    %convert_element_type3A_473 = arith.extui %ge3A_472 : vector<128x128xi1> to vector<128x128xi32>
    %convert_element_type3A_474 = arith.sitofp %convert_element_type3A_473 : vector<128x128xi32> to vector<128x128xf32>
    %sub3A_475 = arith.subf %add3A_469, %convert_element_type3A_474 : vector<128x128xf32>
    %convert_element_type3A_476 = arith.fptosi %convert_element_type3A_474 : vector<128x128xf32> to vector<128x128xi8>
    %swap3A_477 = arith.constant 1 : index
    %swap3A_478 = arith.constant 3 : index
    %swap3A_479 = arith.constant 0 : index
    %swap3A_480 = arith.constant 0 : index
    %swap3A_481 = vector.load %arg2[%swap3A_477, %swap3A_478, %swap3A_479, %swap3A_480] : memref<8x16x128x128xi8, #tpu.memory_space<vmem>>, vector<1x1x128x128xi8>
    %swap3A_482 = vector.shape_cast %swap3A_481 : vector<1x1x128x128xi8> to vector<128x128xi8>
    %swap3A_483 = vector.shape_cast %convert_element_type3A_476 : vector<128x128xi8> to vector<1x1x128x128xi8>
    tpu.vector_store %arg2[%swap3A_477, %swap3A_478, %swap3A_479, %swap3A_480], %swap3A_483 {strides = array<i32>} : memref<8x16x128x128xi8, #tpu.memory_space<vmem>>, vector<1x1x128x128xi8>,
    %add3A_484 = arith.addf %convert_element_type3A_459, %convert_element_type3A_474 : vector<128x128xf32>
    %add3A_485 = arith.addf %sub3A_475, %exp3A_454 : vector<128x128xf32>
    %ge3A_486 = arith.constant 1.000000e+00 : f32
    %ge3A_487 = vector.broadcast %ge3A_486 : f32 to vector<128x128xf32>
    %ge3A_488 = arith.cmpf oge, %add3A_485, %ge3A_487 : vector<128x128xf32>
    %convert_element_type3A_489 = arith.extui %ge3A_488 : vector<128x128xi1> to vector<128x128xi32>
    %convert_element_type3A_490 = arith.sitofp %convert_element_type3A_489 : vector<128x128xi32> to vector<128x128xf32>
    %sub3A_491 = arith.subf %add3A_485, %convert_element_type3A_490 : vector<128x128xf32>
    %convert_element_type3A_492 = arith.fptosi %convert_element_type3A_490 : vector<128x128xf32> to vector<128x128xi8>
    %swap3A_493 = arith.constant 2 : index
    %swap3A_494 = arith.constant 3 : index
    %swap3A_495 = arith.constant 0 : index
    %swap3A_496 = arith.constant 0 : index
    %swap3A_497 = vector.load %arg2[%swap3A_493, %swap3A_494, %swap3A_495, %swap3A_496] : memref<8x16x128x128xi8, #tpu.memory_space<vmem>>, vector<1x1x128x128xi8>
    %swap3A_498 = vector.shape_cast %swap3A_497 : vector<1x1x128x128xi8> to vector<128x128xi8>
    %swap3A_499 = vector.shape_cast %convert_element_type3A_492 : vector<128x128xi8> to vector<1x1x128x128xi8>
    tpu.vector_store %arg2[%swap3A_493, %swap3A_494, %swap3A_495, %swap3A_496], %swap3A_499 {strides = array<i32>} : memref<8x16x128x128xi8, #tpu.memory_space<vmem>>, vector<1x1x128x128xi8>,
    %add3A_500 = arith.addf %add3A_484, %convert_element_type3A_490 : vector<128x128xf32>
    %add3A_501 = arith.addf %sub3A_491, %exp3A_454 : vector<128x128xf32>
    %ge3A_502 = arith.constant 1.000000e+00 : f32
    %ge3A_503 = vector.broadcast %ge3A_502 : f32 to vector<128x128xf32>
    %ge3A_504 = arith.cmpf oge, %add3A_501, %ge3A_503 : vector<128x128xf32>
    %convert_element_type3A_505 = arith.extui %ge3A_504 : vector<128x128xi1> to vector<128x128xi32>
    %convert_element_type3A_506 = arith.sitofp %convert_element_type3A_505 : vector<128x128xi32> to vector<128x128xf32>
    %sub3A_507 = arith.subf %add3A_501, %convert_element_type3A_506 : vector<128x128xf32>
    %convert_element_type3A_508 = arith.fptosi %convert_element_type3A_506 : vector<128x128xf32> to vector<128x128xi8>
    %swap3A_509 = arith.constant 3 : index
    %swap3A_510 = arith.constant 3 : index
    %swap3A_511 = arith.constant 0 : index
    %swap3A_512 = arith.constant 0 : index
    %swap3A_513 = vector.load %arg2[%swap3A_509, %swap3A_510, %swap3A_511, %swap3A_512] : memref<8x16x128x128xi8, #tpu.memory_space<vmem>>, vector<1x1x128x128xi8>
    %swap3A_514 = vector.shape_cast %swap3A_513 : vector<1x1x128x128xi8> to vector<128x128xi8>
    %swap3A_515 = vector.shape_cast %convert_element_type3A_508 : vector<128x128xi8> to vector<1x1x128x128xi8>
    tpu.vector_store %arg2[%swap3A_509, %swap3A_510, %swap3A_511, %swap3A_512], %swap3A_515 {strides = array<i32>} : memref<8x16x128x128xi8, #tpu.memory_space<vmem>>, vector<1x1x128x128xi8>,
    %add3A_516 = arith.addf %add3A_500, %convert_element_type3A_506 : vector<128x128xf32>
    %add3A_517 = arith.addf %sub3A_507, %exp3A_454 : vector<128x128xf32>
    %ge3A_518 = arith.constant 1.000000e+00 : f32
    %ge3A_519 = vector.broadcast %ge3A_518 : f32 to vector<128x128xf32>
    %ge3A_520 = arith.cmpf oge, %add3A_517, %ge3A_519 : vector<128x128xf32>
    %convert_element_type3A_521 = arith.extui %ge3A_520 : vector<128x128xi1> to vector<128x128xi32>
    %convert_element_type3A_522 = arith.sitofp %convert_element_type3A_521 : vector<128x128xi32> to vector<128x128xf32>
    %sub3A_523 = arith.subf %add3A_517, %convert_element_type3A_522 : vector<128x128xf32>
    %convert_element_type3A_524 = arith.fptosi %convert_element_type3A_522 : vector<128x128xf32> to vector<128x128xi8>
    %swap3A_525 = arith.constant 4 : index
    %swap3A_526 = arith.constant 3 : index
    %swap3A_527 = arith.constant 0 : index
    %swap3A_528 = arith.constant 0 : index
    %swap3A_529 = vector.load %arg2[%swap3A_525, %swap3A_526, %swap3A_527, %swap3A_528] : memref<8x16x128x128xi8, #tpu.memory_space<vmem>>, vector<1x1x128x128xi8>
    %swap3A_530 = vector.shape_cast %swap3A_529 : vector<1x1x128x128xi8> to vector<128x128xi8>
    %swap3A_531 = vector.shape_cast %convert_element_type3A_524 : vector<128x128xi8> to vector<1x1x128x128xi8>
    tpu.vector_store %arg2[%swap3A_525, %swap3A_526, %swap3A_527, %swap3A_528], %swap3A_531 {strides = array<i32>} : memref<8x16x128x128xi8, #tpu.memory_space<vmem>>, vector<1x1x128x128xi8>,
    %add3A_532 = arith.addf %add3A_516, %convert_element_type3A_522 : vector<128x128xf32>
    %add3A_533 = arith.addf %sub3A_523, %exp3A_454 : vector<128x128xf32>
    %ge3A_534 = arith.constant 1.000000e+00 : f32
    %ge3A_535 = vector.broadcast %ge3A_534 : f32 to vector<128x128xf32>
    %ge3A_536 = arith.cmpf oge, %add3A_533, %ge3A_535 : vector<128x128xf32>
    %convert_element_type3A_537 = arith.extui %ge3A_536 : vector<128x128xi1> to vector<128x128xi32>
    %convert_element_type3A_538 = arith.sitofp %convert_element_type3A_537 : vector<128x128xi32> to vector<128x128xf32>
    %sub3A_539 = arith.subf %add3A_533, %convert_element_type3A_538 : vector<128x128xf32>
    %convert_element_type3A_540 = arith.fptosi %convert_element_type3A_538 : vector<128x128xf32> to vector<128x128xi8>
    %swap3A_541 = arith.constant 5 : index
    %swap3A_542 = arith.constant 3 : index
    %swap3A_543 = arith.constant 0 : index
    %swap3A_544 = arith.constant 0 : index
    %swap3A_545 = vector.load %arg2[%swap3A_541, %swap3A_542, %swap3A_543, %swap3A_544] : memref<8x16x128x128xi8, #tpu.memory_space<vmem>>, vector<1x1x128x128xi8>
    %swap3A_546 = vector.shape_cast %swap3A_545 : vector<1x1x128x128xi8> to vector<128x128xi8>
    %swap3A_547 = vector.shape_cast %convert_element_type3A_540 : vector<128x128xi8> to vector<1x1x128x128xi8>
    tpu.vector_store %arg2[%swap3A_541, %swap3A_542, %swap3A_543, %swap3A_544], %swap3A_547 {strides = array<i32>} : memref<8x16x128x128xi8, #tpu.memory_space<vmem>>, vector<1x1x128x128xi8>,
    %add3A_548 = arith.addf %add3A_532, %convert_element_type3A_538 : vector<128x128xf32>
    %add3A_549 = arith.addf %sub3A_539, %exp3A_454 : vector<128x128xf32>
    %ge3A_550 = arith.constant 1.000000e+00 : f32
    %ge3A_551 = vector.broadcast %ge3A_550 : f32 to vector<128x128xf32>
    %ge3A_552 = arith.cmpf oge, %add3A_549, %ge3A_551 : vector<128x128xf32>
    %convert_element_type3A_553 = arith.extui %ge3A_552 : vector<128x128xi1> to vector<128x128xi32>
    %convert_element_type3A_554 = arith.sitofp %convert_element_type3A_553 : vector<128x128xi32> to vector<128x128xf32>
    %sub3A_555 = arith.subf %add3A_549, %convert_element_type3A_554 : vector<128x128xf32>
    %convert_element_type3A_556 = arith.fptosi %convert_element_type3A_554 : vector<128x128xf32> to vector<128x128xi8>
    %swap3A_557 = arith.constant 6 : index
    %swap3A_558 = arith.constant 3 : index
    %swap3A_559 = arith.constant 0 : index
    %swap3A_560 = arith.constant 0 : index
    %swap3A_561 = vector.load %arg2[%swap3A_557, %swap3A_558, %swap3A_559, %swap3A_560] : memref<8x16x128x128xi8, #tpu.memory_space<vmem>>, vector<1x1x128x128xi8>
    %swap3A_562 = vector.shape_cast %swap3A_561 : vector<1x1x128x128xi8> to vector<128x128xi8>
    %swap3A_563 = vector.shape_cast %convert_element_type3A_556 : vector<128x128xi8> to vector<1x1x128x128xi8>
    tpu.vector_store %arg2[%swap3A_557, %swap3A_558, %swap3A_559, %swap3A_560], %swap3A_563 {strides = array<i32>} : memref<8x16x128x128xi8, #tpu.memory_space<vmem>>, vector<1x1x128x128xi8>,
    %add3A_564 = arith.addf %add3A_548, %convert_element_type3A_554 : vector<128x128xf32>
    %add3A_565 = arith.addf %sub3A_555, %exp3A_454 : vector<128x128xf32>
    %ge3A_566 = arith.constant 1.000000e+00 : f32
    %ge3A_567 = vector.broadcast %ge3A_566 : f32 to vector<128x128xf32>
    %ge3A_568 = arith.cmpf oge, %add3A_565, %ge3A_567 : vector<128x128xf32>
    %convert_element_type3A_569 = arith.extui %ge3A_568 : vector<128x128xi1> to vector<128x128xi32>
    %convert_element_type3A_570 = arith.sitofp %convert_element_type3A_569 : vector<128x128xi32> to vector<128x128xf32>
    %convert_element_type3A_571 = arith.fptosi %convert_element_type3A_570 : vector<128x128xf32> to vector<128x128xi8>
    %swap3A_572 = arith.constant 7 : index
    %swap3A_573 = arith.constant 3 : index
    %swap3A_574 = arith.constant 0 : index
    %swap3A_575 = arith.constant 0 : index
    %swap3A_576 = vector.load %arg2[%swap3A_572, %swap3A_573, %swap3A_574, %swap3A_575] : memref<8x16x128x128xi8, #tpu.memory_space<vmem>>, vector<1x1x128x128xi8>
    %swap3A_577 = vector.shape_cast %swap3A_576 : vector<1x1x128x128xi8> to vector<128x128xi8>
    %swap3A_578 = vector.shape_cast %convert_element_type3A_571 : vector<128x128xi8> to vector<1x1x128x128xi8>
    tpu.vector_store %arg2[%swap3A_572, %swap3A_573, %swap3A_574, %swap3A_575], %swap3A_578 {strides = array<i32>} : memref<8x16x128x128xi8, #tpu.memory_space<vmem>>, vector<1x1x128x128xi8>,
    %add3A_579 = arith.addf %add3A_564, %convert_element_type3A_570 : vector<128x128xf32>
    %mul3A_580 = arith.constant 1.250000e-01 : f32
    %mul3A_581 = vector.broadcast %mul3A_580 : f32 to vector<128x128xf32>
    %mul3A_582 = arith.mulf %add3A_579, %mul3A_581 : vector<128x128xf32>
    %swap3A_583 = arith.constant 3 : index
    %swap3A_584 = arith.constant 0 : index
    %swap3A_585 = arith.constant 0 : index
    %swap3A_586 = vector.load %arg3[%swap3A_583, %swap3A_584, %swap3A_585] : memref<16x128x128xf32, #tpu.memory_space<vmem>>, vector<1x128x128xf32>
    %swap3A_587 = vector.shape_cast %swap3A_586 : vector<1x128x128xf32> to vector<128x128xf32>
    %swap3A_588 = vector.shape_cast %mul3A_582 : vector<128x128xf32> to vector<1x128x128xf32>
    tpu.vector_store %arg3[%swap3A_583, %swap3A_584, %swap3A_585], %swap3A_588 {strides = array<i32>} : memref<16x128x128xf32, #tpu.memory_space<vmem>>, vector<1x128x128xf32>,
    %mul3A_589 = arith.constant 2.500000e+00 : f32
    %mul3A_590 = arith.mulf %mul3A_589, %get3A_4 : f32
    %add3A_591 = arith.addf %get3A_2, %mul3A_590 : f32
    %sub3A_592 = vector.broadcast %add3A_591 : f32 to vector<128x128xf32>
    %sub3A_593 = arith.subf %get3A_14, %sub3A_592 : vector<128x128xf32>
    %mul3A_594 = arith.mulf %sub3A_593, %sub3A_593 : vector<128x128xf32>
    %neg3A_595 = arith.constant 0.000000e+00 : f32
    %neg3A_596 = arith.subf %neg3A_595, %div3A_9 : f32
    %mul3A_597 = vector.broadcast %neg3A_596 : f32 to vector<128x128xf32>
    %mul3A_598 = arith.mulf %mul3A_594, %mul3A_597 : vector<128x128xf32>
    %exp3A_599 = math.exp %mul3A_598 : vector<128x128xf32>
    %ge3A_600 = arith.constant 1.000000e+00 : f32
    %ge3A_601 = vector.broadcast %ge3A_600 : f32 to vector<128x128xf32>
    %ge3A_602 = arith.cmpf oge, %exp3A_599, %ge3A_601 : vector<128x128xf32>
    %convert_element_type3A_603 = arith.extui %ge3A_602 : vector<128x128xi1> to vector<128x128xi32>
    %convert_element_type3A_604 = arith.sitofp %convert_element_type3A_603 : vector<128x128xi32> to vector<128x128xf32>
    %sub3A_605 = arith.subf %exp3A_599, %convert_element_type3A_604 : vector<128x128xf32>
    %convert_element_type3A_606 = arith.fptosi %convert_element_type3A_604 : vector<128x128xf32> to vector<128x128xi8>
    %swap3A_607 = arith.constant 0 : index
    %swap3A_608 = arith.constant 4 : index
    %swap3A_609 = arith.constant 0 : index
    %swap3A_610 = arith.constant 0 : index
    %swap3A_611 = vector.load %arg2[%swap3A_607, %swap3A_608, %swap3A_609, %swap3A_610] : memref<8x16x128x128xi8, #tpu.memory_space<vmem>>, vector<1x1x128x128xi8>
    %swap3A_612 = vector.shape_cast %swap3A_611 : vector<1x1x128x128xi8> to vector<128x128xi8>
    %swap3A_613 = vector.shape_cast %convert_element_type3A_606 : vector<128x128xi8> to vector<1x1x128x128xi8>
    tpu.vector_store %arg2[%swap3A_607, %swap3A_608, %swap3A_609, %swap3A_610], %swap3A_613 {strides = array<i32>} : memref<8x16x128x128xi8, #tpu.memory_space<vmem>>, vector<1x1x128x128xi8>,
    %add3A_614 = arith.addf %sub3A_605, %exp3A_599 : vector<128x128xf32>
    %ge3A_615 = arith.constant 1.000000e+00 : f32
    %ge3A_616 = vector.broadcast %ge3A_615 : f32 to vector<128x128xf32>
    %ge3A_617 = arith.cmpf oge, %add3A_614, %ge3A_616 : vector<128x128xf32>
    %convert_element_type3A_618 = arith.extui %ge3A_617 : vector<128x128xi1> to vector<128x128xi32>
    %convert_element_type3A_619 = arith.sitofp %convert_element_type3A_618 : vector<128x128xi32> to vector<128x128xf32>
    %sub3A_620 = arith.subf %add3A_614, %convert_element_type3A_619 : vector<128x128xf32>
    %convert_element_type3A_621 = arith.fptosi %convert_element_type3A_619 : vector<128x128xf32> to vector<128x128xi8>
    %swap3A_622 = arith.constant 1 : index
    %swap3A_623 = arith.constant 4 : index
    %swap3A_624 = arith.constant 0 : index
    %swap3A_625 = arith.constant 0 : index
    %swap3A_626 = vector.load %arg2[%swap3A_622, %swap3A_623, %swap3A_624, %swap3A_625] : memref<8x16x128x128xi8, #tpu.memory_space<vmem>>, vector<1x1x128x128xi8>
    %swap3A_627 = vector.shape_cast %swap3A_626 : vector<1x1x128x128xi8> to vector<128x128xi8>
    %swap3A_628 = vector.shape_cast %convert_element_type3A_621 : vector<128x128xi8> to vector<1x1x128x128xi8>
    tpu.vector_store %arg2[%swap3A_622, %swap3A_623, %swap3A_624, %swap3A_625], %swap3A_628 {strides = array<i32>} : memref<8x16x128x128xi8, #tpu.memory_space<vmem>>, vector<1x1x128x128xi8>,
    %add3A_629 = arith.addf %convert_element_type3A_604, %convert_element_type3A_619 : vector<128x128xf32>
    %add3A_630 = arith.addf %sub3A_620, %exp3A_599 : vector<128x128xf32>
    %ge3A_631 = arith.constant 1.000000e+00 : f32
    %ge3A_632 = vector.broadcast %ge3A_631 : f32 to vector<128x128xf32>
    %ge3A_633 = arith.cmpf oge, %add3A_630, %ge3A_632 : vector<128x128xf32>
    %convert_element_type3A_634 = arith.extui %ge3A_633 : vector<128x128xi1> to vector<128x128xi32>
    %convert_element_type3A_635 = arith.sitofp %convert_element_type3A_634 : vector<128x128xi32> to vector<128x128xf32>
    %sub3A_636 = arith.subf %add3A_630, %convert_element_type3A_635 : vector<128x128xf32>
    %convert_element_type3A_637 = arith.fptosi %convert_element_type3A_635 : vector<128x128xf32> to vector<128x128xi8>
    %swap3A_638 = arith.constant 2 : index
    %swap3A_639 = arith.constant 4 : index
    %swap3A_640 = arith.constant 0 : index
    %swap3A_641 = arith.constant 0 : index
    %swap3A_642 = vector.load %arg2[%swap3A_638, %swap3A_639, %swap3A_640, %swap3A_641] : memref<8x16x128x128xi8, #tpu.memory_space<vmem>>, vector<1x1x128x128xi8>
    %swap3A_643 = vector.shape_cast %swap3A_642 : vector<1x1x128x128xi8> to vector<128x128xi8>
    %swap3A_644 = vector.shape_cast %convert_element_type3A_637 : vector<128x128xi8> to vector<1x1x128x128xi8>
    tpu.vector_store %arg2[%swap3A_638, %swap3A_639, %swap3A_640, %swap3A_641], %swap3A_644 {strides = array<i32>} : memref<8x16x128x128xi8, #tpu.memory_space<vmem>>, vector<1x1x128x128xi8>,
    %add3A_645 = arith.addf %add3A_629, %convert_element_type3A_635 : vector<128x128xf32>
    %add3A_646 = arith.addf %sub3A_636, %exp3A_599 : vector<128x128xf32>
    %ge3A_647 = arith.constant 1.000000e+00 : f32
    %ge3A_648 = vector.broadcast %ge3A_647 : f32 to vector<128x128xf32>
    %ge3A_649 = arith.cmpf oge, %add3A_646, %ge3A_648 : vector<128x128xf32>
    %convert_element_type3A_650 = arith.extui %ge3A_649 : vector<128x128xi1> to vector<128x128xi32>
    %convert_element_type3A_651 = arith.sitofp %convert_element_type3A_650 : vector<128x128xi32> to vector<128x128xf32>
    %sub3A_652 = arith.subf %add3A_646, %convert_element_type3A_651 : vector<128x128xf32>
    %convert_element_type3A_653 = arith.fptosi %convert_element_type3A_651 : vector<128x128xf32> to vector<128x128xi8>
    %swap3A_654 = arith.constant 3 : index
    %swap3A_655 = arith.constant 4 : index
    %swap3A_656 = arith.constant 0 : index
    %swap3A_657 = arith.constant 0 : index
    %swap3A_658 = vector.load %arg2[%swap3A_654, %swap3A_655, %swap3A_656, %swap3A_657] : memref<8x16x128x128xi8, #tpu.memory_space<vmem>>, vector<1x1x128x128xi8>
    %swap3A_659 = vector.shape_cast %swap3A_658 : vector<1x1x128x128xi8> to vector<128x128xi8>
    %swap3A_660 = vector.shape_cast %convert_element_type3A_653 : vector<128x128xi8> to vector<1x1x128x128xi8>
    tpu.vector_store %arg2[%swap3A_654, %swap3A_655, %swap3A_656, %swap3A_657], %swap3A_660 {strides = array<i32>} : memref<8x16x128x128xi8, #tpu.memory_space<vmem>>, vector<1x1x128x128xi8>,
    %add3A_661 = arith.addf %add3A_645, %convert_element_type3A_651 : vector<128x128xf32>
    %add3A_662 = arith.addf %sub3A_652, %exp3A_599 : vector<128x128xf32>
    %ge3A_663 = arith.constant 1.000000e+00 : f32
    %ge3A_664 = vector.broadcast %ge3A_663 : f32 to vector<128x128xf32>
    %ge3A_665 = arith.cmpf oge, %add3A_662, %ge3A_664 : vector<128x128xf32>
    %convert_element_type3A_666 = arith.extui %ge3A_665 : vector<128x128xi1> to vector<128x128xi32>
    %convert_element_type3A_667 = arith.sitofp %convert_element_type3A_666 : vector<128x128xi32> to vector<128x128xf32>
    %sub3A_668 = arith.subf %add3A_662, %convert_element_type3A_667 : vector<128x128xf32>
    %convert_element_type3A_669 = arith.fptosi %convert_element_type3A_667 : vector<128x128xf32> to vector<128x128xi8>
    %swap3A_670 = arith.constant 4 : index
    %swap3A_671 = arith.constant 4 : index
    %swap3A_672 = arith.constant 0 : index
    %swap3A_673 = arith.constant 0 : index
    %swap3A_674 = vector.load %arg2[%swap3A_670, %swap3A_671, %swap3A_672, %swap3A_673] : memref<8x16x128x128xi8, #tpu.memory_space<vmem>>, vector<1x1x128x128xi8>
    %swap3A_675 = vector.shape_cast %swap3A_674 : vector<1x1x128x128xi8> to vector<128x128xi8>
    %swap3A_676 = vector.shape_cast %convert_element_type3A_669 : vector<128x128xi8> to vector<1x1x128x128xi8>
    tpu.vector_store %arg2[%swap3A_670, %swap3A_671, %swap3A_672, %swap3A_673], %swap3A_676 {strides = array<i32>} : memref<8x16x128x128xi8, #tpu.memory_space<vmem>>, vector<1x1x128x128xi8>,
    %add3A_677 = arith.addf %add3A_661, %convert_element_type3A_667 : vector<128x128xf32>
    %add3A_678 = arith.addf %sub3A_668, %exp3A_599 : vector<128x128xf32>
    %ge3A_679 = arith.constant 1.000000e+00 : f32
    %ge3A_680 = vector.broadcast %ge3A_679 : f32 to vector<128x128xf32>
    %ge3A_681 = arith.cmpf oge, %add3A_678, %ge3A_680 : vector<128x128xf32>
    %convert_element_type3A_682 = arith.extui %ge3A_681 : vector<128x128xi1> to vector<128x128xi32>
    %convert_element_type3A_683 = arith.sitofp %convert_element_type3A_682 : vector<128x128xi32> to vector<128x128xf32>
    %sub3A_684 = arith.subf %add3A_678, %convert_element_type3A_683 : vector<128x128xf32>
    %convert_element_type3A_685 = arith.fptosi %convert_element_type3A_683 : vector<128x128xf32> to vector<128x128xi8>
    %swap3A_686 = arith.constant 5 : index
    %swap3A_687 = arith.constant 4 : index
    %swap3A_688 = arith.constant 0 : index
    %swap3A_689 = arith.constant 0 : index
    %swap3A_690 = vector.load %arg2[%swap3A_686, %swap3A_687, %swap3A_688, %swap3A_689] : memref<8x16x128x128xi8, #tpu.memory_space<vmem>>, vector<1x1x128x128xi8>
    %swap3A_691 = vector.shape_cast %swap3A_690 : vector<1x1x128x128xi8> to vector<128x128xi8>
    %swap3A_692 = vector.shape_cast %convert_element_type3A_685 : vector<128x128xi8> to vector<1x1x128x128xi8>
    tpu.vector_store %arg2[%swap3A_686, %swap3A_687, %swap3A_688, %swap3A_689], %swap3A_692 {strides = array<i32>} : memref<8x16x128x128xi8, #tpu.memory_space<vmem>>, vector<1x1x128x128xi8>,
    %add3A_693 = arith.addf %add3A_677, %convert_element_type3A_683 : vector<128x128xf32>
    %add3A_694 = arith.addf %sub3A_684, %exp3A_599 : vector<128x128xf32>
    %ge3A_695 = arith.constant 1.000000e+00 : f32
    %ge3A_696 = vector.broadcast %ge3A_695 : f32 to vector<128x128xf32>
    %ge3A_697 = arith.cmpf oge, %add3A_694, %ge3A_696 : vector<128x128xf32>
    %convert_element_type3A_698 = arith.extui %ge3A_697 : vector<128x128xi1> to vector<128x128xi32>
    %convert_element_type3A_699 = arith.sitofp %convert_element_type3A_698 : vector<128x128xi32> to vector<128x128xf32>
    %sub3A_700 = arith.subf %add3A_694, %convert_element_type3A_699 : vector<128x128xf32>
    %convert_element_type3A_701 = arith.fptosi %convert_element_type3A_699 : vector<128x128xf32> to vector<128x128xi8>
    %swap3A_702 = arith.constant 6 : index
    %swap3A_703 = arith.constant 4 : index
    %swap3A_704 = arith.constant 0 : index
    %swap3A_705 = arith.constant 0 : index
    %swap3A_706 = vector.load %arg2[%swap3A_702, %swap3A_703, %swap3A_704, %swap3A_705] : memref<8x16x128x128xi8, #tpu.memory_space<vmem>>, vector<1x1x128x128xi8>
    %swap3A_707 = vector.shape_cast %swap3A_706 : vector<1x1x128x128xi8> to vector<128x128xi8>
    %swap3A_708 = vector.shape_cast %convert_element_type3A_701 : vector<128x128xi8> to vector<1x1x128x128xi8>
    tpu.vector_store %arg2[%swap3A_702, %swap3A_703, %swap3A_704, %swap3A_705], %swap3A_708 {strides = array<i32>} : memref<8x16x128x128xi8, #tpu.memory_space<vmem>>, vector<1x1x128x128xi8>,
    %add3A_709 = arith.addf %add3A_693, %convert_element_type3A_699 : vector<128x128xf32>
    %add3A_710 = arith.addf %sub3A_700, %exp3A_599 : vector<128x128xf32>
    %ge3A_711 = arith.constant 1.000000e+00 : f32
    %ge3A_712 = vector.broadcast %ge3A_711 : f32 to vector<128x128xf32>
    %ge3A_713 = arith.cmpf oge, %add3A_710, %ge3A_712 : vector<128x128xf32>
    %convert_element_type3A_714 = arith.extui %ge3A_713 : vector<128x128xi1> to vector<128x128xi32>
    %convert_element_type3A_715 = arith.sitofp %convert_element_type3A_714 : vector<128x128xi32> to vector<128x128xf32>
    %convert_element_type3A_716 = arith.fptosi %convert_element_type3A_715 : vector<128x128xf32> to vector<128x128xi8>
    %swap3A_717 = arith.constant 7 : index
    %swap3A_718 = arith.constant 4 : index
    %swap3A_719 = arith.constant 0 : index
    %swap3A_720 = arith.constant 0 : index
    %swap3A_721 = vector.load %arg2[%swap3A_717, %swap3A_718, %swap3A_719, %swap3A_720] : memref<8x16x128x128xi8, #tpu.memory_space<vmem>>, vector<1x1x128x128xi8>
    %swap3A_722 = vector.shape_cast %swap3A_721 : vector<1x1x128x128xi8> to vector<128x128xi8>
    %swap3A_723 = vector.shape_cast %convert_element_type3A_716 : vector<128x128xi8> to vector<1x1x128x128xi8>
    tpu.vector_store %arg2[%swap3A_717, %swap3A_718, %swap3A_719, %swap3A_720], %swap3A_723 {strides = array<i32>} : memref<8x16x128x128xi8, #tpu.memory_space<vmem>>, vector<1x1x128x128xi8>,
    %add3A_724 = arith.addf %add3A_709, %convert_element_type3A_715 : vector<128x128xf32>
    %mul3A_725 = arith.constant 1.250000e-01 : f32
    %mul3A_726 = vector.broadcast %mul3A_725 : f32 to vector<128x128xf32>
    %mul3A_727 = arith.mulf %add3A_724, %mul3A_726 : vector<128x128xf32>
    %swap3A_728 = arith.constant 4 : index
    %swap3A_729 = arith.constant 0 : index
    %swap3A_730 = arith.constant 0 : index
    %swap3A_731 = vector.load %arg3[%swap3A_728, %swap3A_729, %swap3A_730] : memref<16x128x128xf32, #tpu.memory_space<vmem>>, vector<1x128x128xf32>
    %swap3A_732 = vector.shape_cast %swap3A_731 : vector<1x128x128xf32> to vector<128x128xf32>
    %swap3A_733 = vector.shape_cast %mul3A_727 : vector<128x128xf32> to vector<1x128x128xf32>
    tpu.vector_store %arg3[%swap3A_728, %swap3A_729, %swap3A_730], %swap3A_733 {strides = array<i32>} : memref<16x128x128xf32, #tpu.memory_space<vmem>>, vector<1x128x128xf32>,
    %mul3A_734 = arith.constant 3.500000e+00 : f32
    %mul3A_735 = arith.mulf %mul3A_734, %get3A_4 : f32
    %add3A_736 = arith.addf %get3A_2, %mul3A_735 : f32
    %sub3A_737 = vector.broadcast %add3A_736 : f32 to vector<128x128xf32>
    %sub3A_738 = arith.subf %get3A_14, %sub3A_737 : vector<128x128xf32>
    %mul3A_739 = arith.mulf %sub3A_738, %sub3A_738 : vector<128x128xf32>
    %neg3A_740 = arith.constant 0.000000e+00 : f32
    %neg3A_741 = arith.subf %neg3A_740, %div3A_9 : f32
    %mul3A_742 = vector.broadcast %neg3A_741 : f32 to vector<128x128xf32>
    %mul3A_743 = arith.mulf %mul3A_739, %mul3A_742 : vector<128x128xf32>
    %exp3A_744 = math.exp %mul3A_743 : vector<128x128xf32>
    %ge3A_745 = arith.constant 1.000000e+00 : f32
    %ge3A_746 = vector.broadcast %ge3A_745 : f32 to vector<128x128xf32>
    %ge3A_747 = arith.cmpf oge, %exp3A_744, %ge3A_746 : vector<128x128xf32>
    %convert_element_type3A_748 = arith.extui %ge3A_747 : vector<128x128xi1> to vector<128x128xi32>
    %convert_element_type3A_749 = arith.sitofp %convert_element_type3A_748 : vector<128x128xi32> to vector<128x128xf32>
    %sub3A_750 = arith.subf %exp3A_744, %convert_element_type3A_749 : vector<128x128xf32>
    %convert_element_type3A_751 = arith.fptosi %convert_element_type3A_749 : vector<128x128xf32> to vector<128x128xi8>
    %swap3A_752 = arith.constant 0 : index
    %swap3A_753 = arith.constant 5 : index
    %swap3A_754 = arith.constant 0 : index
    %swap3A_755 = arith.constant 0 : index
    %swap3A_756 = vector.load %arg2[%swap3A_752, %swap3A_753, %swap3A_754, %swap3A_755] : memref<8x16x128x128xi8, #tpu.memory_space<vmem>>, vector<1x1x128x128xi8>
    %swap3A_757 = vector.shape_cast %swap3A_756 : vector<1x1x128x128xi8> to vector<128x128xi8>
    %swap3A_758 = vector.shape_cast %convert_element_type3A_751 : vector<128x128xi8> to vector<1x1x128x128xi8>
    tpu.vector_store %arg2[%swap3A_752, %swap3A_753, %swap3A_754, %swap3A_755], %swap3A_758 {strides = array<i32>} : memref<8x16x128x128xi8, #tpu.memory_space<vmem>>, vector<1x1x128x128xi8>,
    %add3A_759 = arith.addf %sub3A_750, %exp3A_744 : vector<128x128xf32>
    %ge3A_760 = arith.constant 1.000000e+00 : f32
    %ge3A_761 = vector.broadcast %ge3A_760 : f32 to vector<128x128xf32>
    %ge3A_762 = arith.cmpf oge, %add3A_759, %ge3A_761 : vector<128x128xf32>
    %convert_element_type3A_763 = arith.extui %ge3A_762 : vector<128x128xi1> to vector<128x128xi32>
    %convert_element_type3A_764 = arith.sitofp %convert_element_type3A_763 : vector<128x128xi32> to vector<128x128xf32>
    %sub3A_765 = arith.subf %add3A_759, %convert_element_type3A_764 : vector<128x128xf32>
    %convert_element_type3A_766 = arith.fptosi %convert_element_type3A_764 : vector<128x128xf32> to vector<128x128xi8>
    %swap3A_767 = arith.constant 1 : index
    %swap3A_768 = arith.constant 5 : index
    %swap3A_769 = arith.constant 0 : index
    %swap3A_770 = arith.constant 0 : index
    %swap3A_771 = vector.load %arg2[%swap3A_767, %swap3A_768, %swap3A_769, %swap3A_770] : memref<8x16x128x128xi8, #tpu.memory_space<vmem>>, vector<1x1x128x128xi8>
    %swap3A_772 = vector.shape_cast %swap3A_771 : vector<1x1x128x128xi8> to vector<128x128xi8>
    %swap3A_773 = vector.shape_cast %convert_element_type3A_766 : vector<128x128xi8> to vector<1x1x128x128xi8>
    tpu.vector_store %arg2[%swap3A_767, %swap3A_768, %swap3A_769, %swap3A_770], %swap3A_773 {strides = array<i32>} : memref<8x16x128x128xi8, #tpu.memory_space<vmem>>, vector<1x1x128x128xi8>,
    %add3A_774 = arith.addf %convert_element_type3A_749, %convert_element_type3A_764 : vector<128x128xf32>
    %add3A_775 = arith.addf %sub3A_765, %exp3A_744 : vector<128x128xf32>
    %ge3A_776 = arith.constant 1.000000e+00 : f32
    %ge3A_777 = vector.broadcast %ge3A_776 : f32 to vector<128x128xf32>
    %ge3A_778 = arith.cmpf oge, %add3A_775, %ge3A_777 : vector<128x128xf32>
    %convert_element_type3A_779 = arith.extui %ge3A_778 : vector<128x128xi1> to vector<128x128xi32>
    %convert_element_type3A_780 = arith.sitofp %convert_element_type3A_779 : vector<128x128xi32> to vector<128x128xf32>
    %sub3A_781 = arith.subf %add3A_775, %convert_element_type3A_780 : vector<128x128xf32>
    %convert_element_type3A_782 = arith.fptosi %convert_element_type3A_780 : vector<128x128xf32> to vector<128x128xi8>
    %swap3A_783 = arith.constant 2 : index
    %swap3A_784 = arith.constant 5 : index
    %swap3A_785 = arith.constant 0 : index
    %swap3A_786 = arith.constant 0 : index
    %swap3A_787 = vector.load %arg2[%swap3A_783, %swap3A_784, %swap3A_785, %swap3A_786] : memref<8x16x128x128xi8, #tpu.memory_space<vmem>>, vector<1x1x128x128xi8>
    %swap3A_788 = vector.shape_cast %swap3A_787 : vector<1x1x128x128xi8> to vector<128x128xi8>
    %swap3A_789 = vector.shape_cast %convert_element_type3A_782 : vector<128x128xi8> to vector<1x1x128x128xi8>
    tpu.vector_store %arg2[%swap3A_783, %swap3A_784, %swap3A_785, %swap3A_786], %swap3A_789 {strides = array<i32>} : memref<8x16x128x128xi8, #tpu.memory_space<vmem>>, vector<1x1x128x128xi8>,
    %add3A_790 = arith.addf %add3A_774, %convert_element_type3A_780 : vector<128x128xf32>
    %add3A_791 = arith.addf %sub3A_781, %exp3A_744 : vector<128x128xf32>
    %ge3A_792 = arith.constant 1.000000e+00 : f32
    %ge3A_793 = vector.broadcast %ge3A_792 : f32 to vector<128x128xf32>
    %ge3A_794 = arith.cmpf oge, %add3A_791, %ge3A_793 : vector<128x128xf32>
    %convert_element_type3A_795 = arith.extui %ge3A_794 : vector<128x128xi1> to vector<128x128xi32>
    %convert_element_type3A_796 = arith.sitofp %convert_element_type3A_795 : vector<128x128xi32> to vector<128x128xf32>
    %sub3A_797 = arith.subf %add3A_791, %convert_element_type3A_796 : vector<128x128xf32>
    %convert_element_type3A_798 = arith.fptosi %convert_element_type3A_796 : vector<128x128xf32> to vector<128x128xi8>
    %swap3A_799 = arith.constant 3 : index
    %swap3A_800 = arith.constant 5 : index
    %swap3A_801 = arith.constant 0 : index
    %swap3A_802 = arith.constant 0 : index
    %swap3A_803 = vector.load %arg2[%swap3A_799, %swap3A_800, %swap3A_801, %swap3A_802] : memref<8x16x128x128xi8, #tpu.memory_space<vmem>>, vector<1x1x128x128xi8>
    %swap3A_804 = vector.shape_cast %swap3A_803 : vector<1x1x128x128xi8> to vector<128x128xi8>
    %swap3A_805 = vector.shape_cast %convert_element_type3A_798 : vector<128x128xi8> to vector<1x1x128x128xi8>
    tpu.vector_store %arg2[%swap3A_799, %swap3A_800, %swap3A_801, %swap3A_802], %swap3A_805 {strides = array<i32>} : memref<8x16x128x128xi8, #tpu.memory_space<vmem>>, vector<1x1x128x128xi8>,
    %add3A_806 = arith.addf %add3A_790, %convert_element_type3A_796 : vector<128x128xf32>
    %add3A_807 = arith.addf %sub3A_797, %exp3A_744 : vector<128x128xf32>
    %ge3A_808 = arith.constant 1.000000e+00 : f32
    %ge3A_809 = vector.broadcast %ge3A_808 : f32 to vector<128x128xf32>
    %ge3A_810 = arith.cmpf oge, %add3A_807, %ge3A_809 : vector<128x128xf32>
    %convert_element_type3A_811 = arith.extui %ge3A_810 : vector<128x128xi1> to vector<128x128xi32>
    %convert_element_type3A_812 = arith.sitofp %convert_element_type3A_811 : vector<128x128xi32> to vector<128x128xf32>
    %sub3A_813 = arith.subf %add3A_807, %convert_element_type3A_812 : vector<128x128xf32>
    %convert_element_type3A_814 = arith.fptosi %convert_element_type3A_812 : vector<128x128xf32> to vector<128x128xi8>
    %swap3A_815 = arith.constant 4 : index
    %swap3A_816 = arith.constant 5 : index
    %swap3A_817 = arith.constant 0 : index
    %swap3A_818 = arith.constant 0 : index
    %swap3A_819 = vector.load %arg2[%swap3A_815, %swap3A_816, %swap3A_817, %swap3A_818] : memref<8x16x128x128xi8, #tpu.memory_space<vmem>>, vector<1x1x128x128xi8>
    %swap3A_820 = vector.shape_cast %swap3A_819 : vector<1x1x128x128xi8> to vector<128x128xi8>
    %swap3A_821 = vector.shape_cast %convert_element_type3A_814 : vector<128x128xi8> to vector<1x1x128x128xi8>
    tpu.vector_store %arg2[%swap3A_815, %swap3A_816, %swap3A_817, %swap3A_818], %swap3A_821 {strides = array<i32>} : memref<8x16x128x128xi8, #tpu.memory_space<vmem>>, vector<1x1x128x128xi8>,
    %add3A_822 = arith.addf %add3A_806, %convert_element_type3A_812 : vector<128x128xf32>
    %add3A_823 = arith.addf %sub3A_813, %exp3A_744 : vector<128x128xf32>
    %ge3A_824 = arith.constant 1.000000e+00 : f32
    %ge3A_825 = vector.broadcast %ge3A_824 : f32 to vector<128x128xf32>
    %ge3A_826 = arith.cmpf oge, %add3A_823, %ge3A_825 : vector<128x128xf32>
    %convert_element_type3A_827 = arith.extui %ge3A_826 : vector<128x128xi1> to vector<128x128xi32>
    %convert_element_type3A_828 = arith.sitofp %convert_element_type3A_827 : vector<128x128xi32> to vector<128x128xf32>
    %sub3A_829 = arith.subf %add3A_823, %convert_element_type3A_828 : vector<128x128xf32>
    %convert_element_type3A_830 = arith.fptosi %convert_element_type3A_828 : vector<128x128xf32> to vector<128x128xi8>
    %swap3A_831 = arith.constant 5 : index
    %swap3A_832 = arith.constant 5 : index
    %swap3A_833 = arith.constant 0 : index
    %swap3A_834 = arith.constant 0 : index
    %swap3A_835 = vector.load %arg2[%swap3A_831, %swap3A_832, %swap3A_833, %swap3A_834] : memref<8x16x128x128xi8, #tpu.memory_space<vmem>>, vector<1x1x128x128xi8>
    %swap3A_836 = vector.shape_cast %swap3A_835 : vector<1x1x128x128xi8> to vector<128x128xi8>
    %swap3A_837 = vector.shape_cast %convert_element_type3A_830 : vector<128x128xi8> to vector<1x1x128x128xi8>
    tpu.vector_store %arg2[%swap3A_831, %swap3A_832, %swap3A_833, %swap3A_834], %swap3A_837 {strides = array<i32>} : memref<8x16x128x128xi8, #tpu.memory_space<vmem>>, vector<1x1x128x128xi8>,
    %add3A_838 = arith.addf %add3A_822, %convert_element_type3A_828 : vector<128x128xf32>
    %add3A_839 = arith.addf %sub3A_829, %exp3A_744 : vector<128x128xf32>
    %ge3A_840 = arith.constant 1.000000e+00 : f32
    %ge3A_841 = vector.broadcast %ge3A_840 : f32 to vector<128x128xf32>
    %ge3A_842 = arith.cmpf oge, %add3A_839, %ge3A_841 : vector<128x128xf32>
    %convert_element_type3A_843 = arith.extui %ge3A_842 : vector<128x128xi1> to vector<128x128xi32>
    %convert_element_type3A_844 = arith.sitofp %convert_element_type3A_843 : vector<128x128xi32> to vector<128x128xf32>
    %sub3A_845 = arith.subf %add3A_839, %convert_element_type3A_844 : vector<128x128xf32>
    %convert_element_type3A_846 = arith.fptosi %convert_element_type3A_844 : vector<128x128xf32> to vector<128x128xi8>
    %swap3A_847 = arith.constant 6 : index
    %swap3A_848 = arith.constant 5 : index
    %swap3A_849 = arith.constant 0 : index
    %swap3A_850 = arith.constant 0 : index
    %swap3A_851 = vector.load %arg2[%swap3A_847, %swap3A_848, %swap3A_849, %swap3A_850] : memref<8x16x128x128xi8, #tpu.memory_space<vmem>>, vector<1x1x128x128xi8>
    %swap3A_852 = vector.shape_cast %swap3A_851 : vector<1x1x128x128xi8> to vector<128x128xi8>
    %swap3A_853 = vector.shape_cast %convert_element_type3A_846 : vector<128x128xi8> to vector<1x1x128x128xi8>
    tpu.vector_store %arg2[%swap3A_847, %swap3A_848, %swap3A_849, %swap3A_850], %swap3A_853 {strides = array<i32>} : memref<8x16x128x128xi8, #tpu.memory_space<vmem>>, vector<1x1x128x128xi8>,
    %add3A_854 = arith.addf %add3A_838, %convert_element_type3A_844 : vector<128x128xf32>
    %add3A_855 = arith.addf %sub3A_845, %exp3A_744 : vector<128x128xf32>
    %ge3A_856 = arith.constant 1.000000e+00 : f32
    %ge3A_857 = vector.broadcast %ge3A_856 : f32 to vector<128x128xf32>
    %ge3A_858 = arith.cmpf oge, %add3A_855, %ge3A_857 : vector<128x128xf32>
    %convert_element_type3A_859 = arith.extui %ge3A_858 : vector<128x128xi1> to vector<128x128xi32>
    %convert_element_type3A_860 = arith.sitofp %convert_element_type3A_859 : vector<128x128xi32> to vector<128x128xf32>
    %convert_element_type3A_861 = arith.fptosi %convert_element_type3A_860 : vector<128x128xf32> to vector<128x128xi8>
    %swap3A_862 = arith.constant 7 : index
    %swap3A_863 = arith.constant 5 : index
    %swap3A_864 = arith.constant 0 : index
    %swap3A_865 = arith.constant 0 : index
    %swap3A_866 = vector.load %arg2[%swap3A_862, %swap3A_863, %swap3A_864, %swap3A_865] : memref<8x16x128x128xi8, #tpu.memory_space<vmem>>, vector<1x1x128x128xi8>
    %swap3A_867 = vector.shape_cast %swap3A_866 : vector<1x1x128x128xi8> to vector<128x128xi8>
    %swap3A_868 = vector.shape_cast %convert_element_type3A_861 : vector<128x128xi8> to vector<1x1x128x128xi8>
    tpu.vector_store %arg2[%swap3A_862, %swap3A_863, %swap3A_864, %swap3A_865], %swap3A_868 {strides = array<i32>} : memref<8x16x128x128xi8, #tpu.memory_space<vmem>>, vector<1x1x128x128xi8>,
    %add3A_869 = arith.addf %add3A_854, %convert_element_type3A_860 : vector<128x128xf32>
    %mul3A_870 = arith.constant 1.250000e-01 : f32
    %mul3A_871 = vector.broadcast %mul3A_870 : f32 to vector<128x128xf32>
    %mul3A_872 = arith.mulf %add3A_869, %mul3A_871 : vector<128x128xf32>
    %swap3A_873 = arith.constant 5 : index
    %swap3A_874 = arith.constant 0 : index
    %swap3A_875 = arith.constant 0 : index
    %swap3A_876 = vector.load %arg3[%swap3A_873, %swap3A_874, %swap3A_875] : memref<16x128x128xf32, #tpu.memory_space<vmem>>, vector<1x128x128xf32>
    %swap3A_877 = vector.shape_cast %swap3A_876 : vector<1x128x128xf32> to vector<128x128xf32>
    %swap3A_878 = vector.shape_cast %mul3A_872 : vector<128x128xf32> to vector<1x128x128xf32>
    tpu.vector_store %arg3[%swap3A_873, %swap3A_874, %swap3A_875], %swap3A_878 {strides = array<i32>} : memref<16x128x128xf32, #tpu.memory_space<vmem>>, vector<1x128x128xf32>,
    %mul3A_879 = arith.constant 4.500000e+00 : f32
    %mul3A_880 = arith.mulf %mul3A_879, %get3A_4 : f32
    %add3A_881 = arith.addf %get3A_2, %mul3A_880 : f32
    %sub3A_882 = vector.broadcast %add3A_881 : f32 to vector<128x128xf32>
    %sub3A_883 = arith.subf %get3A_14, %sub3A_882 : vector<128x128xf32>
    %mul3A_884 = arith.mulf %sub3A_883, %sub3A_883 : vector<128x128xf32>
    %neg3A_885 = arith.constant 0.000000e+00 : f32
    %neg3A_886 = arith.subf %neg3A_885, %div3A_9 : f32
    %mul3A_887 = vector.broadcast %neg3A_886 : f32 to vector<128x128xf32>
    %mul3A_888 = arith.mulf %mul3A_884, %mul3A_887 : vector<128x128xf32>
    %exp3A_889 = math.exp %mul3A_888 : vector<128x128xf32>
    %ge3A_890 = arith.constant 1.000000e+00 : f32
    %ge3A_891 = vector.broadcast %ge3A_890 : f32 to vector<128x128xf32>
    %ge3A_892 = arith.cmpf oge, %exp3A_889, %ge3A_891 : vector<128x128xf32>
    %convert_element_type3A_893 = arith.extui %ge3A_892 : vector<128x128xi1> to vector<128x128xi32>
    %convert_element_type3A_894 = arith.sitofp %convert_element_type3A_893 : vector<128x128xi32> to vector<128x128xf32>
    %sub3A_895 = arith.subf %exp3A_889, %convert_element_type3A_894 : vector<128x128xf32>
    %convert_element_type3A_896 = arith.fptosi %convert_element_type3A_894 : vector<128x128xf32> to vector<128x128xi8>
    %swap3A_897 = arith.constant 0 : index
    %swap3A_898 = arith.constant 6 : index
    %swap3A_899 = arith.constant 0 : index
    %swap3A_900 = arith.constant 0 : index
    %swap3A_901 = vector.load %arg2[%swap3A_897, %swap3A_898, %swap3A_899, %swap3A_900] : memref<8x16x128x128xi8, #tpu.memory_space<vmem>>, vector<1x1x128x128xi8>
    %swap3A_902 = vector.shape_cast %swap3A_901 : vector<1x1x128x128xi8> to vector<128x128xi8>
    %swap3A_903 = vector.shape_cast %convert_element_type3A_896 : vector<128x128xi8> to vector<1x1x128x128xi8>
    tpu.vector_store %arg2[%swap3A_897, %swap3A_898, %swap3A_899, %swap3A_900], %swap3A_903 {strides = array<i32>} : memref<8x16x128x128xi8, #tpu.memory_space<vmem>>, vector<1x1x128x128xi8>,
    %add3A_904 = arith.addf %sub3A_895, %exp3A_889 : vector<128x128xf32>
    %ge3A_905 = arith.constant 1.000000e+00 : f32
    %ge3A_906 = vector.broadcast %ge3A_905 : f32 to vector<128x128xf32>
    %ge3A_907 = arith.cmpf oge, %add3A_904, %ge3A_906 : vector<128x128xf32>
    %convert_element_type3A_908 = arith.extui %ge3A_907 : vector<128x128xi1> to vector<128x128xi32>
    %convert_element_type3A_909 = arith.sitofp %convert_element_type3A_908 : vector<128x128xi32> to vector<128x128xf32>
    %sub3A_910 = arith.subf %add3A_904, %convert_element_type3A_909 : vector<128x128xf32>
    %convert_element_type3A_911 = arith.fptosi %convert_element_type3A_909 : vector<128x128xf32> to vector<128x128xi8>
    %swap3A_912 = arith.constant 1 : index
    %swap3A_913 = arith.constant 6 : index
    %swap3A_914 = arith.constant 0 : index
    %swap3A_915 = arith.constant 0 : index
    %swap3A_916 = vector.load %arg2[%swap3A_912, %swap3A_913, %swap3A_914, %swap3A_915] : memref<8x16x128x128xi8, #tpu.memory_space<vmem>>, vector<1x1x128x128xi8>
    %swap3A_917 = vector.shape_cast %swap3A_916 : vector<1x1x128x128xi8> to vector<128x128xi8>
    %swap3A_918 = vector.shape_cast %convert_element_type3A_911 : vector<128x128xi8> to vector<1x1x128x128xi8>
    tpu.vector_store %arg2[%swap3A_912, %swap3A_913, %swap3A_914, %swap3A_915], %swap3A_918 {strides = array<i32>} : memref<8x16x128x128xi8, #tpu.memory_space<vmem>>, vector<1x1x128x128xi8>,
    %add3A_919 = arith.addf %convert_element_type3A_894, %convert_element_type3A_909 : vector<128x128xf32>
    %add3A_920 = arith.addf %sub3A_910, %exp3A_889 : vector<128x128xf32>
    %ge3A_921 = arith.constant 1.000000e+00 : f32
    %ge3A_922 = vector.broadcast %ge3A_921 : f32 to vector<128x128xf32>
    %ge3A_923 = arith.cmpf oge, %add3A_920, %ge3A_922 : vector<128x128xf32>
    %convert_element_type3A_924 = arith.extui %ge3A_923 : vector<128x128xi1> to vector<128x128xi32>
    %convert_element_type3A_925 = arith.sitofp %convert_element_type3A_924 : vector<128x128xi32> to vector<128x128xf32>
    %sub3A_926 = arith.subf %add3A_920, %convert_element_type3A_925 : vector<128x128xf32>
    %convert_element_type3A_927 = arith.fptosi %convert_element_type3A_925 : vector<128x128xf32> to vector<128x128xi8>
    %swap3A_928 = arith.constant 2 : index
    %swap3A_929 = arith.constant 6 : index
    %swap3A_930 = arith.constant 0 : index
    %swap3A_931 = arith.constant 0 : index
    %swap3A_932 = vector.load %arg2[%swap3A_928, %swap3A_929, %swap3A_930, %swap3A_931] : memref<8x16x128x128xi8, #tpu.memory_space<vmem>>, vector<1x1x128x128xi8>
    %swap3A_933 = vector.shape_cast %swap3A_932 : vector<1x1x128x128xi8> to vector<128x128xi8>
    %swap3A_934 = vector.shape_cast %convert_element_type3A_927 : vector<128x128xi8> to vector<1x1x128x128xi8>
    tpu.vector_store %arg2[%swap3A_928, %swap3A_929, %swap3A_930, %swap3A_931], %swap3A_934 {strides = array<i32>} : memref<8x16x128x128xi8, #tpu.memory_space<vmem>>, vector<1x1x128x128xi8>,
    %add3A_935 = arith.addf %add3A_919, %convert_element_type3A_925 : vector<128x128xf32>
    %add3A_936 = arith.addf %sub3A_926, %exp3A_889 : vector<128x128xf32>
    %ge3A_937 = arith.constant 1.000000e+00 : f32
    %ge3A_938 = vector.broadcast %ge3A_937 : f32 to vector<128x128xf32>
    %ge3A_939 = arith.cmpf oge, %add3A_936, %ge3A_938 : vector<128x128xf32>
    %convert_element_type3A_940 = arith.extui %ge3A_939 : vector<128x128xi1> to vector<128x128xi32>
    %convert_element_type3A_941 = arith.sitofp %convert_element_type3A_940 : vector<128x128xi32> to vector<128x128xf32>
    %sub3A_942 = arith.subf %add3A_936, %convert_element_type3A_941 : vector<128x128xf32>
    %convert_element_type3A_943 = arith.fptosi %convert_element_type3A_941 : vector<128x128xf32> to vector<128x128xi8>
    %swap3A_944 = arith.constant 3 : index
    %swap3A_945 = arith.constant 6 : index
    %swap3A_946 = arith.constant 0 : index
    %swap3A_947 = arith.constant 0 : index
    %swap3A_948 = vector.load %arg2[%swap3A_944, %swap3A_945, %swap3A_946, %swap3A_947] : memref<8x16x128x128xi8, #tpu.memory_space<vmem>>, vector<1x1x128x128xi8>
    %swap3A_949 = vector.shape_cast %swap3A_948 : vector<1x1x128x128xi8> to vector<128x128xi8>
    %swap3A_950 = vector.shape_cast %convert_element_type3A_943 : vector<128x128xi8> to vector<1x1x128x128xi8>
    tpu.vector_store %arg2[%swap3A_944, %swap3A_945, %swap3A_946, %swap3A_947], %swap3A_950 {strides = array<i32>} : memref<8x16x128x128xi8, #tpu.memory_space<vmem>>, vector<1x1x128x128xi8>,
    %add3A_951 = arith.addf %add3A_935, %convert_element_type3A_941 : vector<128x128xf32>
    %add3A_952 = arith.addf %sub3A_942, %exp3A_889 : vector<128x128xf32>
    %ge3A_953 = arith.constant 1.000000e+00 : f32
    %ge3A_954 = vector.broadcast %ge3A_953 : f32 to vector<128x128xf32>
    %ge3A_955 = arith.cmpf oge, %add3A_952, %ge3A_954 : vector<128x128xf32>
    %convert_element_type3A_956 = arith.extui %ge3A_955 : vector<128x128xi1> to vector<128x128xi32>
    %convert_element_type3A_957 = arith.sitofp %convert_element_type3A_956 : vector<128x128xi32> to vector<128x128xf32>
    %sub3A_958 = arith.subf %add3A_952, %convert_element_type3A_957 : vector<128x128xf32>
    %convert_element_type3A_959 = arith.fptosi %convert_element_type3A_957 : vector<128x128xf32> to vector<128x128xi8>
    %swap3A_960 = arith.constant 4 : index
    %swap3A_961 = arith.constant 6 : index
    %swap3A_962 = arith.constant 0 : index
    %swap3A_963 = arith.constant 0 : index
    %swap3A_964 = vector.load %arg2[%swap3A_960, %swap3A_961, %swap3A_962, %swap3A_963] : memref<8x16x128x128xi8, #tpu.memory_space<vmem>>, vector<1x1x128x128xi8>
    %swap3A_965 = vector.shape_cast %swap3A_964 : vector<1x1x128x128xi8> to vector<128x128xi8>
    %swap3A_966 = vector.shape_cast %convert_element_type3A_959 : vector<128x128xi8> to vector<1x1x128x128xi8>
    tpu.vector_store %arg2[%swap3A_960, %swap3A_961, %swap3A_962, %swap3A_963], %swap3A_966 {strides = array<i32>} : memref<8x16x128x128xi8, #tpu.memory_space<vmem>>, vector<1x1x128x128xi8>,
    %add3A_967 = arith.addf %add3A_951, %convert_element_type3A_957 : vector<128x128xf32>
    %add3A_968 = arith.addf %sub3A_958, %exp3A_889 : vector<128x128xf32>
    %ge3A_969 = arith.constant 1.000000e+00 : f32
    %ge3A_970 = vector.broadcast %ge3A_969 : f32 to vector<128x128xf32>
    %ge3A_971 = arith.cmpf oge, %add3A_968, %ge3A_970 : vector<128x128xf32>
    %convert_element_type3A_972 = arith.extui %ge3A_971 : vector<128x128xi1> to vector<128x128xi32>
    %convert_element_type3A_973 = arith.sitofp %convert_element_type3A_972 : vector<128x128xi32> to vector<128x128xf32>
    %sub3A_974 = arith.subf %add3A_968, %convert_element_type3A_973 : vector<128x128xf32>
    %convert_element_type3A_975 = arith.fptosi %convert_element_type3A_973 : vector<128x128xf32> to vector<128x128xi8>
    %swap3A_976 = arith.constant 5 : index
    %swap3A_977 = arith.constant 6 : index
    %swap3A_978 = arith.constant 0 : index
    %swap3A_979 = arith.constant 0 : index
    %swap3A_980 = vector.load %arg2[%swap3A_976, %swap3A_977, %swap3A_978, %swap3A_979] : memref<8x16x128x128xi8, #tpu.memory_space<vmem>>, vector<1x1x128x128xi8>
    %swap3A_981 = vector.shape_cast %swap3A_980 : vector<1x1x128x128xi8> to vector<128x128xi8>
    %swap3A_982 = vector.shape_cast %convert_element_type3A_975 : vector<128x128xi8> to vector<1x1x128x128xi8>
    tpu.vector_store %arg2[%swap3A_976, %swap3A_977, %swap3A_978, %swap3A_979], %swap3A_982 {strides = array<i32>} : memref<8x16x128x128xi8, #tpu.memory_space<vmem>>, vector<1x1x128x128xi8>,
    %add3A_983 = arith.addf %add3A_967, %convert_element_type3A_973 : vector<128x128xf32>
    %add3A_984 = arith.addf %sub3A_974, %exp3A_889 : vector<128x128xf32>
    %ge3A_985 = arith.constant 1.000000e+00 : f32
    %ge3A_986 = vector.broadcast %ge3A_985 : f32 to vector<128x128xf32>
    %ge3A_987 = arith.cmpf oge, %add3A_984, %ge3A_986 : vector<128x128xf32>
    %convert_element_type3A_988 = arith.extui %ge3A_987 : vector<128x128xi1> to vector<128x128xi32>
    %convert_element_type3A_989 = arith.sitofp %convert_element_type3A_988 : vector<128x128xi32> to vector<128x128xf32>
    %sub3A_990 = arith.subf %add3A_984, %convert_element_type3A_989 : vector<128x128xf32>
    %convert_element_type3A_991 = arith.fptosi %convert_element_type3A_989 : vector<128x128xf32> to vector<128x128xi8>
    %swap3A_992 = arith.constant 6 : index
    %swap3A_993 = arith.constant 6 : index
    %swap3A_994 = arith.constant 0 : index
    %swap3A_995 = arith.constant 0 : index
    %swap3A_996 = vector.load %arg2[%swap3A_992, %swap3A_993, %swap3A_994, %swap3A_995] : memref<8x16x128x128xi8, #tpu.memory_space<vmem>>, vector<1x1x128x128xi8>
    %swap3A_997 = vector.shape_cast %swap3A_996 : vector<1x1x128x128xi8> to vector<128x128xi8>
    %swap3A_998 = vector.shape_cast %convert_element_type3A_991 : vector<128x128xi8> to vector<1x1x128x128xi8>
    tpu.vector_store %arg2[%swap3A_992, %swap3A_993, %swap3A_994, %swap3A_995], %swap3A_998 {strides = array<i32>} : memref<8x16x128x128xi8, #tpu.memory_space<vmem>>, vector<1x1x128x128xi8>,
    %add3A_999 = arith.addf %add3A_983, %convert_element_type3A_989 : vector<128x128xf32>
    %add3A_1000 = arith.addf %sub3A_990, %exp3A_889 : vector<128x128xf32>
    %ge3A_1001 = arith.constant 1.000000e+00 : f32
    %ge3A_1002 = vector.broadcast %ge3A_1001 : f32 to vector<128x128xf32>
    %ge3A_1003 = arith.cmpf oge, %add3A_1000, %ge3A_1002 : vector<128x128xf32>
    %convert_element_type3A_1004 = arith.extui %ge3A_1003 : vector<128x128xi1> to vector<128x128xi32>
    %convert_element_type3A_1005 = arith.sitofp %convert_element_type3A_1004 : vector<128x128xi32> to vector<128x128xf32>
    %convert_element_type3A_1006 = arith.fptosi %convert_element_type3A_1005 : vector<128x128xf32> to vector<128x128xi8>
    %swap3A_1007 = arith.constant 7 : index
    %swap3A_1008 = arith.constant 6 : index
    %swap3A_1009 = arith.constant 0 : index
    %swap3A_1010 = arith.constant 0 : index
    %swap3A_1011 = vector.load %arg2[%swap3A_1007, %swap3A_1008, %swap3A_1009, %swap3A_1010] : memref<8x16x128x128xi8, #tpu.memory_space<vmem>>, vector<1x1x128x128xi8>
    %swap3A_1012 = vector.shape_cast %swap3A_1011 : vector<1x1x128x128xi8> to vector<128x128xi8>
    %swap3A_1013 = vector.shape_cast %convert_element_type3A_1006 : vector<128x128xi8> to vector<1x1x128x128xi8>
    tpu.vector_store %arg2[%swap3A_1007, %swap3A_1008, %swap3A_1009, %swap3A_1010], %swap3A_1013 {strides = array<i32>} : memref<8x16x128x128xi8, #tpu.memory_space<vmem>>, vector<1x1x128x128xi8>,
    %add3A_1014 = arith.addf %add3A_999, %convert_element_type3A_1005 : vector<128x128xf32>
    %mul3A_1015 = arith.constant 1.250000e-01 : f32
    %mul3A_1016 = vector.broadcast %mul3A_1015 : f32 to vector<128x128xf32>
    %mul3A_1017 = arith.mulf %add3A_1014, %mul3A_1016 : vector<128x128xf32>
    %swap3A_1018 = arith.constant 6 : index
    %swap3A_1019 = arith.constant 0 : index
    %swap3A_1020 = arith.constant 0 : index
    %swap3A_1021 = vector.load %arg3[%swap3A_1018, %swap3A_1019, %swap3A_1020] : memref<16x128x128xf32, #tpu.memory_space<vmem>>, vector<1x128x128xf32>
    %swap3A_1022 = vector.shape_cast %swap3A_1021 : vector<1x128x128xf32> to vector<128x128xf32>
    %swap3A_1023 = vector.shape_cast %mul3A_1017 : vector<128x128xf32> to vector<1x128x128xf32>
    tpu.vector_store %arg3[%swap3A_1018, %swap3A_1019, %swap3A_1020], %swap3A_1023 {strides = array<i32>} : memref<16x128x128xf32, #tpu.memory_space<vmem>>, vector<1x128x128xf32>,
    %mul3A_1024 = arith.constant 5.500000e+00 : f32
    %mul3A_1025 = arith.mulf %mul3A_1024, %get3A_4 : f32
    %add3A_1026 = arith.addf %get3A_2, %mul3A_1025 : f32
    %sub3A_1027 = vector.broadcast %add3A_1026 : f32 to vector<128x128xf32>
    %sub3A_1028 = arith.subf %get3A_14, %sub3A_1027 : vector<128x128xf32>
    %mul3A_1029 = arith.mulf %sub3A_1028, %sub3A_1028 : vector<128x128xf32>
    %neg3A_1030 = arith.constant 0.000000e+00 : f32
    %neg3A_1031 = arith.subf %neg3A_1030, %div3A_9 : f32
    %mul3A_1032 = vector.broadcast %neg3A_1031 : f32 to vector<128x128xf32>
    %mul3A_1033 = arith.mulf %mul3A_1029, %mul3A_1032 : vector<128x128xf32>
    %exp3A_1034 = math.exp %mul3A_1033 : vector<128x128xf32>
    %ge3A_1035 = arith.constant 1.000000e+00 : f32
    %ge3A_1036 = vector.broadcast %ge3A_1035 : f32 to vector<128x128xf32>
    %ge3A_1037 = arith.cmpf oge, %exp3A_1034, %ge3A_1036 : vector<128x128xf32>
    %convert_element_type3A_1038 = arith.extui %ge3A_1037 : vector<128x128xi1> to vector<128x128xi32>
    %convert_element_type3A_1039 = arith.sitofp %convert_element_type3A_1038 : vector<128x128xi32> to vector<128x128xf32>
    %sub3A_1040 = arith.subf %exp3A_1034, %convert_element_type3A_1039 : vector<128x128xf32>
    %convert_element_type3A_1041 = arith.fptosi %convert_element_type3A_1039 : vector<128x128xf32> to vector<128x128xi8>
    %swap3A_1042 = arith.constant 0 : index
    %swap3A_1043 = arith.constant 7 : index
    %swap3A_1044 = arith.constant 0 : index
    %swap3A_1045 = arith.constant 0 : index
    %swap3A_1046 = vector.load %arg2[%swap3A_1042, %swap3A_1043, %swap3A_1044, %swap3A_1045] : memref<8x16x128x128xi8, #tpu.memory_space<vmem>>, vector<1x1x128x128xi8>
    %swap3A_1047 = vector.shape_cast %swap3A_1046 : vector<1x1x128x128xi8> to vector<128x128xi8>
    %swap3A_1048 = vector.shape_cast %convert_element_type3A_1041 : vector<128x128xi8> to vector<1x1x128x128xi8>
    tpu.vector_store %arg2[%swap3A_1042, %swap3A_1043, %swap3A_1044, %swap3A_1045], %swap3A_1048 {strides = array<i32>} : memref<8x16x128x128xi8, #tpu.memory_space<vmem>>, vector<1x1x128x128xi8>,
    %add3A_1049 = arith.addf %sub3A_1040, %exp3A_1034 : vector<128x128xf32>
    %ge3A_1050 = arith.constant 1.000000e+00 : f32
    %ge3A_1051 = vector.broadcast %ge3A_1050 : f32 to vector<128x128xf32>
    %ge3A_1052 = arith.cmpf oge, %add3A_1049, %ge3A_1051 : vector<128x128xf32>
    %convert_element_type3A_1053 = arith.extui %ge3A_1052 : vector<128x128xi1> to vector<128x128xi32>
    %convert_element_type3A_1054 = arith.sitofp %convert_element_type3A_1053 : vector<128x128xi32> to vector<128x128xf32>
    %sub3A_1055 = arith.subf %add3A_1049, %convert_element_type3A_1054 : vector<128x128xf32>
    %convert_element_type3A_1056 = arith.fptosi %convert_element_type3A_1054 : vector<128x128xf32> to vector<128x128xi8>
    %swap3A_1057 = arith.constant 1 : index
    %swap3A_1058 = arith.constant 7 : index
    %swap3A_1059 = arith.constant 0 : index
    %swap3A_1060 = arith.constant 0 : index
    %swap3A_1061 = vector.load %arg2[%swap3A_1057, %swap3A_1058, %swap3A_1059, %swap3A_1060] : memref<8x16x128x128xi8, #tpu.memory_space<vmem>>, vector<1x1x128x128xi8>
    %swap3A_1062 = vector.shape_cast %swap3A_1061 : vector<1x1x128x128xi8> to vector<128x128xi8>
    %swap3A_1063 = vector.shape_cast %convert_element_type3A_1056 : vector<128x128xi8> to vector<1x1x128x128xi8>
    tpu.vector_store %arg2[%swap3A_1057, %swap3A_1058, %swap3A_1059, %swap3A_1060], %swap3A_1063 {strides = array<i32>} : memref<8x16x128x128xi8, #tpu.memory_space<vmem>>, vector<1x1x128x128xi8>,
    %add3A_1064 = arith.addf %convert_element_type3A_1039, %convert_element_type3A_1054 : vector<128x128xf32>
    %add3A_1065 = arith.addf %sub3A_1055, %exp3A_1034 : vector<128x128xf32>
    %ge3A_1066 = arith.constant 1.000000e+00 : f32
    %ge3A_1067 = vector.broadcast %ge3A_1066 : f32 to vector<128x128xf32>
    %ge3A_1068 = arith.cmpf oge, %add3A_1065, %ge3A_1067 : vector<128x128xf32>
    %convert_element_type3A_1069 = arith.extui %ge3A_1068 : vector<128x128xi1> to vector<128x128xi32>
    %convert_element_type3A_1070 = arith.sitofp %convert_element_type3A_1069 : vector<128x128xi32> to vector<128x128xf32>
    %sub3A_1071 = arith.subf %add3A_1065, %convert_element_type3A_1070 : vector<128x128xf32>
    %convert_element_type3A_1072 = arith.fptosi %convert_element_type3A_1070 : vector<128x128xf32> to vector<128x128xi8>
    %swap3A_1073 = arith.constant 2 : index
    %swap3A_1074 = arith.constant 7 : index
    %swap3A_1075 = arith.constant 0 : index
    %swap3A_1076 = arith.constant 0 : index
    %swap3A_1077 = vector.load %arg2[%swap3A_1073, %swap3A_1074, %swap3A_1075, %swap3A_1076] : memref<8x16x128x128xi8, #tpu.memory_space<vmem>>, vector<1x1x128x128xi8>
    %swap3A_1078 = vector.shape_cast %swap3A_1077 : vector<1x1x128x128xi8> to vector<128x128xi8>
    %swap3A_1079 = vector.shape_cast %convert_element_type3A_1072 : vector<128x128xi8> to vector<1x1x128x128xi8>
    tpu.vector_store %arg2[%swap3A_1073, %swap3A_1074, %swap3A_1075, %swap3A_1076], %swap3A_1079 {strides = array<i32>} : memref<8x16x128x128xi8, #tpu.memory_space<vmem>>, vector<1x1x128x128xi8>,
    %add3A_1080 = arith.addf %add3A_1064, %convert_element_type3A_1070 : vector<128x128xf32>
    %add3A_1081 = arith.addf %sub3A_1071, %exp3A_1034 : vector<128x128xf32>
    %ge3A_1082 = arith.constant 1.000000e+00 : f32
    %ge3A_1083 = vector.broadcast %ge3A_1082 : f32 to vector<128x128xf32>
    %ge3A_1084 = arith.cmpf oge, %add3A_1081, %ge3A_1083 : vector<128x128xf32>
    %convert_element_type3A_1085 = arith.extui %ge3A_1084 : vector<128x128xi1> to vector<128x128xi32>
    %convert_element_type3A_1086 = arith.sitofp %convert_element_type3A_1085 : vector<128x128xi32> to vector<128x128xf32>
    %sub3A_1087 = arith.subf %add3A_1081, %convert_element_type3A_1086 : vector<128x128xf32>
    %convert_element_type3A_1088 = arith.fptosi %convert_element_type3A_1086 : vector<128x128xf32> to vector<128x128xi8>
    %swap3A_1089 = arith.constant 3 : index
    %swap3A_1090 = arith.constant 7 : index
    %swap3A_1091 = arith.constant 0 : index
    %swap3A_1092 = arith.constant 0 : index
    %swap3A_1093 = vector.load %arg2[%swap3A_1089, %swap3A_1090, %swap3A_1091, %swap3A_1092] : memref<8x16x128x128xi8, #tpu.memory_space<vmem>>, vector<1x1x128x128xi8>
    %swap3A_1094 = vector.shape_cast %swap3A_1093 : vector<1x1x128x128xi8> to vector<128x128xi8>
    %swap3A_1095 = vector.shape_cast %convert_element_type3A_1088 : vector<128x128xi8> to vector<1x1x128x128xi8>
    tpu.vector_store %arg2[%swap3A_1089, %swap3A_1090, %swap3A_1091, %swap3A_1092], %swap3A_1095 {strides = array<i32>} : memref<8x16x128x128xi8, #tpu.memory_space<vmem>>, vector<1x1x128x128xi8>,
    %add3A_1096 = arith.addf %add3A_1080, %convert_element_type3A_1086 : vector<128x128xf32>
    %add3A_1097 = arith.addf %sub3A_1087, %exp3A_1034 : vector<128x128xf32>
    %ge3A_1098 = arith.constant 1.000000e+00 : f32
    %ge3A_1099 = vector.broadcast %ge3A_1098 : f32 to vector<128x128xf32>
    %ge3A_1100 = arith.cmpf oge, %add3A_1097, %ge3A_1099 : vector<128x128xf32>
    %convert_element_type3A_1101 = arith.extui %ge3A_1100 : vector<128x128xi1> to vector<128x128xi32>
    %convert_element_type3A_1102 = arith.sitofp %convert_element_type3A_1101 : vector<128x128xi32> to vector<128x128xf32>
    %sub3A_1103 = arith.subf %add3A_1097, %convert_element_type3A_1102 : vector<128x128xf32>
    %convert_element_type3A_1104 = arith.fptosi %convert_element_type3A_1102 : vector<128x128xf32> to vector<128x128xi8>
    %swap3A_1105 = arith.constant 4 : index
    %swap3A_1106 = arith.constant 7 : index
    %swap3A_1107 = arith.constant 0 : index
    %swap3A_1108 = arith.constant 0 : index
    %swap3A_1109 = vector.load %arg2[%swap3A_1105, %swap3A_1106, %swap3A_1107, %swap3A_1108] : memref<8x16x128x128xi8, #tpu.memory_space<vmem>>, vector<1x1x128x128xi8>
    %swap3A_1110 = vector.shape_cast %swap3A_1109 : vector<1x1x128x128xi8> to vector<128x128xi8>
    %swap3A_1111 = vector.shape_cast %convert_element_type3A_1104 : vector<128x128xi8> to vector<1x1x128x128xi8>
    tpu.vector_store %arg2[%swap3A_1105, %swap3A_1106, %swap3A_1107, %swap3A_1108], %swap3A_1111 {strides = array<i32>} : memref<8x16x128x128xi8, #tpu.memory_space<vmem>>, vector<1x1x128x128xi8>,
    %add3A_1112 = arith.addf %add3A_1096, %convert_element_type3A_1102 : vector<128x128xf32>
    %add3A_1113 = arith.addf %sub3A_1103, %exp3A_1034 : vector<128x128xf32>
    %ge3A_1114 = arith.constant 1.000000e+00 : f32
    %ge3A_1115 = vector.broadcast %ge3A_1114 : f32 to vector<128x128xf32>
    %ge3A_1116 = arith.cmpf oge, %add3A_1113, %ge3A_1115 : vector<128x128xf32>
    %convert_element_type3A_1117 = arith.extui %ge3A_1116 : vector<128x128xi1> to vector<128x128xi32>
    %convert_element_type3A_1118 = arith.sitofp %convert_element_type3A_1117 : vector<128x128xi32> to vector<128x128xf32>
    %sub3A_1119 = arith.subf %add3A_1113, %convert_element_type3A_1118 : vector<128x128xf32>
    %convert_element_type3A_1120 = arith.fptosi %convert_element_type3A_1118 : vector<128x128xf32> to vector<128x128xi8>
    %swap3A_1121 = arith.constant 5 : index
    %swap3A_1122 = arith.constant 7 : index
    %swap3A_1123 = arith.constant 0 : index
    %swap3A_1124 = arith.constant 0 : index
    %swap3A_1125 = vector.load %arg2[%swap3A_1121, %swap3A_1122, %swap3A_1123, %swap3A_1124] : memref<8x16x128x128xi8, #tpu.memory_space<vmem>>, vector<1x1x128x128xi8>
    %swap3A_1126 = vector.shape_cast %swap3A_1125 : vector<1x1x128x128xi8> to vector<128x128xi8>
    %swap3A_1127 = vector.shape_cast %convert_element_type3A_1120 : vector<128x128xi8> to vector<1x1x128x128xi8>
    tpu.vector_store %arg2[%swap3A_1121, %swap3A_1122, %swap3A_1123, %swap3A_1124], %swap3A_1127 {strides = array<i32>} : memref<8x16x128x128xi8, #tpu.memory_space<vmem>>, vector<1x1x128x128xi8>,
    %add3A_1128 = arith.addf %add3A_1112, %convert_element_type3A_1118 : vector<128x128xf32>
    %add3A_1129 = arith.addf %sub3A_1119, %exp3A_1034 : vector<128x128xf32>
    %ge3A_1130 = arith.constant 1.000000e+00 : f32
    %ge3A_1131 = vector.broadcast %ge3A_1130 : f32 to vector<128x128xf32>
    %ge3A_1132 = arith.cmpf oge, %add3A_1129, %ge3A_1131 : vector<128x128xf32>
    %convert_element_type3A_1133 = arith.extui %ge3A_1132 : vector<128x128xi1> to vector<128x128xi32>
    %convert_element_type3A_1134 = arith.sitofp %convert_element_type3A_1133 : vector<128x128xi32> to vector<128x128xf32>
    %sub3A_1135 = arith.subf %add3A_1129, %convert_element_type3A_1134 : vector<128x128xf32>
    %convert_element_type3A_1136 = arith.fptosi %convert_element_type3A_1134 : vector<128x128xf32> to vector<128x128xi8>
    %swap3A_1137 = arith.constant 6 : index
    %swap3A_1138 = arith.constant 7 : index
    %swap3A_1139 = arith.constant 0 : index
    %swap3A_1140 = arith.constant 0 : index
    %swap3A_1141 = vector.load %arg2[%swap3A_1137, %swap3A_1138, %swap3A_1139, %swap3A_1140] : memref<8x16x128x128xi8, #tpu.memory_space<vmem>>, vector<1x1x128x128xi8>
    %swap3A_1142 = vector.shape_cast %swap3A_1141 : vector<1x1x128x128xi8> to vector<128x128xi8>
    %swap3A_1143 = vector.shape_cast %convert_element_type3A_1136 : vector<128x128xi8> to vector<1x1x128x128xi8>
    tpu.vector_store %arg2[%swap3A_1137, %swap3A_1138, %swap3A_1139, %swap3A_1140], %swap3A_1143 {strides = array<i32>} : memref<8x16x128x128xi8, #tpu.memory_space<vmem>>, vector<1x1x128x128xi8>,
    %add3A_1144 = arith.addf %add3A_1128, %convert_element_type3A_1134 : vector<128x128xf32>
    %add3A_1145 = arith.addf %sub3A_1135, %exp3A_1034 : vector<128x128xf32>
    %ge3A_1146 = arith.constant 1.000000e+00 : f32
    %ge3A_1147 = vector.broadcast %ge3A_1146 : f32 to vector<128x128xf32>
    %ge3A_1148 = arith.cmpf oge, %add3A_1145, %ge3A_1147 : vector<128x128xf32>
    %convert_element_type3A_1149 = arith.extui %ge3A_1148 : vector<128x128xi1> to vector<128x128xi32>
    %convert_element_type3A_1150 = arith.sitofp %convert_element_type3A_1149 : vector<128x128xi32> to vector<128x128xf32>
    %convert_element_type3A_1151 = arith.fptosi %convert_element_type3A_1150 : vector<128x128xf32> to vector<128x128xi8>
    %swap3A_1152 = arith.constant 7 : index
    %swap3A_1153 = arith.constant 7 : index
    %swap3A_1154 = arith.constant 0 : index
    %swap3A_1155 = arith.constant 0 : index
    %swap3A_1156 = vector.load %arg2[%swap3A_1152, %swap3A_1153, %swap3A_1154, %swap3A_1155] : memref<8x16x128x128xi8, #tpu.memory_space<vmem>>, vector<1x1x128x128xi8>
    %swap3A_1157 = vector.shape_cast %swap3A_1156 : vector<1x1x128x128xi8> to vector<128x128xi8>
    %swap3A_1158 = vector.shape_cast %convert_element_type3A_1151 : vector<128x128xi8> to vector<1x1x128x128xi8>
    tpu.vector_store %arg2[%swap3A_1152, %swap3A_1153, %swap3A_1154, %swap3A_1155], %swap3A_1158 {strides = array<i32>} : memref<8x16x128x128xi8, #tpu.memory_space<vmem>>, vector<1x1x128x128xi8>,
    %add3A_1159 = arith.addf %add3A_1144, %convert_element_type3A_1150 : vector<128x128xf32>
    %mul3A_1160 = arith.constant 1.250000e-01 : f32
    %mul3A_1161 = vector.broadcast %mul3A_1160 : f32 to vector<128x128xf32>
    %mul3A_1162 = arith.mulf %add3A_1159, %mul3A_1161 : vector<128x128xf32>
    %swap3A_1163 = arith.constant 7 : index
    %swap3A_1164 = arith.constant 0 : index
    %swap3A_1165 = arith.constant 0 : index
    %swap3A_1166 = vector.load %arg3[%swap3A_1163, %swap3A_1164, %swap3A_1165] : memref<16x128x128xf32, #tpu.memory_space<vmem>>, vector<1x128x128xf32>
    %swap3A_1167 = vector.shape_cast %swap3A_1166 : vector<1x128x128xf32> to vector<128x128xf32>
    %swap3A_1168 = vector.shape_cast %mul3A_1162 : vector<128x128xf32> to vector<1x128x128xf32>
    tpu.vector_store %arg3[%swap3A_1163, %swap3A_1164, %swap3A_1165], %swap3A_1168 {strides = array<i32>} : memref<16x128x128xf32, #tpu.memory_space<vmem>>, vector<1x128x128xf32>,
    %mul3A_1169 = arith.constant 6.500000e+00 : f32
    %mul3A_1170 = arith.mulf %mul3A_1169, %get3A_4 : f32
    %add3A_1171 = arith.addf %get3A_2, %mul3A_1170 : f32
    %sub3A_1172 = vector.broadcast %add3A_1171 : f32 to vector<128x128xf32>
    %sub3A_1173 = arith.subf %get3A_14, %sub3A_1172 : vector<128x128xf32>
    %mul3A_1174 = arith.mulf %sub3A_1173, %sub3A_1173 : vector<128x128xf32>
    %neg3A_1175 = arith.constant 0.000000e+00 : f32
    %neg3A_1176 = arith.subf %neg3A_1175, %div3A_9 : f32
    %mul3A_1177 = vector.broadcast %neg3A_1176 : f32 to vector<128x128xf32>
    %mul3A_1178 = arith.mulf %mul3A_1174, %mul3A_1177 : vector<128x128xf32>
    %exp3A_1179 = math.exp %mul3A_1178 : vector<128x128xf32>
    %ge3A_1180 = arith.constant 1.000000e+00 : f32
    %ge3A_1181 = vector.broadcast %ge3A_1180 : f32 to vector<128x128xf32>
    %ge3A_1182 = arith.cmpf oge, %exp3A_1179, %ge3A_1181 : vector<128x128xf32>
    %convert_element_type3A_1183 = arith.extui %ge3A_1182 : vector<128x128xi1> to vector<128x128xi32>
    %convert_element_type3A_1184 = arith.sitofp %convert_element_type3A_1183 : vector<128x128xi32> to vector<128x128xf32>
    %sub3A_1185 = arith.subf %exp3A_1179, %convert_element_type3A_1184 : vector<128x128xf32>
    %convert_element_type3A_1186 = arith.fptosi %convert_element_type3A_1184 : vector<128x128xf32> to vector<128x128xi8>
    %swap3A_1187 = arith.constant 0 : index
    %swap3A_1188 = arith.constant 8 : index
    %swap3A_1189 = arith.constant 0 : index
    %swap3A_1190 = arith.constant 0 : index
    %swap3A_1191 = vector.load %arg2[%swap3A_1187, %swap3A_1188, %swap3A_1189, %swap3A_1190] : memref<8x16x128x128xi8, #tpu.memory_space<vmem>>, vector<1x1x128x128xi8>
    %swap3A_1192 = vector.shape_cast %swap3A_1191 : vector<1x1x128x128xi8> to vector<128x128xi8>
    %swap3A_1193 = vector.shape_cast %convert_element_type3A_1186 : vector<128x128xi8> to vector<1x1x128x128xi8>
    tpu.vector_store %arg2[%swap3A_1187, %swap3A_1188, %swap3A_1189, %swap3A_1190], %swap3A_1193 {strides = array<i32>} : memref<8x16x128x128xi8, #tpu.memory_space<vmem>>, vector<1x1x128x128xi8>,
    %add3A_1194 = arith.addf %sub3A_1185, %exp3A_1179 : vector<128x128xf32>
    %ge3A_1195 = arith.constant 1.000000e+00 : f32
    %ge3A_1196 = vector.broadcast %ge3A_1195 : f32 to vector<128x128xf32>
    %ge3A_1197 = arith.cmpf oge, %add3A_1194, %ge3A_1196 : vector<128x128xf32>
    %convert_element_type3A_1198 = arith.extui %ge3A_1197 : vector<128x128xi1> to vector<128x128xi32>
    %convert_element_type3A_1199 = arith.sitofp %convert_element_type3A_1198 : vector<128x128xi32> to vector<128x128xf32>
    %sub3A_1200 = arith.subf %add3A_1194, %convert_element_type3A_1199 : vector<128x128xf32>
    %convert_element_type3A_1201 = arith.fptosi %convert_element_type3A_1199 : vector<128x128xf32> to vector<128x128xi8>
    %swap3A_1202 = arith.constant 1 : index
    %swap3A_1203 = arith.constant 8 : index
    %swap3A_1204 = arith.constant 0 : index
    %swap3A_1205 = arith.constant 0 : index
    %swap3A_1206 = vector.load %arg2[%swap3A_1202, %swap3A_1203, %swap3A_1204, %swap3A_1205] : memref<8x16x128x128xi8, #tpu.memory_space<vmem>>, vector<1x1x128x128xi8>
    %swap3A_1207 = vector.shape_cast %swap3A_1206 : vector<1x1x128x128xi8> to vector<128x128xi8>
    %swap3A_1208 = vector.shape_cast %convert_element_type3A_1201 : vector<128x128xi8> to vector<1x1x128x128xi8>
    tpu.vector_store %arg2[%swap3A_1202, %swap3A_1203, %swap3A_1204, %swap3A_1205], %swap3A_1208 {strides = array<i32>} : memref<8x16x128x128xi8, #tpu.memory_space<vmem>>, vector<1x1x128x128xi8>,
    %add3A_1209 = arith.addf %convert_element_type3A_1184, %convert_element_type3A_1199 : vector<128x128xf32>
    %add3A_1210 = arith.addf %sub3A_1200, %exp3A_1179 : vector<128x128xf32>
    %ge3A_1211 = arith.constant 1.000000e+00 : f32
    %ge3A_1212 = vector.broadcast %ge3A_1211 : f32 to vector<128x128xf32>
    %ge3A_1213 = arith.cmpf oge, %add3A_1210, %ge3A_1212 : vector<128x128xf32>
    %convert_element_type3A_1214 = arith.extui %ge3A_1213 : vector<128x128xi1> to vector<128x128xi32>
    %convert_element_type3A_1215 = arith.sitofp %convert_element_type3A_1214 : vector<128x128xi32> to vector<128x128xf32>
    %sub3A_1216 = arith.subf %add3A_1210, %convert_element_type3A_1215 : vector<128x128xf32>
    %convert_element_type3A_1217 = arith.fptosi %convert_element_type3A_1215 : vector<128x128xf32> to vector<128x128xi8>
    %swap3A_1218 = arith.constant 2 : index
    %swap3A_1219 = arith.constant 8 : index
    %swap3A_1220 = arith.constant 0 : index
    %swap3A_1221 = arith.constant 0 : index
    %swap3A_1222 = vector.load %arg2[%swap3A_1218, %swap3A_1219, %swap3A_1220, %swap3A_1221] : memref<8x16x128x128xi8, #tpu.memory_space<vmem>>, vector<1x1x128x128xi8>
    %swap3A_1223 = vector.shape_cast %swap3A_1222 : vector<1x1x128x128xi8> to vector<128x128xi8>
    %swap3A_1224 = vector.shape_cast %convert_element_type3A_1217 : vector<128x128xi8> to vector<1x1x128x128xi8>
    tpu.vector_store %arg2[%swap3A_1218, %swap3A_1219, %swap3A_1220, %swap3A_1221], %swap3A_1224 {strides = array<i32>} : memref<8x16x128x128xi8, #tpu.memory_space<vmem>>, vector<1x1x128x128xi8>,
    %add3A_1225 = arith.addf %add3A_1209, %convert_element_type3A_1215 : vector<128x128xf32>
    %add3A_1226 = arith.addf %sub3A_1216, %exp3A_1179 : vector<128x128xf32>
    %ge3A_1227 = arith.constant 1.000000e+00 : f32
    %ge3A_1228 = vector.broadcast %ge3A_1227 : f32 to vector<128x128xf32>
    %ge3A_1229 = arith.cmpf oge, %add3A_1226, %ge3A_1228 : vector<128x128xf32>
    %convert_element_type3A_1230 = arith.extui %ge3A_1229 : vector<128x128xi1> to vector<128x128xi32>
    %convert_element_type3A_1231 = arith.sitofp %convert_element_type3A_1230 : vector<128x128xi32> to vector<128x128xf32>
    %sub3A_1232 = arith.subf %add3A_1226, %convert_element_type3A_1231 : vector<128x128xf32>
    %convert_element_type3A_1233 = arith.fptosi %convert_element_type3A_1231 : vector<128x128xf32> to vector<128x128xi8>
    %swap3A_1234 = arith.constant 3 : index
    %swap3A_1235 = arith.constant 8 : index
    %swap3A_1236 = arith.constant 0 : index
    %swap3A_1237 = arith.constant 0 : index
    %swap3A_1238 = vector.load %arg2[%swap3A_1234, %swap3A_1235, %swap3A_1236, %swap3A_1237] : memref<8x16x128x128xi8, #tpu.memory_space<vmem>>, vector<1x1x128x128xi8>
    %swap3A_1239 = vector.shape_cast %swap3A_1238 : vector<1x1x128x128xi8> to vector<128x128xi8>
    %swap3A_1240 = vector.shape_cast %convert_element_type3A_1233 : vector<128x128xi8> to vector<1x1x128x128xi8>
    tpu.vector_store %arg2[%swap3A_1234, %swap3A_1235, %swap3A_1236, %swap3A_1237], %swap3A_1240 {strides = array<i32>} : memref<8x16x128x128xi8, #tpu.memory_space<vmem>>, vector<1x1x128x128xi8>,
    %add3A_1241 = arith.addf %add3A_1225, %convert_element_type3A_1231 : vector<128x128xf32>
    %add3A_1242 = arith.addf %sub3A_1232, %exp3A_1179 : vector<128x128xf32>
    %ge3A_1243 = arith.constant 1.000000e+00 : f32
    %ge3A_1244 = vector.broadcast %ge3A_1243 : f32 to vector<128x128xf32>
    %ge3A_1245 = arith.cmpf oge, %add3A_1242, %ge3A_1244 : vector<128x128xf32>
    %convert_element_type3A_1246 = arith.extui %ge3A_1245 : vector<128x128xi1> to vector<128x128xi32>
    %convert_element_type3A_1247 = arith.sitofp %convert_element_type3A_1246 : vector<128x128xi32> to vector<128x128xf32>
    %sub3A_1248 = arith.subf %add3A_1242, %convert_element_type3A_1247 : vector<128x128xf32>
    %convert_element_type3A_1249 = arith.fptosi %convert_element_type3A_1247 : vector<128x128xf32> to vector<128x128xi8>
    %swap3A_1250 = arith.constant 4 : index
    %swap3A_1251 = arith.constant 8 : index
    %swap3A_1252 = arith.constant 0 : index
    %swap3A_1253 = arith.constant 0 : index
    %swap3A_1254 = vector.load %arg2[%swap3A_1250, %swap3A_1251, %swap3A_1252, %swap3A_1253] : memref<8x16x128x128xi8, #tpu.memory_space<vmem>>, vector<1x1x128x128xi8>
    %swap3A_1255 = vector.shape_cast %swap3A_1254 : vector<1x1x128x128xi8> to vector<128x128xi8>
    %swap3A_1256 = vector.shape_cast %convert_element_type3A_1249 : vector<128x128xi8> to vector<1x1x128x128xi8>
    tpu.vector_store %arg2[%swap3A_1250, %swap3A_1251, %swap3A_1252, %swap3A_1253], %swap3A_1256 {strides = array<i32>} : memref<8x16x128x128xi8, #tpu.memory_space<vmem>>, vector<1x1x128x128xi8>,
    %add3A_1257 = arith.addf %add3A_1241, %convert_element_type3A_1247 : vector<128x128xf32>
    %add3A_1258 = arith.addf %sub3A_1248, %exp3A_1179 : vector<128x128xf32>
    %ge3A_1259 = arith.constant 1.000000e+00 : f32
    %ge3A_1260 = vector.broadcast %ge3A_1259 : f32 to vector<128x128xf32>
    %ge3A_1261 = arith.cmpf oge, %add3A_1258, %ge3A_1260 : vector<128x128xf32>
    %convert_element_type3A_1262 = arith.extui %ge3A_1261 : vector<128x128xi1> to vector<128x128xi32>
    %convert_element_type3A_1263 = arith.sitofp %convert_element_type3A_1262 : vector<128x128xi32> to vector<128x128xf32>
    %sub3A_1264 = arith.subf %add3A_1258, %convert_element_type3A_1263 : vector<128x128xf32>
    %convert_element_type3A_1265 = arith.fptosi %convert_element_type3A_1263 : vector<128x128xf32> to vector<128x128xi8>
    %swap3A_1266 = arith.constant 5 : index
    %swap3A_1267 = arith.constant 8 : index
    %swap3A_1268 = arith.constant 0 : index
    %swap3A_1269 = arith.constant 0 : index
    %swap3A_1270 = vector.load %arg2[%swap3A_1266, %swap3A_1267, %swap3A_1268, %swap3A_1269] : memref<8x16x128x128xi8, #tpu.memory_space<vmem>>, vector<1x1x128x128xi8>
    %swap3A_1271 = vector.shape_cast %swap3A_1270 : vector<1x1x128x128xi8> to vector<128x128xi8>
    %swap3A_1272 = vector.shape_cast %convert_element_type3A_1265 : vector<128x128xi8> to vector<1x1x128x128xi8>
    tpu.vector_store %arg2[%swap3A_1266, %swap3A_1267, %swap3A_1268, %swap3A_1269], %swap3A_1272 {strides = array<i32>} : memref<8x16x128x128xi8, #tpu.memory_space<vmem>>, vector<1x1x128x128xi8>,
    %add3A_1273 = arith.addf %add3A_1257, %convert_element_type3A_1263 : vector<128x128xf32>
    %add3A_1274 = arith.addf %sub3A_1264, %exp3A_1179 : vector<128x128xf32>
    %ge3A_1275 = arith.constant 1.000000e+00 : f32
    %ge3A_1276 = vector.broadcast %ge3A_1275 : f32 to vector<128x128xf32>
    %ge3A_1277 = arith.cmpf oge, %add3A_1274, %ge3A_1276 : vector<128x128xf32>
    %convert_element_type3A_1278 = arith.extui %ge3A_1277 : vector<128x128xi1> to vector<128x128xi32>
    %convert_element_type3A_1279 = arith.sitofp %convert_element_type3A_1278 : vector<128x128xi32> to vector<128x128xf32>
    %sub3A_1280 = arith.subf %add3A_1274, %convert_element_type3A_1279 : vector<128x128xf32>
    %convert_element_type3A_1281 = arith.fptosi %convert_element_type3A_1279 : vector<128x128xf32> to vector<128x128xi8>
    %swap3A_1282 = arith.constant 6 : index
    %swap3A_1283 = arith.constant 8 : index
    %swap3A_1284 = arith.constant 0 : index
    %swap3A_1285 = arith.constant 0 : index
    %swap3A_1286 = vector.load %arg2[%swap3A_1282, %swap3A_1283, %swap3A_1284, %swap3A_1285] : memref<8x16x128x128xi8, #tpu.memory_space<vmem>>, vector<1x1x128x128xi8>
    %swap3A_1287 = vector.shape_cast %swap3A_1286 : vector<1x1x128x128xi8> to vector<128x128xi8>
    %swap3A_1288 = vector.shape_cast %convert_element_type3A_1281 : vector<128x128xi8> to vector<1x1x128x128xi8>
    tpu.vector_store %arg2[%swap3A_1282, %swap3A_1283, %swap3A_1284, %swap3A_1285], %swap3A_1288 {strides = array<i32>} : memref<8x16x128x128xi8, #tpu.memory_space<vmem>>, vector<1x1x128x128xi8>,
    %add3A_1289 = arith.addf %add3A_1273, %convert_element_type3A_1279 : vector<128x128xf32>
    %add3A_1290 = arith.addf %sub3A_1280, %exp3A_1179 : vector<128x128xf32>
    %ge3A_1291 = arith.constant 1.000000e+00 : f32
    %ge3A_1292 = vector.broadcast %ge3A_1291 : f32 to vector<128x128xf32>
    %ge3A_1293 = arith.cmpf oge, %add3A_1290, %ge3A_1292 : vector<128x128xf32>
    %convert_element_type3A_1294 = arith.extui %ge3A_1293 : vector<128x128xi1> to vector<128x128xi32>
    %convert_element_type3A_1295 = arith.sitofp %convert_element_type3A_1294 : vector<128x128xi32> to vector<128x128xf32>
    %convert_element_type3A_1296 = arith.fptosi %convert_element_type3A_1295 : vector<128x128xf32> to vector<128x128xi8>
    %swap3A_1297 = arith.constant 7 : index
    %swap3A_1298 = arith.constant 8 : index
    %swap3A_1299 = arith.constant 0 : index
    %swap3A_1300 = arith.constant 0 : index
    %swap3A_1301 = vector.load %arg2[%swap3A_1297, %swap3A_1298, %swap3A_1299, %swap3A_1300] : memref<8x16x128x128xi8, #tpu.memory_space<vmem>>, vector<1x1x128x128xi8>
    %swap3A_1302 = vector.shape_cast %swap3A_1301 : vector<1x1x128x128xi8> to vector<128x128xi8>
    %swap3A_1303 = vector.shape_cast %convert_element_type3A_1296 : vector<128x128xi8> to vector<1x1x128x128xi8>
    tpu.vector_store %arg2[%swap3A_1297, %swap3A_1298, %swap3A_1299, %swap3A_1300], %swap3A_1303 {strides = array<i32>} : memref<8x16x128x128xi8, #tpu.memory_space<vmem>>, vector<1x1x128x128xi8>,
    %add3A_1304 = arith.addf %add3A_1289, %convert_element_type3A_1295 : vector<128x128xf32>
    %mul3A_1305 = arith.constant 1.250000e-01 : f32
    %mul3A_1306 = vector.broadcast %mul3A_1305 : f32 to vector<128x128xf32>
    %mul3A_1307 = arith.mulf %add3A_1304, %mul3A_1306 : vector<128x128xf32>
    %swap3A_1308 = arith.constant 8 : index
    %swap3A_1309 = arith.constant 0 : index
    %swap3A_1310 = arith.constant 0 : index
    %swap3A_1311 = vector.load %arg3[%swap3A_1308, %swap3A_1309, %swap3A_1310] : memref<16x128x128xf32, #tpu.memory_space<vmem>>, vector<1x128x128xf32>
    %swap3A_1312 = vector.shape_cast %swap3A_1311 : vector<1x128x128xf32> to vector<128x128xf32>
    %swap3A_1313 = vector.shape_cast %mul3A_1307 : vector<128x128xf32> to vector<1x128x128xf32>
    tpu.vector_store %arg3[%swap3A_1308, %swap3A_1309, %swap3A_1310], %swap3A_1313 {strides = array<i32>} : memref<16x128x128xf32, #tpu.memory_space<vmem>>, vector<1x128x128xf32>,
    %mul3A_1314 = arith.constant 7.500000e+00 : f32
    %mul3A_1315 = arith.mulf %mul3A_1314, %get3A_4 : f32
    %add3A_1316 = arith.addf %get3A_2, %mul3A_1315 : f32
    %sub3A_1317 = vector.broadcast %add3A_1316 : f32 to vector<128x128xf32>
    %sub3A_1318 = arith.subf %get3A_14, %sub3A_1317 : vector<128x128xf32>
    %mul3A_1319 = arith.mulf %sub3A_1318, %sub3A_1318 : vector<128x128xf32>
    %neg3A_1320 = arith.constant 0.000000e+00 : f32
    %neg3A_1321 = arith.subf %neg3A_1320, %div3A_9 : f32
    %mul3A_1322 = vector.broadcast %neg3A_1321 : f32 to vector<128x128xf32>
    %mul3A_1323 = arith.mulf %mul3A_1319, %mul3A_1322 : vector<128x128xf32>
    %exp3A_1324 = math.exp %mul3A_1323 : vector<128x128xf32>
    %ge3A_1325 = arith.constant 1.000000e+00 : f32
    %ge3A_1326 = vector.broadcast %ge3A_1325 : f32 to vector<128x128xf32>
    %ge3A_1327 = arith.cmpf oge, %exp3A_1324, %ge3A_1326 : vector<128x128xf32>
    %convert_element_type3A_1328 = arith.extui %ge3A_1327 : vector<128x128xi1> to vector<128x128xi32>
    %convert_element_type3A_1329 = arith.sitofp %convert_element_type3A_1328 : vector<128x128xi32> to vector<128x128xf32>
    %sub3A_1330 = arith.subf %exp3A_1324, %convert_element_type3A_1329 : vector<128x128xf32>
    %convert_element_type3A_1331 = arith.fptosi %convert_element_type3A_1329 : vector<128x128xf32> to vector<128x128xi8>
    %swap3A_1332 = arith.constant 0 : index
    %swap3A_1333 = arith.constant 9 : index
    %swap3A_1334 = arith.constant 0 : index
    %swap3A_1335 = arith.constant 0 : index
    %swap3A_1336 = vector.load %arg2[%swap3A_1332, %swap3A_1333, %swap3A_1334, %swap3A_1335] : memref<8x16x128x128xi8, #tpu.memory_space<vmem>>, vector<1x1x128x128xi8>
    %swap3A_1337 = vector.shape_cast %swap3A_1336 : vector<1x1x128x128xi8> to vector<128x128xi8>
    %swap3A_1338 = vector.shape_cast %convert_element_type3A_1331 : vector<128x128xi8> to vector<1x1x128x128xi8>
    tpu.vector_store %arg2[%swap3A_1332, %swap3A_1333, %swap3A_1334, %swap3A_1335], %swap3A_1338 {strides = array<i32>} : memref<8x16x128x128xi8, #tpu.memory_space<vmem>>, vector<1x1x128x128xi8>,
    %add3A_1339 = arith.addf %sub3A_1330, %exp3A_1324 : vector<128x128xf32>
    %ge3A_1340 = arith.constant 1.000000e+00 : f32
    %ge3A_1341 = vector.broadcast %ge3A_1340 : f32 to vector<128x128xf32>
    %ge3A_1342 = arith.cmpf oge, %add3A_1339, %ge3A_1341 : vector<128x128xf32>
    %convert_element_type3A_1343 = arith.extui %ge3A_1342 : vector<128x128xi1> to vector<128x128xi32>
    %convert_element_type3A_1344 = arith.sitofp %convert_element_type3A_1343 : vector<128x128xi32> to vector<128x128xf32>
    %sub3A_1345 = arith.subf %add3A_1339, %convert_element_type3A_1344 : vector<128x128xf32>
    %convert_element_type3A_1346 = arith.fptosi %convert_element_type3A_1344 : vector<128x128xf32> to vector<128x128xi8>
    %swap3A_1347 = arith.constant 1 : index
    %swap3A_1348 = arith.constant 9 : index
    %swap3A_1349 = arith.constant 0 : index
    %swap3A_1350 = arith.constant 0 : index
    %swap3A_1351 = vector.load %arg2[%swap3A_1347, %swap3A_1348, %swap3A_1349, %swap3A_1350] : memref<8x16x128x128xi8, #tpu.memory_space<vmem>>, vector<1x1x128x128xi8>
    %swap3A_1352 = vector.shape_cast %swap3A_1351 : vector<1x1x128x128xi8> to vector<128x128xi8>
    %swap3A_1353 = vector.shape_cast %convert_element_type3A_1346 : vector<128x128xi8> to vector<1x1x128x128xi8>
    tpu.vector_store %arg2[%swap3A_1347, %swap3A_1348, %swap3A_1349, %swap3A_1350], %swap3A_1353 {strides = array<i32>} : memref<8x16x128x128xi8, #tpu.memory_space<vmem>>, vector<1x1x128x128xi8>,
    %add3A_1354 = arith.addf %convert_element_type3A_1329, %convert_element_type3A_1344 : vector<128x128xf32>
    %add3A_1355 = arith.addf %sub3A_1345, %exp3A_1324 : vector<128x128xf32>
    %ge3A_1356 = arith.constant 1.000000e+00 : f32
    %ge3A_1357 = vector.broadcast %ge3A_1356 : f32 to vector<128x128xf32>
    %ge3A_1358 = arith.cmpf oge, %add3A_1355, %ge3A_1357 : vector<128x128xf32>
    %convert_element_type3A_1359 = arith.extui %ge3A_1358 : vector<128x128xi1> to vector<128x128xi32>
    %convert_element_type3A_1360 = arith.sitofp %convert_element_type3A_1359 : vector<128x128xi32> to vector<128x128xf32>
    %sub3A_1361 = arith.subf %add3A_1355, %convert_element_type3A_1360 : vector<128x128xf32>
    %convert_element_type3A_1362 = arith.fptosi %convert_element_type3A_1360 : vector<128x128xf32> to vector<128x128xi8>
    %swap3A_1363 = arith.constant 2 : index
    %swap3A_1364 = arith.constant 9 : index
    %swap3A_1365 = arith.constant 0 : index
    %swap3A_1366 = arith.constant 0 : index
    %swap3A_1367 = vector.load %arg2[%swap3A_1363, %swap3A_1364, %swap3A_1365, %swap3A_1366] : memref<8x16x128x128xi8, #tpu.memory_space<vmem>>, vector<1x1x128x128xi8>
    %swap3A_1368 = vector.shape_cast %swap3A_1367 : vector<1x1x128x128xi8> to vector<128x128xi8>
    %swap3A_1369 = vector.shape_cast %convert_element_type3A_1362 : vector<128x128xi8> to vector<1x1x128x128xi8>
    tpu.vector_store %arg2[%swap3A_1363, %swap3A_1364, %swap3A_1365, %swap3A_1366], %swap3A_1369 {strides = array<i32>} : memref<8x16x128x128xi8, #tpu.memory_space<vmem>>, vector<1x1x128x128xi8>,
    %add3A_1370 = arith.addf %add3A_1354, %convert_element_type3A_1360 : vector<128x128xf32>
    %add3A_1371 = arith.addf %sub3A_1361, %exp3A_1324 : vector<128x128xf32>
    %ge3A_1372 = arith.constant 1.000000e+00 : f32
    %ge3A_1373 = vector.broadcast %ge3A_1372 : f32 to vector<128x128xf32>
    %ge3A_1374 = arith.cmpf oge, %add3A_1371, %ge3A_1373 : vector<128x128xf32>
    %convert_element_type3A_1375 = arith.extui %ge3A_1374 : vector<128x128xi1> to vector<128x128xi32>
    %convert_element_type3A_1376 = arith.sitofp %convert_element_type3A_1375 : vector<128x128xi32> to vector<128x128xf32>
    %sub3A_1377 = arith.subf %add3A_1371, %convert_element_type3A_1376 : vector<128x128xf32>
    %convert_element_type3A_1378 = arith.fptosi %convert_element_type3A_1376 : vector<128x128xf32> to vector<128x128xi8>
    %swap3A_1379 = arith.constant 3 : index
    %swap3A_1380 = arith.constant 9 : index
    %swap3A_1381 = arith.constant 0 : index
    %swap3A_1382 = arith.constant 0 : index
    %swap3A_1383 = vector.load %arg2[%swap3A_1379, %swap3A_1380, %swap3A_1381, %swap3A_1382] : memref<8x16x128x128xi8, #tpu.memory_space<vmem>>, vector<1x1x128x128xi8>
    %swap3A_1384 = vector.shape_cast %swap3A_1383 : vector<1x1x128x128xi8> to vector<128x128xi8>
    %swap3A_1385 = vector.shape_cast %convert_element_type3A_1378 : vector<128x128xi8> to vector<1x1x128x128xi8>
    tpu.vector_store %arg2[%swap3A_1379, %swap3A_1380, %swap3A_1381, %swap3A_1382], %swap3A_1385 {strides = array<i32>} : memref<8x16x128x128xi8, #tpu.memory_space<vmem>>, vector<1x1x128x128xi8>,
    %add3A_1386 = arith.addf %add3A_1370, %convert_element_type3A_1376 : vector<128x128xf32>
    %add3A_1387 = arith.addf %sub3A_1377, %exp3A_1324 : vector<128x128xf32>
    %ge3A_1388 = arith.constant 1.000000e+00 : f32
    %ge3A_1389 = vector.broadcast %ge3A_1388 : f32 to vector<128x128xf32>
    %ge3A_1390 = arith.cmpf oge, %add3A_1387, %ge3A_1389 : vector<128x128xf32>
    %convert_element_type3A_1391 = arith.extui %ge3A_1390 : vector<128x128xi1> to vector<128x128xi32>
    %convert_element_type3A_1392 = arith.sitofp %convert_element_type3A_1391 : vector<128x128xi32> to vector<128x128xf32>
    %sub3A_1393 = arith.subf %add3A_1387, %convert_element_type3A_1392 : vector<128x128xf32>
    %convert_element_type3A_1394 = arith.fptosi %convert_element_type3A_1392 : vector<128x128xf32> to vector<128x128xi8>
    %swap3A_1395 = arith.constant 4 : index
    %swap3A_1396 = arith.constant 9 : index
    %swap3A_1397 = arith.constant 0 : index
    %swap3A_1398 = arith.constant 0 : index
    %swap3A_1399 = vector.load %arg2[%swap3A_1395, %swap3A_1396, %swap3A_1397, %swap3A_1398] : memref<8x16x128x128xi8, #tpu.memory_space<vmem>>, vector<1x1x128x128xi8>
    %swap3A_1400 = vector.shape_cast %swap3A_1399 : vector<1x1x128x128xi8> to vector<128x128xi8>
    %swap3A_1401 = vector.shape_cast %convert_element_type3A_1394 : vector<128x128xi8> to vector<1x1x128x128xi8>
    tpu.vector_store %arg2[%swap3A_1395, %swap3A_1396, %swap3A_1397, %swap3A_1398], %swap3A_1401 {strides = array<i32>} : memref<8x16x128x128xi8, #tpu.memory_space<vmem>>, vector<1x1x128x128xi8>,
    %add3A_1402 = arith.addf %add3A_1386, %convert_element_type3A_1392 : vector<128x128xf32>
    %add3A_1403 = arith.addf %sub3A_1393, %exp3A_1324 : vector<128x128xf32>
    %ge3A_1404 = arith.constant 1.000000e+00 : f32
    %ge3A_1405 = vector.broadcast %ge3A_1404 : f32 to vector<128x128xf32>
    %ge3A_1406 = arith.cmpf oge, %add3A_1403, %ge3A_1405 : vector<128x128xf32>
    %convert_element_type3A_1407 = arith.extui %ge3A_1406 : vector<128x128xi1> to vector<128x128xi32>
    %convert_element_type3A_1408 = arith.sitofp %convert_element_type3A_1407 : vector<128x128xi32> to vector<128x128xf32>
    %sub3A_1409 = arith.subf %add3A_1403, %convert_element_type3A_1408 : vector<128x128xf32>
    %convert_element_type3A_1410 = arith.fptosi %convert_element_type3A_1408 : vector<128x128xf32> to vector<128x128xi8>
    %swap3A_1411 = arith.constant 5 : index
    %swap3A_1412 = arith.constant 9 : index
    %swap3A_1413 = arith.constant 0 : index
    %swap3A_1414 = arith.constant 0 : index
    %swap3A_1415 = vector.load %arg2[%swap3A_1411, %swap3A_1412, %swap3A_1413, %swap3A_1414] : memref<8x16x128x128xi8, #tpu.memory_space<vmem>>, vector<1x1x128x128xi8>
    %swap3A_1416 = vector.shape_cast %swap3A_1415 : vector<1x1x128x128xi8> to vector<128x128xi8>
    %swap3A_1417 = vector.shape_cast %convert_element_type3A_1410 : vector<128x128xi8> to vector<1x1x128x128xi8>
    tpu.vector_store %arg2[%swap3A_1411, %swap3A_1412, %swap3A_1413, %swap3A_1414], %swap3A_1417 {strides = array<i32>} : memref<8x16x128x128xi8, #tpu.memory_space<vmem>>, vector<1x1x128x128xi8>,
    %add3A_1418 = arith.addf %add3A_1402, %convert_element_type3A_1408 : vector<128x128xf32>
    %add3A_1419 = arith.addf %sub3A_1409, %exp3A_1324 : vector<128x128xf32>
    %ge3A_1420 = arith.constant 1.000000e+00 : f32
    %ge3A_1421 = vector.broadcast %ge3A_1420 : f32 to vector<128x128xf32>
    %ge3A_1422 = arith.cmpf oge, %add3A_1419, %ge3A_1421 : vector<128x128xf32>
    %convert_element_type3A_1423 = arith.extui %ge3A_1422 : vector<128x128xi1> to vector<128x128xi32>
    %convert_element_type3A_1424 = arith.sitofp %convert_element_type3A_1423 : vector<128x128xi32> to vector<128x128xf32>
    %sub3A_1425 = arith.subf %add3A_1419, %convert_element_type3A_1424 : vector<128x128xf32>
    %convert_element_type3A_1426 = arith.fptosi %convert_element_type3A_1424 : vector<128x128xf32> to vector<128x128xi8>
    %swap3A_1427 = arith.constant 6 : index
    %swap3A_1428 = arith.constant 9 : index
    %swap3A_1429 = arith.constant 0 : index
    %swap3A_1430 = arith.constant 0 : index
    %swap3A_1431 = vector.load %arg2[%swap3A_1427, %swap3A_1428, %swap3A_1429, %swap3A_1430] : memref<8x16x128x128xi8, #tpu.memory_space<vmem>>, vector<1x1x128x128xi8>
    %swap3A_1432 = vector.shape_cast %swap3A_1431 : vector<1x1x128x128xi8> to vector<128x128xi8>
    %swap3A_1433 = vector.shape_cast %convert_element_type3A_1426 : vector<128x128xi8> to vector<1x1x128x128xi8>
    tpu.vector_store %arg2[%swap3A_1427, %swap3A_1428, %swap3A_1429, %swap3A_1430], %swap3A_1433 {strides = array<i32>} : memref<8x16x128x128xi8, #tpu.memory_space<vmem>>, vector<1x1x128x128xi8>,
    %add3A_1434 = arith.addf %add3A_1418, %convert_element_type3A_1424 : vector<128x128xf32>
    %add3A_1435 = arith.addf %sub3A_1425, %exp3A_1324 : vector<128x128xf32>
    %ge3A_1436 = arith.constant 1.000000e+00 : f32
    %ge3A_1437 = vector.broadcast %ge3A_1436 : f32 to vector<128x128xf32>
    %ge3A_1438 = arith.cmpf oge, %add3A_1435, %ge3A_1437 : vector<128x128xf32>
    %convert_element_type3A_1439 = arith.extui %ge3A_1438 : vector<128x128xi1> to vector<128x128xi32>
    %convert_element_type3A_1440 = arith.sitofp %convert_element_type3A_1439 : vector<128x128xi32> to vector<128x128xf32>
    %convert_element_type3A_1441 = arith.fptosi %convert_element_type3A_1440 : vector<128x128xf32> to vector<128x128xi8>
    %swap3A_1442 = arith.constant 7 : index
    %swap3A_1443 = arith.constant 9 : index
    %swap3A_1444 = arith.constant 0 : index
    %swap3A_1445 = arith.constant 0 : index
    %swap3A_1446 = vector.load %arg2[%swap3A_1442, %swap3A_1443, %swap3A_1444, %swap3A_1445] : memref<8x16x128x128xi8, #tpu.memory_space<vmem>>, vector<1x1x128x128xi8>
    %swap3A_1447 = vector.shape_cast %swap3A_1446 : vector<1x1x128x128xi8> to vector<128x128xi8>
    %swap3A_1448 = vector.shape_cast %convert_element_type3A_1441 : vector<128x128xi8> to vector<1x1x128x128xi8>
    tpu.vector_store %arg2[%swap3A_1442, %swap3A_1443, %swap3A_1444, %swap3A_1445], %swap3A_1448 {strides = array<i32>} : memref<8x16x128x128xi8, #tpu.memory_space<vmem>>, vector<1x1x128x128xi8>,
    %add3A_1449 = arith.addf %add3A_1434, %convert_element_type3A_1440 : vector<128x128xf32>
    %mul3A_1450 = arith.constant 1.250000e-01 : f32
    %mul3A_1451 = vector.broadcast %mul3A_1450 : f32 to vector<128x128xf32>
    %mul3A_1452 = arith.mulf %add3A_1449, %mul3A_1451 : vector<128x128xf32>
    %swap3A_1453 = arith.constant 9 : index
    %swap3A_1454 = arith.constant 0 : index
    %swap3A_1455 = arith.constant 0 : index
    %swap3A_1456 = vector.load %arg3[%swap3A_1453, %swap3A_1454, %swap3A_1455] : memref<16x128x128xf32, #tpu.memory_space<vmem>>, vector<1x128x128xf32>
    %swap3A_1457 = vector.shape_cast %swap3A_1456 : vector<1x128x128xf32> to vector<128x128xf32>
    %swap3A_1458 = vector.shape_cast %mul3A_1452 : vector<128x128xf32> to vector<1x128x128xf32>
    tpu.vector_store %arg3[%swap3A_1453, %swap3A_1454, %swap3A_1455], %swap3A_1458 {strides = array<i32>} : memref<16x128x128xf32, #tpu.memory_space<vmem>>, vector<1x128x128xf32>,
    %mul3A_1459 = arith.constant 8.500000e+00 : f32
    %mul3A_1460 = arith.mulf %mul3A_1459, %get3A_4 : f32
    %add3A_1461 = arith.addf %get3A_2, %mul3A_1460 : f32
    %sub3A_1462 = vector.broadcast %add3A_1461 : f32 to vector<128x128xf32>
    %sub3A_1463 = arith.subf %get3A_14, %sub3A_1462 : vector<128x128xf32>
    %mul3A_1464 = arith.mulf %sub3A_1463, %sub3A_1463 : vector<128x128xf32>
    %neg3A_1465 = arith.constant 0.000000e+00 : f32
    %neg3A_1466 = arith.subf %neg3A_1465, %div3A_9 : f32
    %mul3A_1467 = vector.broadcast %neg3A_1466 : f32 to vector<128x128xf32>
    %mul3A_1468 = arith.mulf %mul3A_1464, %mul3A_1467 : vector<128x128xf32>
    %exp3A_1469 = math.exp %mul3A_1468 : vector<128x128xf32>
    %ge3A_1470 = arith.constant 1.000000e+00 : f32
    %ge3A_1471 = vector.broadcast %ge3A_1470 : f32 to vector<128x128xf32>
    %ge3A_1472 = arith.cmpf oge, %exp3A_1469, %ge3A_1471 : vector<128x128xf32>
    %convert_element_type3A_1473 = arith.extui %ge3A_1472 : vector<128x128xi1> to vector<128x128xi32>
    %convert_element_type3A_1474 = arith.sitofp %convert_element_type3A_1473 : vector<128x128xi32> to vector<128x128xf32>
    %sub3A_1475 = arith.subf %exp3A_1469, %convert_element_type3A_1474 : vector<128x128xf32>
    %convert_element_type3A_1476 = arith.fptosi %convert_element_type3A_1474 : vector<128x128xf32> to vector<128x128xi8>
    %swap3A_1477 = arith.constant 0 : index
    %swap3A_1478 = arith.constant 10 : index
    %swap3A_1479 = arith.constant 0 : index
    %swap3A_1480 = arith.constant 0 : index
    %swap3A_1481 = vector.load %arg2[%swap3A_1477, %swap3A_1478, %swap3A_1479, %swap3A_1480] : memref<8x16x128x128xi8, #tpu.memory_space<vmem>>, vector<1x1x128x128xi8>
    %swap3A_1482 = vector.shape_cast %swap3A_1481 : vector<1x1x128x128xi8> to vector<128x128xi8>
    %swap3A_1483 = vector.shape_cast %convert_element_type3A_1476 : vector<128x128xi8> to vector<1x1x128x128xi8>
    tpu.vector_store %arg2[%swap3A_1477, %swap3A_1478, %swap3A_1479, %swap3A_1480], %swap3A_1483 {strides = array<i32>} : memref<8x16x128x128xi8, #tpu.memory_space<vmem>>, vector<1x1x128x128xi8>,
    %add3A_1484 = arith.addf %sub3A_1475, %exp3A_1469 : vector<128x128xf32>
    %ge3A_1485 = arith.constant 1.000000e+00 : f32
    %ge3A_1486 = vector.broadcast %ge3A_1485 : f32 to vector<128x128xf32>
    %ge3A_1487 = arith.cmpf oge, %add3A_1484, %ge3A_1486 : vector<128x128xf32>
    %convert_element_type3A_1488 = arith.extui %ge3A_1487 : vector<128x128xi1> to vector<128x128xi32>
    %convert_element_type3A_1489 = arith.sitofp %convert_element_type3A_1488 : vector<128x128xi32> to vector<128x128xf32>
    %sub3A_1490 = arith.subf %add3A_1484, %convert_element_type3A_1489 : vector<128x128xf32>
    %convert_element_type3A_1491 = arith.fptosi %convert_element_type3A_1489 : vector<128x128xf32> to vector<128x128xi8>
    %swap3A_1492 = arith.constant 1 : index
    %swap3A_1493 = arith.constant 10 : index
    %swap3A_1494 = arith.constant 0 : index
    %swap3A_1495 = arith.constant 0 : index
    %swap3A_1496 = vector.load %arg2[%swap3A_1492, %swap3A_1493, %swap3A_1494, %swap3A_1495] : memref<8x16x128x128xi8, #tpu.memory_space<vmem>>, vector<1x1x128x128xi8>
    %swap3A_1497 = vector.shape_cast %swap3A_1496 : vector<1x1x128x128xi8> to vector<128x128xi8>
    %swap3A_1498 = vector.shape_cast %convert_element_type3A_1491 : vector<128x128xi8> to vector<1x1x128x128xi8>
    tpu.vector_store %arg2[%swap3A_1492, %swap3A_1493, %swap3A_1494, %swap3A_1495], %swap3A_1498 {strides = array<i32>} : memref<8x16x128x128xi8, #tpu.memory_space<vmem>>, vector<1x1x128x128xi8>,
    %add3A_1499 = arith.addf %convert_element_type3A_1474, %convert_element_type3A_1489 : vector<128x128xf32>
    %add3A_1500 = arith.addf %sub3A_1490, %exp3A_1469 : vector<128x128xf32>
    %ge3A_1501 = arith.constant 1.000000e+00 : f32
    %ge3A_1502 = vector.broadcast %ge3A_1501 : f32 to vector<128x128xf32>
    %ge3A_1503 = arith.cmpf oge, %add3A_1500, %ge3A_1502 : vector<128x128xf32>
    %convert_element_type3A_1504 = arith.extui %ge3A_1503 : vector<128x128xi1> to vector<128x128xi32>
    %convert_element_type3A_1505 = arith.sitofp %convert_element_type3A_1504 : vector<128x128xi32> to vector<128x128xf32>
    %sub3A_1506 = arith.subf %add3A_1500, %convert_element_type3A_1505 : vector<128x128xf32>
    %convert_element_type3A_1507 = arith.fptosi %convert_element_type3A_1505 : vector<128x128xf32> to vector<128x128xi8>
    %swap3A_1508 = arith.constant 2 : index
    %swap3A_1509 = arith.constant 10 : index
    %swap3A_1510 = arith.constant 0 : index
    %swap3A_1511 = arith.constant 0 : index
    %swap3A_1512 = vector.load %arg2[%swap3A_1508, %swap3A_1509, %swap3A_1510, %swap3A_1511] : memref<8x16x128x128xi8, #tpu.memory_space<vmem>>, vector<1x1x128x128xi8>
    %swap3A_1513 = vector.shape_cast %swap3A_1512 : vector<1x1x128x128xi8> to vector<128x128xi8>
    %swap3A_1514 = vector.shape_cast %convert_element_type3A_1507 : vector<128x128xi8> to vector<1x1x128x128xi8>
    tpu.vector_store %arg2[%swap3A_1508, %swap3A_1509, %swap3A_1510, %swap3A_1511], %swap3A_1514 {strides = array<i32>} : memref<8x16x128x128xi8, #tpu.memory_space<vmem>>, vector<1x1x128x128xi8>,
    %add3A_1515 = arith.addf %add3A_1499, %convert_element_type3A_1505 : vector<128x128xf32>
    %add3A_1516 = arith.addf %sub3A_1506, %exp3A_1469 : vector<128x128xf32>
    %ge3A_1517 = arith.constant 1.000000e+00 : f32
    %ge3A_1518 = vector.broadcast %ge3A_1517 : f32 to vector<128x128xf32>
    %ge3A_1519 = arith.cmpf oge, %add3A_1516, %ge3A_1518 : vector<128x128xf32>
    %convert_element_type3A_1520 = arith.extui %ge3A_1519 : vector<128x128xi1> to vector<128x128xi32>
    %convert_element_type3A_1521 = arith.sitofp %convert_element_type3A_1520 : vector<128x128xi32> to vector<128x128xf32>
    %sub3A_1522 = arith.subf %add3A_1516, %convert_element_type3A_1521 : vector<128x128xf32>
    %convert_element_type3A_1523 = arith.fptosi %convert_element_type3A_1521 : vector<128x128xf32> to vector<128x128xi8>
    %swap3A_1524 = arith.constant 3 : index
    %swap3A_1525 = arith.constant 10 : index
    %swap3A_1526 = arith.constant 0 : index
    %swap3A_1527 = arith.constant 0 : index
    %swap3A_1528 = vector.load %arg2[%swap3A_1524, %swap3A_1525, %swap3A_1526, %swap3A_1527] : memref<8x16x128x128xi8, #tpu.memory_space<vmem>>, vector<1x1x128x128xi8>
    %swap3A_1529 = vector.shape_cast %swap3A_1528 : vector<1x1x128x128xi8> to vector<128x128xi8>
    %swap3A_1530 = vector.shape_cast %convert_element_type3A_1523 : vector<128x128xi8> to vector<1x1x128x128xi8>
    tpu.vector_store %arg2[%swap3A_1524, %swap3A_1525, %swap3A_1526, %swap3A_1527], %swap3A_1530 {strides = array<i32>} : memref<8x16x128x128xi8, #tpu.memory_space<vmem>>, vector<1x1x128x128xi8>,
    %add3A_1531 = arith.addf %add3A_1515, %convert_element_type3A_1521 : vector<128x128xf32>
    %add3A_1532 = arith.addf %sub3A_1522, %exp3A_1469 : vector<128x128xf32>
    %ge3A_1533 = arith.constant 1.000000e+00 : f32
    %ge3A_1534 = vector.broadcast %ge3A_1533 : f32 to vector<128x128xf32>
    %ge3A_1535 = arith.cmpf oge, %add3A_1532, %ge3A_1534 : vector<128x128xf32>
    %convert_element_type3A_1536 = arith.extui %ge3A_1535 : vector<128x128xi1> to vector<128x128xi32>
    %convert_element_type3A_1537 = arith.sitofp %convert_element_type3A_1536 : vector<128x128xi32> to vector<128x128xf32>
    %sub3A_1538 = arith.subf %add3A_1532, %convert_element_type3A_1537 : vector<128x128xf32>
    %convert_element_type3A_1539 = arith.fptosi %convert_element_type3A_1537 : vector<128x128xf32> to vector<128x128xi8>
    %swap3A_1540 = arith.constant 4 : index
    %swap3A_1541 = arith.constant 10 : index
    %swap3A_1542 = arith.constant 0 : index
    %swap3A_1543 = arith.constant 0 : index
    %swap3A_1544 = vector.load %arg2[%swap3A_1540, %swap3A_1541, %swap3A_1542, %swap3A_1543] : memref<8x16x128x128xi8, #tpu.memory_space<vmem>>, vector<1x1x128x128xi8>
    %swap3A_1545 = vector.shape_cast %swap3A_1544 : vector<1x1x128x128xi8> to vector<128x128xi8>
    %swap3A_1546 = vector.shape_cast %convert_element_type3A_1539 : vector<128x128xi8> to vector<1x1x128x128xi8>
    tpu.vector_store %arg2[%swap3A_1540, %swap3A_1541, %swap3A_1542, %swap3A_1543], %swap3A_1546 {strides = array<i32>} : memref<8x16x128x128xi8, #tpu.memory_space<vmem>>, vector<1x1x128x128xi8>,
    %add3A_1547 = arith.addf %add3A_1531, %convert_element_type3A_1537 : vector<128x128xf32>
    %add3A_1548 = arith.addf %sub3A_1538, %exp3A_1469 : vector<128x128xf32>
    %ge3A_1549 = arith.constant 1.000000e+00 : f32
    %ge3A_1550 = vector.broadcast %ge3A_1549 : f32 to vector<128x128xf32>
    %ge3A_1551 = arith.cmpf oge, %add3A_1548, %ge3A_1550 : vector<128x128xf32>
    %convert_element_type3A_1552 = arith.extui %ge3A_1551 : vector<128x128xi1> to vector<128x128xi32>
    %convert_element_type3A_1553 = arith.sitofp %convert_element_type3A_1552 : vector<128x128xi32> to vector<128x128xf32>
    %sub3A_1554 = arith.subf %add3A_1548, %convert_element_type3A_1553 : vector<128x128xf32>
    %convert_element_type3A_1555 = arith.fptosi %convert_element_type3A_1553 : vector<128x128xf32> to vector<128x128xi8>
    %swap3A_1556 = arith.constant 5 : index
    %swap3A_1557 = arith.constant 10 : index
    %swap3A_1558 = arith.constant 0 : index
    %swap3A_1559 = arith.constant 0 : index
    %swap3A_1560 = vector.load %arg2[%swap3A_1556, %swap3A_1557, %swap3A_1558, %swap3A_1559] : memref<8x16x128x128xi8, #tpu.memory_space<vmem>>, vector<1x1x128x128xi8>
    %swap3A_1561 = vector.shape_cast %swap3A_1560 : vector<1x1x128x128xi8> to vector<128x128xi8>
    %swap3A_1562 = vector.shape_cast %convert_element_type3A_1555 : vector<128x128xi8> to vector<1x1x128x128xi8>
    tpu.vector_store %arg2[%swap3A_1556, %swap3A_1557, %swap3A_1558, %swap3A_1559], %swap3A_1562 {strides = array<i32>} : memref<8x16x128x128xi8, #tpu.memory_space<vmem>>, vector<1x1x128x128xi8>,
    %add3A_1563 = arith.addf %add3A_1547, %convert_element_type3A_1553 : vector<128x128xf32>
    %add3A_1564 = arith.addf %sub3A_1554, %exp3A_1469 : vector<128x128xf32>
    %ge3A_1565 = arith.constant 1.000000e+00 : f32
    %ge3A_1566 = vector.broadcast %ge3A_1565 : f32 to vector<128x128xf32>
    %ge3A_1567 = arith.cmpf oge, %add3A_1564, %ge3A_1566 : vector<128x128xf32>
    %convert_element_type3A_1568 = arith.extui %ge3A_1567 : vector<128x128xi1> to vector<128x128xi32>
    %convert_element_type3A_1569 = arith.sitofp %convert_element_type3A_1568 : vector<128x128xi32> to vector<128x128xf32>
    %sub3A_1570 = arith.subf %add3A_1564, %convert_element_type3A_1569 : vector<128x128xf32>
    %convert_element_type3A_1571 = arith.fptosi %convert_element_type3A_1569 : vector<128x128xf32> to vector<128x128xi8>
    %swap3A_1572 = arith.constant 6 : index
    %swap3A_1573 = arith.constant 10 : index
    %swap3A_1574 = arith.constant 0 : index
    %swap3A_1575 = arith.constant 0 : index
    %swap3A_1576 = vector.load %arg2[%swap3A_1572, %swap3A_1573, %swap3A_1574, %swap3A_1575] : memref<8x16x128x128xi8, #tpu.memory_space<vmem>>, vector<1x1x128x128xi8>
    %swap3A_1577 = vector.shape_cast %swap3A_1576 : vector<1x1x128x128xi8> to vector<128x128xi8>
    %swap3A_1578 = vector.shape_cast %convert_element_type3A_1571 : vector<128x128xi8> to vector<1x1x128x128xi8>
    tpu.vector_store %arg2[%swap3A_1572, %swap3A_1573, %swap3A_1574, %swap3A_1575], %swap3A_1578 {strides = array<i32>} : memref<8x16x128x128xi8, #tpu.memory_space<vmem>>, vector<1x1x128x128xi8>,
    %add3A_1579 = arith.addf %add3A_1563, %convert_element_type3A_1569 : vector<128x128xf32>
    %add3A_1580 = arith.addf %sub3A_1570, %exp3A_1469 : vector<128x128xf32>
    %ge3A_1581 = arith.constant 1.000000e+00 : f32
    %ge3A_1582 = vector.broadcast %ge3A_1581 : f32 to vector<128x128xf32>
    %ge3A_1583 = arith.cmpf oge, %add3A_1580, %ge3A_1582 : vector<128x128xf32>
    %convert_element_type3A_1584 = arith.extui %ge3A_1583 : vector<128x128xi1> to vector<128x128xi32>
    %convert_element_type3A_1585 = arith.sitofp %convert_element_type3A_1584 : vector<128x128xi32> to vector<128x128xf32>
    %convert_element_type3A_1586 = arith.fptosi %convert_element_type3A_1585 : vector<128x128xf32> to vector<128x128xi8>
    %swap3A_1587 = arith.constant 7 : index
    %swap3A_1588 = arith.constant 10 : index
    %swap3A_1589 = arith.constant 0 : index
    %swap3A_1590 = arith.constant 0 : index
    %swap3A_1591 = vector.load %arg2[%swap3A_1587, %swap3A_1588, %swap3A_1589, %swap3A_1590] : memref<8x16x128x128xi8, #tpu.memory_space<vmem>>, vector<1x1x128x128xi8>
    %swap3A_1592 = vector.shape_cast %swap3A_1591 : vector<1x1x128x128xi8> to vector<128x128xi8>
    %swap3A_1593 = vector.shape_cast %convert_element_type3A_1586 : vector<128x128xi8> to vector<1x1x128x128xi8>
    tpu.vector_store %arg2[%swap3A_1587, %swap3A_1588, %swap3A_1589, %swap3A_1590], %swap3A_1593 {strides = array<i32>} : memref<8x16x128x128xi8, #tpu.memory_space<vmem>>, vector<1x1x128x128xi8>,
    %add3A_1594 = arith.addf %add3A_1579, %convert_element_type3A_1585 : vector<128x128xf32>
    %mul3A_1595 = arith.constant 1.250000e-01 : f32
    %mul3A_1596 = vector.broadcast %mul3A_1595 : f32 to vector<128x128xf32>
    %mul3A_1597 = arith.mulf %add3A_1594, %mul3A_1596 : vector<128x128xf32>
    %swap3A_1598 = arith.constant 10 : index
    %swap3A_1599 = arith.constant 0 : index
    %swap3A_1600 = arith.constant 0 : index
    %swap3A_1601 = vector.load %arg3[%swap3A_1598, %swap3A_1599, %swap3A_1600] : memref<16x128x128xf32, #tpu.memory_space<vmem>>, vector<1x128x128xf32>
    %swap3A_1602 = vector.shape_cast %swap3A_1601 : vector<1x128x128xf32> to vector<128x128xf32>
    %swap3A_1603 = vector.shape_cast %mul3A_1597 : vector<128x128xf32> to vector<1x128x128xf32>
    tpu.vector_store %arg3[%swap3A_1598, %swap3A_1599, %swap3A_1600], %swap3A_1603 {strides = array<i32>} : memref<16x128x128xf32, #tpu.memory_space<vmem>>, vector<1x128x128xf32>,
    %mul3A_1604 = arith.constant 9.500000e+00 : f32
    %mul3A_1605 = arith.mulf %mul3A_1604, %get3A_4 : f32
    %add3A_1606 = arith.addf %get3A_2, %mul3A_1605 : f32
    %sub3A_1607 = vector.broadcast %add3A_1606 : f32 to vector<128x128xf32>
    %sub3A_1608 = arith.subf %get3A_14, %sub3A_1607 : vector<128x128xf32>
    %mul3A_1609 = arith.mulf %sub3A_1608, %sub3A_1608 : vector<128x128xf32>
    %neg3A_1610 = arith.constant 0.000000e+00 : f32
    %neg3A_1611 = arith.subf %neg3A_1610, %div3A_9 : f32
    %mul3A_1612 = vector.broadcast %neg3A_1611 : f32 to vector<128x128xf32>
    %mul3A_1613 = arith.mulf %mul3A_1609, %mul3A_1612 : vector<128x128xf32>
    %exp3A_1614 = math.exp %mul3A_1613 : vector<128x128xf32>
    %ge3A_1615 = arith.constant 1.000000e+00 : f32
    %ge3A_1616 = vector.broadcast %ge3A_1615 : f32 to vector<128x128xf32>
    %ge3A_1617 = arith.cmpf oge, %exp3A_1614, %ge3A_1616 : vector<128x128xf32>
    %convert_element_type3A_1618 = arith.extui %ge3A_1617 : vector<128x128xi1> to vector<128x128xi32>
    %convert_element_type3A_1619 = arith.sitofp %convert_element_type3A_1618 : vector<128x128xi32> to vector<128x128xf32>
    %sub3A_1620 = arith.subf %exp3A_1614, %convert_element_type3A_1619 : vector<128x128xf32>
    %convert_element_type3A_1621 = arith.fptosi %convert_element_type3A_1619 : vector<128x128xf32> to vector<128x128xi8>
    %swap3A_1622 = arith.constant 0 : index
    %swap3A_1623 = arith.constant 11 : index
    %swap3A_1624 = arith.constant 0 : index
    %swap3A_1625 = arith.constant 0 : index
    %swap3A_1626 = vector.load %arg2[%swap3A_1622, %swap3A_1623, %swap3A_1624, %swap3A_1625] : memref<8x16x128x128xi8, #tpu.memory_space<vmem>>, vector<1x1x128x128xi8>
    %swap3A_1627 = vector.shape_cast %swap3A_1626 : vector<1x1x128x128xi8> to vector<128x128xi8>
    %swap3A_1628 = vector.shape_cast %convert_element_type3A_1621 : vector<128x128xi8> to vector<1x1x128x128xi8>
    tpu.vector_store %arg2[%swap3A_1622, %swap3A_1623, %swap3A_1624, %swap3A_1625], %swap3A_1628 {strides = array<i32>} : memref<8x16x128x128xi8, #tpu.memory_space<vmem>>, vector<1x1x128x128xi8>,
    %add3A_1629 = arith.addf %sub3A_1620, %exp3A_1614 : vector<128x128xf32>
    %ge3A_1630 = arith.constant 1.000000e+00 : f32
    %ge3A_1631 = vector.broadcast %ge3A_1630 : f32 to vector<128x128xf32>
    %ge3A_1632 = arith.cmpf oge, %add3A_1629, %ge3A_1631 : vector<128x128xf32>
    %convert_element_type3A_1633 = arith.extui %ge3A_1632 : vector<128x128xi1> to vector<128x128xi32>
    %convert_element_type3A_1634 = arith.sitofp %convert_element_type3A_1633 : vector<128x128xi32> to vector<128x128xf32>
    %sub3A_1635 = arith.subf %add3A_1629, %convert_element_type3A_1634 : vector<128x128xf32>
    %convert_element_type3A_1636 = arith.fptosi %convert_element_type3A_1634 : vector<128x128xf32> to vector<128x128xi8>
    %swap3A_1637 = arith.constant 1 : index
    %swap3A_1638 = arith.constant 11 : index
    %swap3A_1639 = arith.constant 0 : index
    %swap3A_1640 = arith.constant 0 : index
    %swap3A_1641 = vector.load %arg2[%swap3A_1637, %swap3A_1638, %swap3A_1639, %swap3A_1640] : memref<8x16x128x128xi8, #tpu.memory_space<vmem>>, vector<1x1x128x128xi8>
    %swap3A_1642 = vector.shape_cast %swap3A_1641 : vector<1x1x128x128xi8> to vector<128x128xi8>
    %swap3A_1643 = vector.shape_cast %convert_element_type3A_1636 : vector<128x128xi8> to vector<1x1x128x128xi8>
    tpu.vector_store %arg2[%swap3A_1637, %swap3A_1638, %swap3A_1639, %swap3A_1640], %swap3A_1643 {strides = array<i32>} : memref<8x16x128x128xi8, #tpu.memory_space<vmem>>, vector<1x1x128x128xi8>,
    %add3A_1644 = arith.addf %convert_element_type3A_1619, %convert_element_type3A_1634 : vector<128x128xf32>
    %add3A_1645 = arith.addf %sub3A_1635, %exp3A_1614 : vector<128x128xf32>
    %ge3A_1646 = arith.constant 1.000000e+00 : f32
    %ge3A_1647 = vector.broadcast %ge3A_1646 : f32 to vector<128x128xf32>
    %ge3A_1648 = arith.cmpf oge, %add3A_1645, %ge3A_1647 : vector<128x128xf32>
    %convert_element_type3A_1649 = arith.extui %ge3A_1648 : vector<128x128xi1> to vector<128x128xi32>
    %convert_element_type3A_1650 = arith.sitofp %convert_element_type3A_1649 : vector<128x128xi32> to vector<128x128xf32>
    %sub3A_1651 = arith.subf %add3A_1645, %convert_element_type3A_1650 : vector<128x128xf32>
    %convert_element_type3A_1652 = arith.fptosi %convert_element_type3A_1650 : vector<128x128xf32> to vector<128x128xi8>
    %swap3A_1653 = arith.constant 2 : index
    %swap3A_1654 = arith.constant 11 : index
    %swap3A_1655 = arith.constant 0 : index
    %swap3A_1656 = arith.constant 0 : index
    %swap3A_1657 = vector.load %arg2[%swap3A_1653, %swap3A_1654, %swap3A_1655, %swap3A_1656] : memref<8x16x128x128xi8, #tpu.memory_space<vmem>>, vector<1x1x128x128xi8>
    %swap3A_1658 = vector.shape_cast %swap3A_1657 : vector<1x1x128x128xi8> to vector<128x128xi8>
    %swap3A_1659 = vector.shape_cast %convert_element_type3A_1652 : vector<128x128xi8> to vector<1x1x128x128xi8>
    tpu.vector_store %arg2[%swap3A_1653, %swap3A_1654, %swap3A_1655, %swap3A_1656], %swap3A_1659 {strides = array<i32>} : memref<8x16x128x128xi8, #tpu.memory_space<vmem>>, vector<1x1x128x128xi8>,
    %add3A_1660 = arith.addf %add3A_1644, %convert_element_type3A_1650 : vector<128x128xf32>
    %add3A_1661 = arith.addf %sub3A_1651, %exp3A_1614 : vector<128x128xf32>
    %ge3A_1662 = arith.constant 1.000000e+00 : f32
    %ge3A_1663 = vector.broadcast %ge3A_1662 : f32 to vector<128x128xf32>
    %ge3A_1664 = arith.cmpf oge, %add3A_1661, %ge3A_1663 : vector<128x128xf32>
    %convert_element_type3A_1665 = arith.extui %ge3A_1664 : vector<128x128xi1> to vector<128x128xi32>
    %convert_element_type3A_1666 = arith.sitofp %convert_element_type3A_1665 : vector<128x128xi32> to vector<128x128xf32>
    %sub3A_1667 = arith.subf %add3A_1661, %convert_element_type3A_1666 : vector<128x128xf32>
    %convert_element_type3A_1668 = arith.fptosi %convert_element_type3A_1666 : vector<128x128xf32> to vector<128x128xi8>
    %swap3A_1669 = arith.constant 3 : index
    %swap3A_1670 = arith.constant 11 : index
    %swap3A_1671 = arith.constant 0 : index
    %swap3A_1672 = arith.constant 0 : index
    %swap3A_1673 = vector.load %arg2[%swap3A_1669, %swap3A_1670, %swap3A_1671, %swap3A_1672] : memref<8x16x128x128xi8, #tpu.memory_space<vmem>>, vector<1x1x128x128xi8>
    %swap3A_1674 = vector.shape_cast %swap3A_1673 : vector<1x1x128x128xi8> to vector<128x128xi8>
    %swap3A_1675 = vector.shape_cast %convert_element_type3A_1668 : vector<128x128xi8> to vector<1x1x128x128xi8>
    tpu.vector_store %arg2[%swap3A_1669, %swap3A_1670, %swap3A_1671, %swap3A_1672], %swap3A_1675 {strides = array<i32>} : memref<8x16x128x128xi8, #tpu.memory_space<vmem>>, vector<1x1x128x128xi8>,
    %add3A_1676 = arith.addf %add3A_1660, %convert_element_type3A_1666 : vector<128x128xf32>
    %add3A_1677 = arith.addf %sub3A_1667, %exp3A_1614 : vector<128x128xf32>
    %ge3A_1678 = arith.constant 1.000000e+00 : f32
    %ge3A_1679 = vector.broadcast %ge3A_1678 : f32 to vector<128x128xf32>
    %ge3A_1680 = arith.cmpf oge, %add3A_1677, %ge3A_1679 : vector<128x128xf32>
    %convert_element_type3A_1681 = arith.extui %ge3A_1680 : vector<128x128xi1> to vector<128x128xi32>
    %convert_element_type3A_1682 = arith.sitofp %convert_element_type3A_1681 : vector<128x128xi32> to vector<128x128xf32>
    %sub3A_1683 = arith.subf %add3A_1677, %convert_element_type3A_1682 : vector<128x128xf32>
    %convert_element_type3A_1684 = arith.fptosi %convert_element_type3A_1682 : vector<128x128xf32> to vector<128x128xi8>
    %swap3A_1685 = arith.constant 4 : index
    %swap3A_1686 = arith.constant 11 : index
    %swap3A_1687 = arith.constant 0 : index
    %swap3A_1688 = arith.constant 0 : index
    %swap3A_1689 = vector.load %arg2[%swap3A_1685, %swap3A_1686, %swap3A_1687, %swap3A_1688] : memref<8x16x128x128xi8, #tpu.memory_space<vmem>>, vector<1x1x128x128xi8>
    %swap3A_1690 = vector.shape_cast %swap3A_1689 : vector<1x1x128x128xi8> to vector<128x128xi8>
    %swap3A_1691 = vector.shape_cast %convert_element_type3A_1684 : vector<128x128xi8> to vector<1x1x128x128xi8>
    tpu.vector_store %arg2[%swap3A_1685, %swap3A_1686, %swap3A_1687, %swap3A_1688], %swap3A_1691 {strides = array<i32>} : memref<8x16x128x128xi8, #tpu.memory_space<vmem>>, vector<1x1x128x128xi8>,
    %add3A_1692 = arith.addf %add3A_1676, %convert_element_type3A_1682 : vector<128x128xf32>
    %add3A_1693 = arith.addf %sub3A_1683, %exp3A_1614 : vector<128x128xf32>
    %ge3A_1694 = arith.constant 1.000000e+00 : f32
    %ge3A_1695 = vector.broadcast %ge3A_1694 : f32 to vector<128x128xf32>
    %ge3A_1696 = arith.cmpf oge, %add3A_1693, %ge3A_1695 : vector<128x128xf32>
    %convert_element_type3A_1697 = arith.extui %ge3A_1696 : vector<128x128xi1> to vector<128x128xi32>
    %convert_element_type3A_1698 = arith.sitofp %convert_element_type3A_1697 : vector<128x128xi32> to vector<128x128xf32>
    %sub3A_1699 = arith.subf %add3A_1693, %convert_element_type3A_1698 : vector<128x128xf32>
    %convert_element_type3A_1700 = arith.fptosi %convert_element_type3A_1698 : vector<128x128xf32> to vector<128x128xi8>
    %swap3A_1701 = arith.constant 5 : index
    %swap3A_1702 = arith.constant 11 : index
    %swap3A_1703 = arith.constant 0 : index
    %swap3A_1704 = arith.constant 0 : index
    %swap3A_1705 = vector.load %arg2[%swap3A_1701, %swap3A_1702, %swap3A_1703, %swap3A_1704] : memref<8x16x128x128xi8, #tpu.memory_space<vmem>>, vector<1x1x128x128xi8>
    %swap3A_1706 = vector.shape_cast %swap3A_1705 : vector<1x1x128x128xi8> to vector<128x128xi8>
    %swap3A_1707 = vector.shape_cast %convert_element_type3A_1700 : vector<128x128xi8> to vector<1x1x128x128xi8>
    tpu.vector_store %arg2[%swap3A_1701, %swap3A_1702, %swap3A_1703, %swap3A_1704], %swap3A_1707 {strides = array<i32>} : memref<8x16x128x128xi8, #tpu.memory_space<vmem>>, vector<1x1x128x128xi8>,
    %add3A_1708 = arith.addf %add3A_1692, %convert_element_type3A_1698 : vector<128x128xf32>
    %add3A_1709 = arith.addf %sub3A_1699, %exp3A_1614 : vector<128x128xf32>
    %ge3A_1710 = arith.constant 1.000000e+00 : f32
    %ge3A_1711 = vector.broadcast %ge3A_1710 : f32 to vector<128x128xf32>
    %ge3A_1712 = arith.cmpf oge, %add3A_1709, %ge3A_1711 : vector<128x128xf32>
    %convert_element_type3A_1713 = arith.extui %ge3A_1712 : vector<128x128xi1> to vector<128x128xi32>
    %convert_element_type3A_1714 = arith.sitofp %convert_element_type3A_1713 : vector<128x128xi32> to vector<128x128xf32>
    %sub3A_1715 = arith.subf %add3A_1709, %convert_element_type3A_1714 : vector<128x128xf32>
    %convert_element_type3A_1716 = arith.fptosi %convert_element_type3A_1714 : vector<128x128xf32> to vector<128x128xi8>
    %swap3A_1717 = arith.constant 6 : index
    %swap3A_1718 = arith.constant 11 : index
    %swap3A_1719 = arith.constant 0 : index
    %swap3A_1720 = arith.constant 0 : index
    %swap3A_1721 = vector.load %arg2[%swap3A_1717, %swap3A_1718, %swap3A_1719, %swap3A_1720] : memref<8x16x128x128xi8, #tpu.memory_space<vmem>>, vector<1x1x128x128xi8>
    %swap3A_1722 = vector.shape_cast %swap3A_1721 : vector<1x1x128x128xi8> to vector<128x128xi8>
    %swap3A_1723 = vector.shape_cast %convert_element_type3A_1716 : vector<128x128xi8> to vector<1x1x128x128xi8>
    tpu.vector_store %arg2[%swap3A_1717, %swap3A_1718, %swap3A_1719, %swap3A_1720], %swap3A_1723 {strides = array<i32>} : memref<8x16x128x128xi8, #tpu.memory_space<vmem>>, vector<1x1x128x128xi8>,
    %add3A_1724 = arith.addf %add3A_1708, %convert_element_type3A_1714 : vector<128x128xf32>
    %add3A_1725 = arith.addf %sub3A_1715, %exp3A_1614 : vector<128x128xf32>
    %ge3A_1726 = arith.constant 1.000000e+00 : f32
    %ge3A_1727 = vector.broadcast %ge3A_1726 : f32 to vector<128x128xf32>
    %ge3A_1728 = arith.cmpf oge, %add3A_1725, %ge3A_1727 : vector<128x128xf32>
    %convert_element_type3A_1729 = arith.extui %ge3A_1728 : vector<128x128xi1> to vector<128x128xi32>
    %convert_element_type3A_1730 = arith.sitofp %convert_element_type3A_1729 : vector<128x128xi32> to vector<128x128xf32>
    %convert_element_type3A_1731 = arith.fptosi %convert_element_type3A_1730 : vector<128x128xf32> to vector<128x128xi8>
    %swap3A_1732 = arith.constant 7 : index
    %swap3A_1733 = arith.constant 11 : index
    %swap3A_1734 = arith.constant 0 : index
    %swap3A_1735 = arith.constant 0 : index
    %swap3A_1736 = vector.load %arg2[%swap3A_1732, %swap3A_1733, %swap3A_1734, %swap3A_1735] : memref<8x16x128x128xi8, #tpu.memory_space<vmem>>, vector<1x1x128x128xi8>
    %swap3A_1737 = vector.shape_cast %swap3A_1736 : vector<1x1x128x128xi8> to vector<128x128xi8>
    %swap3A_1738 = vector.shape_cast %convert_element_type3A_1731 : vector<128x128xi8> to vector<1x1x128x128xi8>
    tpu.vector_store %arg2[%swap3A_1732, %swap3A_1733, %swap3A_1734, %swap3A_1735], %swap3A_1738 {strides = array<i32>} : memref<8x16x128x128xi8, #tpu.memory_space<vmem>>, vector<1x1x128x128xi8>,
    %add3A_1739 = arith.addf %add3A_1724, %convert_element_type3A_1730 : vector<128x128xf32>
    %mul3A_1740 = arith.constant 1.250000e-01 : f32
    %mul3A_1741 = vector.broadcast %mul3A_1740 : f32 to vector<128x128xf32>
    %mul3A_1742 = arith.mulf %add3A_1739, %mul3A_1741 : vector<128x128xf32>
    %swap3A_1743 = arith.constant 11 : index
    %swap3A_1744 = arith.constant 0 : index
    %swap3A_1745 = arith.constant 0 : index
    %swap3A_1746 = vector.load %arg3[%swap3A_1743, %swap3A_1744, %swap3A_1745] : memref<16x128x128xf32, #tpu.memory_space<vmem>>, vector<1x128x128xf32>
    %swap3A_1747 = vector.shape_cast %swap3A_1746 : vector<1x128x128xf32> to vector<128x128xf32>
    %swap3A_1748 = vector.shape_cast %mul3A_1742 : vector<128x128xf32> to vector<1x128x128xf32>
    tpu.vector_store %arg3[%swap3A_1743, %swap3A_1744, %swap3A_1745], %swap3A_1748 {strides = array<i32>} : memref<16x128x128xf32, #tpu.memory_space<vmem>>, vector<1x128x128xf32>,
    %mul3A_1749 = arith.constant 1.050000e+01 : f32
    %mul3A_1750 = arith.mulf %mul3A_1749, %get3A_4 : f32
    %add3A_1751 = arith.addf %get3A_2, %mul3A_1750 : f32
    %sub3A_1752 = vector.broadcast %add3A_1751 : f32 to vector<128x128xf32>
    %sub3A_1753 = arith.subf %get3A_14, %sub3A_1752 : vector<128x128xf32>
    %mul3A_1754 = arith.mulf %sub3A_1753, %sub3A_1753 : vector<128x128xf32>
    %neg3A_1755 = arith.constant 0.000000e+00 : f32
    %neg3A_1756 = arith.subf %neg3A_1755, %div3A_9 : f32
    %mul3A_1757 = vector.broadcast %neg3A_1756 : f32 to vector<128x128xf32>
    %mul3A_1758 = arith.mulf %mul3A_1754, %mul3A_1757 : vector<128x128xf32>
    %exp3A_1759 = math.exp %mul3A_1758 : vector<128x128xf32>
    %ge3A_1760 = arith.constant 1.000000e+00 : f32
    %ge3A_1761 = vector.broadcast %ge3A_1760 : f32 to vector<128x128xf32>
    %ge3A_1762 = arith.cmpf oge, %exp3A_1759, %ge3A_1761 : vector<128x128xf32>
    %convert_element_type3A_1763 = arith.extui %ge3A_1762 : vector<128x128xi1> to vector<128x128xi32>
    %convert_element_type3A_1764 = arith.sitofp %convert_element_type3A_1763 : vector<128x128xi32> to vector<128x128xf32>
    %sub3A_1765 = arith.subf %exp3A_1759, %convert_element_type3A_1764 : vector<128x128xf32>
    %convert_element_type3A_1766 = arith.fptosi %convert_element_type3A_1764 : vector<128x128xf32> to vector<128x128xi8>
    %swap3A_1767 = arith.constant 0 : index
    %swap3A_1768 = arith.constant 12 : index
    %swap3A_1769 = arith.constant 0 : index
    %swap3A_1770 = arith.constant 0 : index
    %swap3A_1771 = vector.load %arg2[%swap3A_1767, %swap3A_1768, %swap3A_1769, %swap3A_1770] : memref<8x16x128x128xi8, #tpu.memory_space<vmem>>, vector<1x1x128x128xi8>
    %swap3A_1772 = vector.shape_cast %swap3A_1771 : vector<1x1x128x128xi8> to vector<128x128xi8>
    %swap3A_1773 = vector.shape_cast %convert_element_type3A_1766 : vector<128x128xi8> to vector<1x1x128x128xi8>
    tpu.vector_store %arg2[%swap3A_1767, %swap3A_1768, %swap3A_1769, %swap3A_1770], %swap3A_1773 {strides = array<i32>} : memref<8x16x128x128xi8, #tpu.memory_space<vmem>>, vector<1x1x128x128xi8>,
    %add3A_1774 = arith.addf %sub3A_1765, %exp3A_1759 : vector<128x128xf32>
    %ge3A_1775 = arith.constant 1.000000e+00 : f32
    %ge3A_1776 = vector.broadcast %ge3A_1775 : f32 to vector<128x128xf32>
    %ge3A_1777 = arith.cmpf oge, %add3A_1774, %ge3A_1776 : vector<128x128xf32>
    %convert_element_type3A_1778 = arith.extui %ge3A_1777 : vector<128x128xi1> to vector<128x128xi32>
    %convert_element_type3A_1779 = arith.sitofp %convert_element_type3A_1778 : vector<128x128xi32> to vector<128x128xf32>
    %sub3A_1780 = arith.subf %add3A_1774, %convert_element_type3A_1779 : vector<128x128xf32>
    %convert_element_type3A_1781 = arith.fptosi %convert_element_type3A_1779 : vector<128x128xf32> to vector<128x128xi8>
    %swap3A_1782 = arith.constant 1 : index
    %swap3A_1783 = arith.constant 12 : index
    %swap3A_1784 = arith.constant 0 : index
    %swap3A_1785 = arith.constant 0 : index
    %swap3A_1786 = vector.load %arg2[%swap3A_1782, %swap3A_1783, %swap3A_1784, %swap3A_1785] : memref<8x16x128x128xi8, #tpu.memory_space<vmem>>, vector<1x1x128x128xi8>
    %swap3A_1787 = vector.shape_cast %swap3A_1786 : vector<1x1x128x128xi8> to vector<128x128xi8>
    %swap3A_1788 = vector.shape_cast %convert_element_type3A_1781 : vector<128x128xi8> to vector<1x1x128x128xi8>
    tpu.vector_store %arg2[%swap3A_1782, %swap3A_1783, %swap3A_1784, %swap3A_1785], %swap3A_1788 {strides = array<i32>} : memref<8x16x128x128xi8, #tpu.memory_space<vmem>>, vector<1x1x128x128xi8>,
    %add3A_1789 = arith.addf %convert_element_type3A_1764, %convert_element_type3A_1779 : vector<128x128xf32>
    %add3A_1790 = arith.addf %sub3A_1780, %exp3A_1759 : vector<128x128xf32>
    %ge3A_1791 = arith.constant 1.000000e+00 : f32
    %ge3A_1792 = vector.broadcast %ge3A_1791 : f32 to vector<128x128xf32>
    %ge3A_1793 = arith.cmpf oge, %add3A_1790, %ge3A_1792 : vector<128x128xf32>
    %convert_element_type3A_1794 = arith.extui %ge3A_1793 : vector<128x128xi1> to vector<128x128xi32>
    %convert_element_type3A_1795 = arith.sitofp %convert_element_type3A_1794 : vector<128x128xi32> to vector<128x128xf32>
    %sub3A_1796 = arith.subf %add3A_1790, %convert_element_type3A_1795 : vector<128x128xf32>
    %convert_element_type3A_1797 = arith.fptosi %convert_element_type3A_1795 : vector<128x128xf32> to vector<128x128xi8>
    %swap3A_1798 = arith.constant 2 : index
    %swap3A_1799 = arith.constant 12 : index
    %swap3A_1800 = arith.constant 0 : index
    %swap3A_1801 = arith.constant 0 : index
    %swap3A_1802 = vector.load %arg2[%swap3A_1798, %swap3A_1799, %swap3A_1800, %swap3A_1801] : memref<8x16x128x128xi8, #tpu.memory_space<vmem>>, vector<1x1x128x128xi8>
    %swap3A_1803 = vector.shape_cast %swap3A_1802 : vector<1x1x128x128xi8> to vector<128x128xi8>
    %swap3A_1804 = vector.shape_cast %convert_element_type3A_1797 : vector<128x128xi8> to vector<1x1x128x128xi8>
    tpu.vector_store %arg2[%swap3A_1798, %swap3A_1799, %swap3A_1800, %swap3A_1801], %swap3A_1804 {strides = array<i32>} : memref<8x16x128x128xi8, #tpu.memory_space<vmem>>, vector<1x1x128x128xi8>,
    %add3A_1805 = arith.addf %add3A_1789, %convert_element_type3A_1795 : vector<128x128xf32>
    %add3A_1806 = arith.addf %sub3A_1796, %exp3A_1759 : vector<128x128xf32>
    %ge3A_1807 = arith.constant 1.000000e+00 : f32
    %ge3A_1808 = vector.broadcast %ge3A_1807 : f32 to vector<128x128xf32>
    %ge3A_1809 = arith.cmpf oge, %add3A_1806, %ge3A_1808 : vector<128x128xf32>
    %convert_element_type3A_1810 = arith.extui %ge3A_1809 : vector<128x128xi1> to vector<128x128xi32>
    %convert_element_type3A_1811 = arith.sitofp %convert_element_type3A_1810 : vector<128x128xi32> to vector<128x128xf32>
    %sub3A_1812 = arith.subf %add3A_1806, %convert_element_type3A_1811 : vector<128x128xf32>
    %convert_element_type3A_1813 = arith.fptosi %convert_element_type3A_1811 : vector<128x128xf32> to vector<128x128xi8>
    %swap3A_1814 = arith.constant 3 : index
    %swap3A_1815 = arith.constant 12 : index
    %swap3A_1816 = arith.constant 0 : index
    %swap3A_1817 = arith.constant 0 : index
    %swap3A_1818 = vector.load %arg2[%swap3A_1814, %swap3A_1815, %swap3A_1816, %swap3A_1817] : memref<8x16x128x128xi8, #tpu.memory_space<vmem>>, vector<1x1x128x128xi8>
    %swap3A_1819 = vector.shape_cast %swap3A_1818 : vector<1x1x128x128xi8> to vector<128x128xi8>
    %swap3A_1820 = vector.shape_cast %convert_element_type3A_1813 : vector<128x128xi8> to vector<1x1x128x128xi8>
    tpu.vector_store %arg2[%swap3A_1814, %swap3A_1815, %swap3A_1816, %swap3A_1817], %swap3A_1820 {strides = array<i32>} : memref<8x16x128x128xi8, #tpu.memory_space<vmem>>, vector<1x1x128x128xi8>,
    %add3A_1821 = arith.addf %add3A_1805, %convert_element_type3A_1811 : vector<128x128xf32>
    %add3A_1822 = arith.addf %sub3A_1812, %exp3A_1759 : vector<128x128xf32>
    %ge3A_1823 = arith.constant 1.000000e+00 : f32
    %ge3A_1824 = vector.broadcast %ge3A_1823 : f32 to vector<128x128xf32>
    %ge3A_1825 = arith.cmpf oge, %add3A_1822, %ge3A_1824 : vector<128x128xf32>
    %convert_element_type3A_1826 = arith.extui %ge3A_1825 : vector<128x128xi1> to vector<128x128xi32>
    %convert_element_type3A_1827 = arith.sitofp %convert_element_type3A_1826 : vector<128x128xi32> to vector<128x128xf32>
    %sub3A_1828 = arith.subf %add3A_1822, %convert_element_type3A_1827 : vector<128x128xf32>
    %convert_element_type3A_1829 = arith.fptosi %convert_element_type3A_1827 : vector<128x128xf32> to vector<128x128xi8>
    %swap3A_1830 = arith.constant 4 : index
    %swap3A_1831 = arith.constant 12 : index
    %swap3A_1832 = arith.constant 0 : index
    %swap3A_1833 = arith.constant 0 : index
    %swap3A_1834 = vector.load %arg2[%swap3A_1830, %swap3A_1831, %swap3A_1832, %swap3A_1833] : memref<8x16x128x128xi8, #tpu.memory_space<vmem>>, vector<1x1x128x128xi8>
    %swap3A_1835 = vector.shape_cast %swap3A_1834 : vector<1x1x128x128xi8> to vector<128x128xi8>
    %swap3A_1836 = vector.shape_cast %convert_element_type3A_1829 : vector<128x128xi8> to vector<1x1x128x128xi8>
    tpu.vector_store %arg2[%swap3A_1830, %swap3A_1831, %swap3A_1832, %swap3A_1833], %swap3A_1836 {strides = array<i32>} : memref<8x16x128x128xi8, #tpu.memory_space<vmem>>, vector<1x1x128x128xi8>,
    %add3A_1837 = arith.addf %add3A_1821, %convert_element_type3A_1827 : vector<128x128xf32>
    %add3A_1838 = arith.addf %sub3A_1828, %exp3A_1759 : vector<128x128xf32>
    %ge3A_1839 = arith.constant 1.000000e+00 : f32
    %ge3A_1840 = vector.broadcast %ge3A_1839 : f32 to vector<128x128xf32>
    %ge3A_1841 = arith.cmpf oge, %add3A_1838, %ge3A_1840 : vector<128x128xf32>
    %convert_element_type3A_1842 = arith.extui %ge3A_1841 : vector<128x128xi1> to vector<128x128xi32>
    %convert_element_type3A_1843 = arith.sitofp %convert_element_type3A_1842 : vector<128x128xi32> to vector<128x128xf32>
    %sub3A_1844 = arith.subf %add3A_1838, %convert_element_type3A_1843 : vector<128x128xf32>
    %convert_element_type3A_1845 = arith.fptosi %convert_element_type3A_1843 : vector<128x128xf32> to vector<128x128xi8>
    %swap3A_1846 = arith.constant 5 : index
    %swap3A_1847 = arith.constant 12 : index
    %swap3A_1848 = arith.constant 0 : index
    %swap3A_1849 = arith.constant 0 : index
    %swap3A_1850 = vector.load %arg2[%swap3A_1846, %swap3A_1847, %swap3A_1848, %swap3A_1849] : memref<8x16x128x128xi8, #tpu.memory_space<vmem>>, vector<1x1x128x128xi8>
    %swap3A_1851 = vector.shape_cast %swap3A_1850 : vector<1x1x128x128xi8> to vector<128x128xi8>
    %swap3A_1852 = vector.shape_cast %convert_element_type3A_1845 : vector<128x128xi8> to vector<1x1x128x128xi8>
    tpu.vector_store %arg2[%swap3A_1846, %swap3A_1847, %swap3A_1848, %swap3A_1849], %swap3A_1852 {strides = array<i32>} : memref<8x16x128x128xi8, #tpu.memory_space<vmem>>, vector<1x1x128x128xi8>,
    %add3A_1853 = arith.addf %add3A_1837, %convert_element_type3A_1843 : vector<128x128xf32>
    %add3A_1854 = arith.addf %sub3A_1844, %exp3A_1759 : vector<128x128xf32>
    %ge3A_1855 = arith.constant 1.000000e+00 : f32
    %ge3A_1856 = vector.broadcast %ge3A_1855 : f32 to vector<128x128xf32>
    %ge3A_1857 = arith.cmpf oge, %add3A_1854, %ge3A_1856 : vector<128x128xf32>
    %convert_element_type3A_1858 = arith.extui %ge3A_1857 : vector<128x128xi1> to vector<128x128xi32>
    %convert_element_type3A_1859 = arith.sitofp %convert_element_type3A_1858 : vector<128x128xi32> to vector<128x128xf32>
    %sub3A_1860 = arith.subf %add3A_1854, %convert_element_type3A_1859 : vector<128x128xf32>
    %convert_element_type3A_1861 = arith.fptosi %convert_element_type3A_1859 : vector<128x128xf32> to vector<128x128xi8>
    %swap3A_1862 = arith.constant 6 : index
    %swap3A_1863 = arith.constant 12 : index
    %swap3A_1864 = arith.constant 0 : index
    %swap3A_1865 = arith.constant 0 : index
    %swap3A_1866 = vector.load %arg2[%swap3A_1862, %swap3A_1863, %swap3A_1864, %swap3A_1865] : memref<8x16x128x128xi8, #tpu.memory_space<vmem>>, vector<1x1x128x128xi8>
    %swap3A_1867 = vector.shape_cast %swap3A_1866 : vector<1x1x128x128xi8> to vector<128x128xi8>
    %swap3A_1868 = vector.shape_cast %convert_element_type3A_1861 : vector<128x128xi8> to vector<1x1x128x128xi8>
    tpu.vector_store %arg2[%swap3A_1862, %swap3A_1863, %swap3A_1864, %swap3A_1865], %swap3A_1868 {strides = array<i32>} : memref<8x16x128x128xi8, #tpu.memory_space<vmem>>, vector<1x1x128x128xi8>,
    %add3A_1869 = arith.addf %add3A_1853, %convert_element_type3A_1859 : vector<128x128xf32>
    %add3A_1870 = arith.addf %sub3A_1860, %exp3A_1759 : vector<128x128xf32>
    %ge3A_1871 = arith.constant 1.000000e+00 : f32
    %ge3A_1872 = vector.broadcast %ge3A_1871 : f32 to vector<128x128xf32>
    %ge3A_1873 = arith.cmpf oge, %add3A_1870, %ge3A_1872 : vector<128x128xf32>
    %convert_element_type3A_1874 = arith.extui %ge3A_1873 : vector<128x128xi1> to vector<128x128xi32>
    %convert_element_type3A_1875 = arith.sitofp %convert_element_type3A_1874 : vector<128x128xi32> to vector<128x128xf32>
    %convert_element_type3A_1876 = arith.fptosi %convert_element_type3A_1875 : vector<128x128xf32> to vector<128x128xi8>
    %swap3A_1877 = arith.constant 7 : index
    %swap3A_1878 = arith.constant 12 : index
    %swap3A_1879 = arith.constant 0 : index
    %swap3A_1880 = arith.constant 0 : index
    %swap3A_1881 = vector.load %arg2[%swap3A_1877, %swap3A_1878, %swap3A_1879, %swap3A_1880] : memref<8x16x128x128xi8, #tpu.memory_space<vmem>>, vector<1x1x128x128xi8>
    %swap3A_1882 = vector.shape_cast %swap3A_1881 : vector<1x1x128x128xi8> to vector<128x128xi8>
    %swap3A_1883 = vector.shape_cast %convert_element_type3A_1876 : vector<128x128xi8> to vector<1x1x128x128xi8>
    tpu.vector_store %arg2[%swap3A_1877, %swap3A_1878, %swap3A_1879, %swap3A_1880], %swap3A_1883 {strides = array<i32>} : memref<8x16x128x128xi8, #tpu.memory_space<vmem>>, vector<1x1x128x128xi8>,
    %add3A_1884 = arith.addf %add3A_1869, %convert_element_type3A_1875 : vector<128x128xf32>
    %mul3A_1885 = arith.constant 1.250000e-01 : f32
    %mul3A_1886 = vector.broadcast %mul3A_1885 : f32 to vector<128x128xf32>
    %mul3A_1887 = arith.mulf %add3A_1884, %mul3A_1886 : vector<128x128xf32>
    %swap3A_1888 = arith.constant 12 : index
    %swap3A_1889 = arith.constant 0 : index
    %swap3A_1890 = arith.constant 0 : index
    %swap3A_1891 = vector.load %arg3[%swap3A_1888, %swap3A_1889, %swap3A_1890] : memref<16x128x128xf32, #tpu.memory_space<vmem>>, vector<1x128x128xf32>
    %swap3A_1892 = vector.shape_cast %swap3A_1891 : vector<1x128x128xf32> to vector<128x128xf32>
    %swap3A_1893 = vector.shape_cast %mul3A_1887 : vector<128x128xf32> to vector<1x128x128xf32>
    tpu.vector_store %arg3[%swap3A_1888, %swap3A_1889, %swap3A_1890], %swap3A_1893 {strides = array<i32>} : memref<16x128x128xf32, #tpu.memory_space<vmem>>, vector<1x128x128xf32>,
    %mul3A_1894 = arith.constant 1.150000e+01 : f32
    %mul3A_1895 = arith.mulf %mul3A_1894, %get3A_4 : f32
    %add3A_1896 = arith.addf %get3A_2, %mul3A_1895 : f32
    %sub3A_1897 = vector.broadcast %add3A_1896 : f32 to vector<128x128xf32>
    %sub3A_1898 = arith.subf %get3A_14, %sub3A_1897 : vector<128x128xf32>
    %mul3A_1899 = arith.mulf %sub3A_1898, %sub3A_1898 : vector<128x128xf32>
    %neg3A_1900 = arith.constant 0.000000e+00 : f32
    %neg3A_1901 = arith.subf %neg3A_1900, %div3A_9 : f32
    %mul3A_1902 = vector.broadcast %neg3A_1901 : f32 to vector<128x128xf32>
    %mul3A_1903 = arith.mulf %mul3A_1899, %mul3A_1902 : vector<128x128xf32>
    %exp3A_1904 = math.exp %mul3A_1903 : vector<128x128xf32>
    %ge3A_1905 = arith.constant 1.000000e+00 : f32
    %ge3A_1906 = vector.broadcast %ge3A_1905 : f32 to vector<128x128xf32>
    %ge3A_1907 = arith.cmpf oge, %exp3A_1904, %ge3A_1906 : vector<128x128xf32>
    %convert_element_type3A_1908 = arith.extui %ge3A_1907 : vector<128x128xi1> to vector<128x128xi32>
    %convert_element_type3A_1909 = arith.sitofp %convert_element_type3A_1908 : vector<128x128xi32> to vector<128x128xf32>
    %sub3A_1910 = arith.subf %exp3A_1904, %convert_element_type3A_1909 : vector<128x128xf32>
    %convert_element_type3A_1911 = arith.fptosi %convert_element_type3A_1909 : vector<128x128xf32> to vector<128x128xi8>
    %swap3A_1912 = arith.constant 0 : index
    %swap3A_1913 = arith.constant 13 : index
    %swap3A_1914 = arith.constant 0 : index
    %swap3A_1915 = arith.constant 0 : index
    %swap3A_1916 = vector.load %arg2[%swap3A_1912, %swap3A_1913, %swap3A_1914, %swap3A_1915] : memref<8x16x128x128xi8, #tpu.memory_space<vmem>>, vector<1x1x128x128xi8>
    %swap3A_1917 = vector.shape_cast %swap3A_1916 : vector<1x1x128x128xi8> to vector<128x128xi8>
    %swap3A_1918 = vector.shape_cast %convert_element_type3A_1911 : vector<128x128xi8> to vector<1x1x128x128xi8>
    tpu.vector_store %arg2[%swap3A_1912, %swap3A_1913, %swap3A_1914, %swap3A_1915], %swap3A_1918 {strides = array<i32>} : memref<8x16x128x128xi8, #tpu.memory_space<vmem>>, vector<1x1x128x128xi8>,
    %add3A_1919 = arith.addf %sub3A_1910, %exp3A_1904 : vector<128x128xf32>
    %ge3A_1920 = arith.constant 1.000000e+00 : f32
    %ge3A_1921 = vector.broadcast %ge3A_1920 : f32 to vector<128x128xf32>
    %ge3A_1922 = arith.cmpf oge, %add3A_1919, %ge3A_1921 : vector<128x128xf32>
    %convert_element_type3A_1923 = arith.extui %ge3A_1922 : vector<128x128xi1> to vector<128x128xi32>
    %convert_element_type3A_1924 = arith.sitofp %convert_element_type3A_1923 : vector<128x128xi32> to vector<128x128xf32>
    %sub3A_1925 = arith.subf %add3A_1919, %convert_element_type3A_1924 : vector<128x128xf32>
    %convert_element_type3A_1926 = arith.fptosi %convert_element_type3A_1924 : vector<128x128xf32> to vector<128x128xi8>
    %swap3A_1927 = arith.constant 1 : index
    %swap3A_1928 = arith.constant 13 : index
    %swap3A_1929 = arith.constant 0 : index
    %swap3A_1930 = arith.constant 0 : index
    %swap3A_1931 = vector.load %arg2[%swap3A_1927, %swap3A_1928, %swap3A_1929, %swap3A_1930] : memref<8x16x128x128xi8, #tpu.memory_space<vmem>>, vector<1x1x128x128xi8>
    %swap3A_1932 = vector.shape_cast %swap3A_1931 : vector<1x1x128x128xi8> to vector<128x128xi8>
    %swap3A_1933 = vector.shape_cast %convert_element_type3A_1926 : vector<128x128xi8> to vector<1x1x128x128xi8>
    tpu.vector_store %arg2[%swap3A_1927, %swap3A_1928, %swap3A_1929, %swap3A_1930], %swap3A_1933 {strides = array<i32>} : memref<8x16x128x128xi8, #tpu.memory_space<vmem>>, vector<1x1x128x128xi8>,
    %add3A_1934 = arith.addf %convert_element_type3A_1909, %convert_element_type3A_1924 : vector<128x128xf32>
    %add3A_1935 = arith.addf %sub3A_1925, %exp3A_1904 : vector<128x128xf32>
    %ge3A_1936 = arith.constant 1.000000e+00 : f32
    %ge3A_1937 = vector.broadcast %ge3A_1936 : f32 to vector<128x128xf32>
    %ge3A_1938 = arith.cmpf oge, %add3A_1935, %ge3A_1937 : vector<128x128xf32>
    %convert_element_type3A_1939 = arith.extui %ge3A_1938 : vector<128x128xi1> to vector<128x128xi32>
    %convert_element_type3A_1940 = arith.sitofp %convert_element_type3A_1939 : vector<128x128xi32> to vector<128x128xf32>
    %sub3A_1941 = arith.subf %add3A_1935, %convert_element_type3A_1940 : vector<128x128xf32>
    %convert_element_type3A_1942 = arith.fptosi %convert_element_type3A_1940 : vector<128x128xf32> to vector<128x128xi8>
    %swap3A_1943 = arith.constant 2 : index
    %swap3A_1944 = arith.constant 13 : index
    %swap3A_1945 = arith.constant 0 : index
    %swap3A_1946 = arith.constant 0 : index
    %swap3A_1947 = vector.load %arg2[%swap3A_1943, %swap3A_1944, %swap3A_1945, %swap3A_1946] : memref<8x16x128x128xi8, #tpu.memory_space<vmem>>, vector<1x1x128x128xi8>
    %swap3A_1948 = vector.shape_cast %swap3A_1947 : vector<1x1x128x128xi8> to vector<128x128xi8>
    %swap3A_1949 = vector.shape_cast %convert_element_type3A_1942 : vector<128x128xi8> to vector<1x1x128x128xi8>
    tpu.vector_store %arg2[%swap3A_1943, %swap3A_1944, %swap3A_1945, %swap3A_1946], %swap3A_1949 {strides = array<i32>} : memref<8x16x128x128xi8, #tpu.memory_space<vmem>>, vector<1x1x128x128xi8>,
    %add3A_1950 = arith.addf %add3A_1934, %convert_element_type3A_1940 : vector<128x128xf32>
    %add3A_1951 = arith.addf %sub3A_1941, %exp3A_1904 : vector<128x128xf32>
    %ge3A_1952 = arith.constant 1.000000e+00 : f32
    %ge3A_1953 = vector.broadcast %ge3A_1952 : f32 to vector<128x128xf32>
    %ge3A_1954 = arith.cmpf oge, %add3A_1951, %ge3A_1953 : vector<128x128xf32>
    %convert_element_type3A_1955 = arith.extui %ge3A_1954 : vector<128x128xi1> to vector<128x128xi32>
    %convert_element_type3A_1956 = arith.sitofp %convert_element_type3A_1955 : vector<128x128xi32> to vector<128x128xf32>
    %sub3A_1957 = arith.subf %add3A_1951, %convert_element_type3A_1956 : vector<128x128xf32>
    %convert_element_type3A_1958 = arith.fptosi %convert_element_type3A_1956 : vector<128x128xf32> to vector<128x128xi8>
    %swap3A_1959 = arith.constant 3 : index
    %swap3A_1960 = arith.constant 13 : index
    %swap3A_1961 = arith.constant 0 : index
    %swap3A_1962 = arith.constant 0 : index
    %swap3A_1963 = vector.load %arg2[%swap3A_1959, %swap3A_1960, %swap3A_1961, %swap3A_1962] : memref<8x16x128x128xi8, #tpu.memory_space<vmem>>, vector<1x1x128x128xi8>
    %swap3A_1964 = vector.shape_cast %swap3A_1963 : vector<1x1x128x128xi8> to vector<128x128xi8>
    %swap3A_1965 = vector.shape_cast %convert_element_type3A_1958 : vector<128x128xi8> to vector<1x1x128x128xi8>
    tpu.vector_store %arg2[%swap3A_1959, %swap3A_1960, %swap3A_1961, %swap3A_1962], %swap3A_1965 {strides = array<i32>} : memref<8x16x128x128xi8, #tpu.memory_space<vmem>>, vector<1x1x128x128xi8>,
    %add3A_1966 = arith.addf %add3A_1950, %convert_element_type3A_1956 : vector<128x128xf32>
    %add3A_1967 = arith.addf %sub3A_1957, %exp3A_1904 : vector<128x128xf32>
    %ge3A_1968 = arith.constant 1.000000e+00 : f32
    %ge3A_1969 = vector.broadcast %ge3A_1968 : f32 to vector<128x128xf32>
    %ge3A_1970 = arith.cmpf oge, %add3A_1967, %ge3A_1969 : vector<128x128xf32>
    %convert_element_type3A_1971 = arith.extui %ge3A_1970 : vector<128x128xi1> to vector<128x128xi32>
    %convert_element_type3A_1972 = arith.sitofp %convert_element_type3A_1971 : vector<128x128xi32> to vector<128x128xf32>
    %sub3A_1973 = arith.subf %add3A_1967, %convert_element_type3A_1972 : vector<128x128xf32>
    %convert_element_type3A_1974 = arith.fptosi %convert_element_type3A_1972 : vector<128x128xf32> to vector<128x128xi8>
    %swap3A_1975 = arith.constant 4 : index
    %swap3A_1976 = arith.constant 13 : index
    %swap3A_1977 = arith.constant 0 : index
    %swap3A_1978 = arith.constant 0 : index
    %swap3A_1979 = vector.load %arg2[%swap3A_1975, %swap3A_1976, %swap3A_1977, %swap3A_1978] : memref<8x16x128x128xi8, #tpu.memory_space<vmem>>, vector<1x1x128x128xi8>
    %swap3A_1980 = vector.shape_cast %swap3A_1979 : vector<1x1x128x128xi8> to vector<128x128xi8>
    %swap3A_1981 = vector.shape_cast %convert_element_type3A_1974 : vector<128x128xi8> to vector<1x1x128x128xi8>
    tpu.vector_store %arg2[%swap3A_1975, %swap3A_1976, %swap3A_1977, %swap3A_1978], %swap3A_1981 {strides = array<i32>} : memref<8x16x128x128xi8, #tpu.memory_space<vmem>>, vector<1x1x128x128xi8>,
    %add3A_1982 = arith.addf %add3A_1966, %convert_element_type3A_1972 : vector<128x128xf32>
    %add3A_1983 = arith.addf %sub3A_1973, %exp3A_1904 : vector<128x128xf32>
    %ge3A_1984 = arith.constant 1.000000e+00 : f32
    %ge3A_1985 = vector.broadcast %ge3A_1984 : f32 to vector<128x128xf32>
    %ge3A_1986 = arith.cmpf oge, %add3A_1983, %ge3A_1985 : vector<128x128xf32>
    %convert_element_type3A_1987 = arith.extui %ge3A_1986 : vector<128x128xi1> to vector<128x128xi32>
    %convert_element_type3A_1988 = arith.sitofp %convert_element_type3A_1987 : vector<128x128xi32> to vector<128x128xf32>
    %sub3A_1989 = arith.subf %add3A_1983, %convert_element_type3A_1988 : vector<128x128xf32>
    %convert_element_type3A_1990 = arith.fptosi %convert_element_type3A_1988 : vector<128x128xf32> to vector<128x128xi8>
    %swap3A_1991 = arith.constant 5 : index
    %swap3A_1992 = arith.constant 13 : index
    %swap3A_1993 = arith.constant 0 : index
    %swap3A_1994 = arith.constant 0 : index
    %swap3A_1995 = vector.load %arg2[%swap3A_1991, %swap3A_1992, %swap3A_1993, %swap3A_1994] : memref<8x16x128x128xi8, #tpu.memory_space<vmem>>, vector<1x1x128x128xi8>
    %swap3A_1996 = vector.shape_cast %swap3A_1995 : vector<1x1x128x128xi8> to vector<128x128xi8>
    %swap3A_1997 = vector.shape_cast %convert_element_type3A_1990 : vector<128x128xi8> to vector<1x1x128x128xi8>
    tpu.vector_store %arg2[%swap3A_1991, %swap3A_1992, %swap3A_1993, %swap3A_1994], %swap3A_1997 {strides = array<i32>} : memref<8x16x128x128xi8, #tpu.memory_space<vmem>>, vector<1x1x128x128xi8>,
    %add3A_1998 = arith.addf %add3A_1982, %convert_element_type3A_1988 : vector<128x128xf32>
    %add3A_1999 = arith.addf %sub3A_1989, %exp3A_1904 : vector<128x128xf32>
    %ge3A_2000 = arith.constant 1.000000e+00 : f32
    %ge3A_2001 = vector.broadcast %ge3A_2000 : f32 to vector<128x128xf32>
    %ge3A_2002 = arith.cmpf oge, %add3A_1999, %ge3A_2001 : vector<128x128xf32>
    %convert_element_type3A_2003 = arith.extui %ge3A_2002 : vector<128x128xi1> to vector<128x128xi32>
    %convert_element_type3A_2004 = arith.sitofp %convert_element_type3A_2003 : vector<128x128xi32> to vector<128x128xf32>
    %sub3A_2005 = arith.subf %add3A_1999, %convert_element_type3A_2004 : vector<128x128xf32>
    %convert_element_type3A_2006 = arith.fptosi %convert_element_type3A_2004 : vector<128x128xf32> to vector<128x128xi8>
    %swap3A_2007 = arith.constant 6 : index
    %swap3A_2008 = arith.constant 13 : index
    %swap3A_2009 = arith.constant 0 : index
    %swap3A_2010 = arith.constant 0 : index
    %swap3A_2011 = vector.load %arg2[%swap3A_2007, %swap3A_2008, %swap3A_2009, %swap3A_2010] : memref<8x16x128x128xi8, #tpu.memory_space<vmem>>, vector<1x1x128x128xi8>
    %swap3A_2012 = vector.shape_cast %swap3A_2011 : vector<1x1x128x128xi8> to vector<128x128xi8>
    %swap3A_2013 = vector.shape_cast %convert_element_type3A_2006 : vector<128x128xi8> to vector<1x1x128x128xi8>
    tpu.vector_store %arg2[%swap3A_2007, %swap3A_2008, %swap3A_2009, %swap3A_2010], %swap3A_2013 {strides = array<i32>} : memref<8x16x128x128xi8, #tpu.memory_space<vmem>>, vector<1x1x128x128xi8>,
    %add3A_2014 = arith.addf %add3A_1998, %convert_element_type3A_2004 : vector<128x128xf32>
    %add3A_2015 = arith.addf %sub3A_2005, %exp3A_1904 : vector<128x128xf32>
    %ge3A_2016 = arith.constant 1.000000e+00 : f32
    %ge3A_2017 = vector.broadcast %ge3A_2016 : f32 to vector<128x128xf32>
    %ge3A_2018 = arith.cmpf oge, %add3A_2015, %ge3A_2017 : vector<128x128xf32>
    %convert_element_type3A_2019 = arith.extui %ge3A_2018 : vector<128x128xi1> to vector<128x128xi32>
    %convert_element_type3A_2020 = arith.sitofp %convert_element_type3A_2019 : vector<128x128xi32> to vector<128x128xf32>
    %convert_element_type3A_2021 = arith.fptosi %convert_element_type3A_2020 : vector<128x128xf32> to vector<128x128xi8>
    %swap3A_2022 = arith.constant 7 : index
    %swap3A_2023 = arith.constant 13 : index
    %swap3A_2024 = arith.constant 0 : index
    %swap3A_2025 = arith.constant 0 : index
    %swap3A_2026 = vector.load %arg2[%swap3A_2022, %swap3A_2023, %swap3A_2024, %swap3A_2025] : memref<8x16x128x128xi8, #tpu.memory_space<vmem>>, vector<1x1x128x128xi8>
    %swap3A_2027 = vector.shape_cast %swap3A_2026 : vector<1x1x128x128xi8> to vector<128x128xi8>
    %swap3A_2028 = vector.shape_cast %convert_element_type3A_2021 : vector<128x128xi8> to vector<1x1x128x128xi8>
    tpu.vector_store %arg2[%swap3A_2022, %swap3A_2023, %swap3A_2024, %swap3A_2025], %swap3A_2028 {strides = array<i32>} : memref<8x16x128x128xi8, #tpu.memory_space<vmem>>, vector<1x1x128x128xi8>,
    %add3A_2029 = arith.addf %add3A_2014, %convert_element_type3A_2020 : vector<128x128xf32>
    %mul3A_2030 = arith.constant 1.250000e-01 : f32
    %mul3A_2031 = vector.broadcast %mul3A_2030 : f32 to vector<128x128xf32>
    %mul3A_2032 = arith.mulf %add3A_2029, %mul3A_2031 : vector<128x128xf32>
    %swap3A_2033 = arith.constant 13 : index
    %swap3A_2034 = arith.constant 0 : index
    %swap3A_2035 = arith.constant 0 : index
    %swap3A_2036 = vector.load %arg3[%swap3A_2033, %swap3A_2034, %swap3A_2035] : memref<16x128x128xf32, #tpu.memory_space<vmem>>, vector<1x128x128xf32>
    %swap3A_2037 = vector.shape_cast %swap3A_2036 : vector<1x128x128xf32> to vector<128x128xf32>
    %swap3A_2038 = vector.shape_cast %mul3A_2032 : vector<128x128xf32> to vector<1x128x128xf32>
    tpu.vector_store %arg3[%swap3A_2033, %swap3A_2034, %swap3A_2035], %swap3A_2038 {strides = array<i32>} : memref<16x128x128xf32, #tpu.memory_space<vmem>>, vector<1x128x128xf32>,
    %mul3A_2039 = arith.constant 1.250000e+01 : f32
    %mul3A_2040 = arith.mulf %mul3A_2039, %get3A_4 : f32
    %add3A_2041 = arith.addf %get3A_2, %mul3A_2040 : f32
    %sub3A_2042 = vector.broadcast %add3A_2041 : f32 to vector<128x128xf32>
    %sub3A_2043 = arith.subf %get3A_14, %sub3A_2042 : vector<128x128xf32>
    %mul3A_2044 = arith.mulf %sub3A_2043, %sub3A_2043 : vector<128x128xf32>
    %neg3A_2045 = arith.constant 0.000000e+00 : f32
    %neg3A_2046 = arith.subf %neg3A_2045, %div3A_9 : f32
    %mul3A_2047 = vector.broadcast %neg3A_2046 : f32 to vector<128x128xf32>
    %mul3A_2048 = arith.mulf %mul3A_2044, %mul3A_2047 : vector<128x128xf32>
    %exp3A_2049 = math.exp %mul3A_2048 : vector<128x128xf32>
    %ge3A_2050 = arith.constant 1.000000e+00 : f32
    %ge3A_2051 = vector.broadcast %ge3A_2050 : f32 to vector<128x128xf32>
    %ge3A_2052 = arith.cmpf oge, %exp3A_2049, %ge3A_2051 : vector<128x128xf32>
    %convert_element_type3A_2053 = arith.extui %ge3A_2052 : vector<128x128xi1> to vector<128x128xi32>
    %convert_element_type3A_2054 = arith.sitofp %convert_element_type3A_2053 : vector<128x128xi32> to vector<128x128xf32>
    %sub3A_2055 = arith.subf %exp3A_2049, %convert_element_type3A_2054 : vector<128x128xf32>
    %convert_element_type3A_2056 = arith.fptosi %convert_element_type3A_2054 : vector<128x128xf32> to vector<128x128xi8>
    %swap3A_2057 = arith.constant 0 : index
    %swap3A_2058 = arith.constant 14 : index
    %swap3A_2059 = arith.constant 0 : index
    %swap3A_2060 = arith.constant 0 : index
    %swap3A_2061 = vector.load %arg2[%swap3A_2057, %swap3A_2058, %swap3A_2059, %swap3A_2060] : memref<8x16x128x128xi8, #tpu.memory_space<vmem>>, vector<1x1x128x128xi8>
    %swap3A_2062 = vector.shape_cast %swap3A_2061 : vector<1x1x128x128xi8> to vector<128x128xi8>
    %swap3A_2063 = vector.shape_cast %convert_element_type3A_2056 : vector<128x128xi8> to vector<1x1x128x128xi8>
    tpu.vector_store %arg2[%swap3A_2057, %swap3A_2058, %swap3A_2059, %swap3A_2060], %swap3A_2063 {strides = array<i32>} : memref<8x16x128x128xi8, #tpu.memory_space<vmem>>, vector<1x1x128x128xi8>,
    %add3A_2064 = arith.addf %sub3A_2055, %exp3A_2049 : vector<128x128xf32>
    %ge3A_2065 = arith.constant 1.000000e+00 : f32
    %ge3A_2066 = vector.broadcast %ge3A_2065 : f32 to vector<128x128xf32>
    %ge3A_2067 = arith.cmpf oge, %add3A_2064, %ge3A_2066 : vector<128x128xf32>
    %convert_element_type3A_2068 = arith.extui %ge3A_2067 : vector<128x128xi1> to vector<128x128xi32>
    %convert_element_type3A_2069 = arith.sitofp %convert_element_type3A_2068 : vector<128x128xi32> to vector<128x128xf32>
    %sub3A_2070 = arith.subf %add3A_2064, %convert_element_type3A_2069 : vector<128x128xf32>
    %convert_element_type3A_2071 = arith.fptosi %convert_element_type3A_2069 : vector<128x128xf32> to vector<128x128xi8>
    %swap3A_2072 = arith.constant 1 : index
    %swap3A_2073 = arith.constant 14 : index
    %swap3A_2074 = arith.constant 0 : index
    %swap3A_2075 = arith.constant 0 : index
    %swap3A_2076 = vector.load %arg2[%swap3A_2072, %swap3A_2073, %swap3A_2074, %swap3A_2075] : memref<8x16x128x128xi8, #tpu.memory_space<vmem>>, vector<1x1x128x128xi8>
    %swap3A_2077 = vector.shape_cast %swap3A_2076 : vector<1x1x128x128xi8> to vector<128x128xi8>
    %swap3A_2078 = vector.shape_cast %convert_element_type3A_2071 : vector<128x128xi8> to vector<1x1x128x128xi8>
    tpu.vector_store %arg2[%swap3A_2072, %swap3A_2073, %swap3A_2074, %swap3A_2075], %swap3A_2078 {strides = array<i32>} : memref<8x16x128x128xi8, #tpu.memory_space<vmem>>, vector<1x1x128x128xi8>,
    %add3A_2079 = arith.addf %convert_element_type3A_2054, %convert_element_type3A_2069 : vector<128x128xf32>
    %add3A_2080 = arith.addf %sub3A_2070, %exp3A_2049 : vector<128x128xf32>
    %ge3A_2081 = arith.constant 1.000000e+00 : f32
    %ge3A_2082 = vector.broadcast %ge3A_2081 : f32 to vector<128x128xf32>
    %ge3A_2083 = arith.cmpf oge, %add3A_2080, %ge3A_2082 : vector<128x128xf32>
    %convert_element_type3A_2084 = arith.extui %ge3A_2083 : vector<128x128xi1> to vector<128x128xi32>
    %convert_element_type3A_2085 = arith.sitofp %convert_element_type3A_2084 : vector<128x128xi32> to vector<128x128xf32>
    %sub3A_2086 = arith.subf %add3A_2080, %convert_element_type3A_2085 : vector<128x128xf32>
    %convert_element_type3A_2087 = arith.fptosi %convert_element_type3A_2085 : vector<128x128xf32> to vector<128x128xi8>
    %swap3A_2088 = arith.constant 2 : index
    %swap3A_2089 = arith.constant 14 : index
    %swap3A_2090 = arith.constant 0 : index
    %swap3A_2091 = arith.constant 0 : index
    %swap3A_2092 = vector.load %arg2[%swap3A_2088, %swap3A_2089, %swap3A_2090, %swap3A_2091] : memref<8x16x128x128xi8, #tpu.memory_space<vmem>>, vector<1x1x128x128xi8>
    %swap3A_2093 = vector.shape_cast %swap3A_2092 : vector<1x1x128x128xi8> to vector<128x128xi8>
    %swap3A_2094 = vector.shape_cast %convert_element_type3A_2087 : vector<128x128xi8> to vector<1x1x128x128xi8>
    tpu.vector_store %arg2[%swap3A_2088, %swap3A_2089, %swap3A_2090, %swap3A_2091], %swap3A_2094 {strides = array<i32>} : memref<8x16x128x128xi8, #tpu.memory_space<vmem>>, vector<1x1x128x128xi8>,
    %add3A_2095 = arith.addf %add3A_2079, %convert_element_type3A_2085 : vector<128x128xf32>
    %add3A_2096 = arith.addf %sub3A_2086, %exp3A_2049 : vector<128x128xf32>
    %ge3A_2097 = arith.constant 1.000000e+00 : f32
    %ge3A_2098 = vector.broadcast %ge3A_2097 : f32 to vector<128x128xf32>
    %ge3A_2099 = arith.cmpf oge, %add3A_2096, %ge3A_2098 : vector<128x128xf32>
    %convert_element_type3A_2100 = arith.extui %ge3A_2099 : vector<128x128xi1> to vector<128x128xi32>
    %convert_element_type3A_2101 = arith.sitofp %convert_element_type3A_2100 : vector<128x128xi32> to vector<128x128xf32>
    %sub3A_2102 = arith.subf %add3A_2096, %convert_element_type3A_2101 : vector<128x128xf32>
    %convert_element_type3A_2103 = arith.fptosi %convert_element_type3A_2101 : vector<128x128xf32> to vector<128x128xi8>
    %swap3A_2104 = arith.constant 3 : index
    %swap3A_2105 = arith.constant 14 : index
    %swap3A_2106 = arith.constant 0 : index
    %swap3A_2107 = arith.constant 0 : index
    %swap3A_2108 = vector.load %arg2[%swap3A_2104, %swap3A_2105, %swap3A_2106, %swap3A_2107] : memref<8x16x128x128xi8, #tpu.memory_space<vmem>>, vector<1x1x128x128xi8>
    %swap3A_2109 = vector.shape_cast %swap3A_2108 : vector<1x1x128x128xi8> to vector<128x128xi8>
    %swap3A_2110 = vector.shape_cast %convert_element_type3A_2103 : vector<128x128xi8> to vector<1x1x128x128xi8>
    tpu.vector_store %arg2[%swap3A_2104, %swap3A_2105, %swap3A_2106, %swap3A_2107], %swap3A_2110 {strides = array<i32>} : memref<8x16x128x128xi8, #tpu.memory_space<vmem>>, vector<1x1x128x128xi8>,
    %add3A_2111 = arith.addf %add3A_2095, %convert_element_type3A_2101 : vector<128x128xf32>
    %add3A_2112 = arith.addf %sub3A_2102, %exp3A_2049 : vector<128x128xf32>
    %ge3A_2113 = arith.constant 1.000000e+00 : f32
    %ge3A_2114 = vector.broadcast %ge3A_2113 : f32 to vector<128x128xf32>
    %ge3A_2115 = arith.cmpf oge, %add3A_2112, %ge3A_2114 : vector<128x128xf32>
    %convert_element_type3A_2116 = arith.extui %ge3A_2115 : vector<128x128xi1> to vector<128x128xi32>
    %convert_element_type3A_2117 = arith.sitofp %convert_element_type3A_2116 : vector<128x128xi32> to vector<128x128xf32>
    %sub3A_2118 = arith.subf %add3A_2112, %convert_element_type3A_2117 : vector<128x128xf32>
    %convert_element_type3A_2119 = arith.fptosi %convert_element_type3A_2117 : vector<128x128xf32> to vector<128x128xi8>
    %swap3A_2120 = arith.constant 4 : index
    %swap3A_2121 = arith.constant 14 : index
    %swap3A_2122 = arith.constant 0 : index
    %swap3A_2123 = arith.constant 0 : index
    %swap3A_2124 = vector.load %arg2[%swap3A_2120, %swap3A_2121, %swap3A_2122, %swap3A_2123] : memref<8x16x128x128xi8, #tpu.memory_space<vmem>>, vector<1x1x128x128xi8>
    %swap3A_2125 = vector.shape_cast %swap3A_2124 : vector<1x1x128x128xi8> to vector<128x128xi8>
    %swap3A_2126 = vector.shape_cast %convert_element_type3A_2119 : vector<128x128xi8> to vector<1x1x128x128xi8>
    tpu.vector_store %arg2[%swap3A_2120, %swap3A_2121, %swap3A_2122, %swap3A_2123], %swap3A_2126 {strides = array<i32>} : memref<8x16x128x128xi8, #tpu.memory_space<vmem>>, vector<1x1x128x128xi8>,
    %add3A_2127 = arith.addf %add3A_2111, %convert_element_type3A_2117 : vector<128x128xf32>
    %add3A_2128 = arith.addf %sub3A_2118, %exp3A_2049 : vector<128x128xf32>
    %ge3A_2129 = arith.constant 1.000000e+00 : f32
    %ge3A_2130 = vector.broadcast %ge3A_2129 : f32 to vector<128x128xf32>
    %ge3A_2131 = arith.cmpf oge, %add3A_2128, %ge3A_2130 : vector<128x128xf32>
    %convert_element_type3A_2132 = arith.extui %ge3A_2131 : vector<128x128xi1> to vector<128x128xi32>
    %convert_element_type3A_2133 = arith.sitofp %convert_element_type3A_2132 : vector<128x128xi32> to vector<128x128xf32>
    %sub3A_2134 = arith.subf %add3A_2128, %convert_element_type3A_2133 : vector<128x128xf32>
    %convert_element_type3A_2135 = arith.fptosi %convert_element_type3A_2133 : vector<128x128xf32> to vector<128x128xi8>
    %swap3A_2136 = arith.constant 5 : index
    %swap3A_2137 = arith.constant 14 : index
    %swap3A_2138 = arith.constant 0 : index
    %swap3A_2139 = arith.constant 0 : index
    %swap3A_2140 = vector.load %arg2[%swap3A_2136, %swap3A_2137, %swap3A_2138, %swap3A_2139] : memref<8x16x128x128xi8, #tpu.memory_space<vmem>>, vector<1x1x128x128xi8>
    %swap3A_2141 = vector.shape_cast %swap3A_2140 : vector<1x1x128x128xi8> to vector<128x128xi8>
    %swap3A_2142 = vector.shape_cast %convert_element_type3A_2135 : vector<128x128xi8> to vector<1x1x128x128xi8>
    tpu.vector_store %arg2[%swap3A_2136, %swap3A_2137, %swap3A_2138, %swap3A_2139], %swap3A_2142 {strides = array<i32>} : memref<8x16x128x128xi8, #tpu.memory_space<vmem>>, vector<1x1x128x128xi8>,
    %add3A_2143 = arith.addf %add3A_2127, %convert_element_type3A_2133 : vector<128x128xf32>
    %add3A_2144 = arith.addf %sub3A_2134, %exp3A_2049 : vector<128x128xf32>
    %ge3A_2145 = arith.constant 1.000000e+00 : f32
    %ge3A_2146 = vector.broadcast %ge3A_2145 : f32 to vector<128x128xf32>
    %ge3A_2147 = arith.cmpf oge, %add3A_2144, %ge3A_2146 : vector<128x128xf32>
    %convert_element_type3A_2148 = arith.extui %ge3A_2147 : vector<128x128xi1> to vector<128x128xi32>
    %convert_element_type3A_2149 = arith.sitofp %convert_element_type3A_2148 : vector<128x128xi32> to vector<128x128xf32>
    %sub3A_2150 = arith.subf %add3A_2144, %convert_element_type3A_2149 : vector<128x128xf32>
    %convert_element_type3A_2151 = arith.fptosi %convert_element_type3A_2149 : vector<128x128xf32> to vector<128x128xi8>
    %swap3A_2152 = arith.constant 6 : index
    %swap3A_2153 = arith.constant 14 : index
    %swap3A_2154 = arith.constant 0 : index
    %swap3A_2155 = arith.constant 0 : index
    %swap3A_2156 = vector.load %arg2[%swap3A_2152, %swap3A_2153, %swap3A_2154, %swap3A_2155] : memref<8x16x128x128xi8, #tpu.memory_space<vmem>>, vector<1x1x128x128xi8>
    %swap3A_2157 = vector.shape_cast %swap3A_2156 : vector<1x1x128x128xi8> to vector<128x128xi8>
    %swap3A_2158 = vector.shape_cast %convert_element_type3A_2151 : vector<128x128xi8> to vector<1x1x128x128xi8>
    tpu.vector_store %arg2[%swap3A_2152, %swap3A_2153, %swap3A_2154, %swap3A_2155], %swap3A_2158 {strides = array<i32>} : memref<8x16x128x128xi8, #tpu.memory_space<vmem>>, vector<1x1x128x128xi8>,
    %add3A_2159 = arith.addf %add3A_2143, %convert_element_type3A_2149 : vector<128x128xf32>
    %add3A_2160 = arith.addf %sub3A_2150, %exp3A_2049 : vector<128x128xf32>
    %ge3A_2161 = arith.constant 1.000000e+00 : f32
    %ge3A_2162 = vector.broadcast %ge3A_2161 : f32 to vector<128x128xf32>
    %ge3A_2163 = arith.cmpf oge, %add3A_2160, %ge3A_2162 : vector<128x128xf32>
    %convert_element_type3A_2164 = arith.extui %ge3A_2163 : vector<128x128xi1> to vector<128x128xi32>
    %convert_element_type3A_2165 = arith.sitofp %convert_element_type3A_2164 : vector<128x128xi32> to vector<128x128xf32>
    %convert_element_type3A_2166 = arith.fptosi %convert_element_type3A_2165 : vector<128x128xf32> to vector<128x128xi8>
    %swap3A_2167 = arith.constant 7 : index
    %swap3A_2168 = arith.constant 14 : index
    %swap3A_2169 = arith.constant 0 : index
    %swap3A_2170 = arith.constant 0 : index
    %swap3A_2171 = vector.load %arg2[%swap3A_2167, %swap3A_2168, %swap3A_2169, %swap3A_2170] : memref<8x16x128x128xi8, #tpu.memory_space<vmem>>, vector<1x1x128x128xi8>
    %swap3A_2172 = vector.shape_cast %swap3A_2171 : vector<1x1x128x128xi8> to vector<128x128xi8>
    %swap3A_2173 = vector.shape_cast %convert_element_type3A_2166 : vector<128x128xi8> to vector<1x1x128x128xi8>
    tpu.vector_store %arg2[%swap3A_2167, %swap3A_2168, %swap3A_2169, %swap3A_2170], %swap3A_2173 {strides = array<i32>} : memref<8x16x128x128xi8, #tpu.memory_space<vmem>>, vector<1x1x128x128xi8>,
    %add3A_2174 = arith.addf %add3A_2159, %convert_element_type3A_2165 : vector<128x128xf32>
    %mul3A_2175 = arith.constant 1.250000e-01 : f32
    %mul3A_2176 = vector.broadcast %mul3A_2175 : f32 to vector<128x128xf32>
    %mul3A_2177 = arith.mulf %add3A_2174, %mul3A_2176 : vector<128x128xf32>
    %swap3A_2178 = arith.constant 14 : index
    %swap3A_2179 = arith.constant 0 : index
    %swap3A_2180 = arith.constant 0 : index
    %swap3A_2181 = vector.load %arg3[%swap3A_2178, %swap3A_2179, %swap3A_2180] : memref<16x128x128xf32, #tpu.memory_space<vmem>>, vector<1x128x128xf32>
    %swap3A_2182 = vector.shape_cast %swap3A_2181 : vector<1x128x128xf32> to vector<128x128xf32>
    %swap3A_2183 = vector.shape_cast %mul3A_2177 : vector<128x128xf32> to vector<1x128x128xf32>
    tpu.vector_store %arg3[%swap3A_2178, %swap3A_2179, %swap3A_2180], %swap3A_2183 {strides = array<i32>} : memref<16x128x128xf32, #tpu.memory_space<vmem>>, vector<1x128x128xf32>,
    %mul3A_2184 = arith.constant 1.350000e+01 : f32
    %mul3A_2185 = arith.mulf %mul3A_2184, %get3A_4 : f32
    %add3A_2186 = arith.addf %get3A_2, %mul3A_2185 : f32
    %sub3A_2187 = vector.broadcast %add3A_2186 : f32 to vector<128x128xf32>
    %sub3A_2188 = arith.subf %get3A_14, %sub3A_2187 : vector<128x128xf32>
    %mul3A_2189 = arith.mulf %sub3A_2188, %sub3A_2188 : vector<128x128xf32>
    %neg3A_2190 = arith.constant 0.000000e+00 : f32
    %neg3A_2191 = arith.subf %neg3A_2190, %div3A_9 : f32
    %mul3A_2192 = vector.broadcast %neg3A_2191 : f32 to vector<128x128xf32>
    %mul3A_2193 = arith.mulf %mul3A_2189, %mul3A_2192 : vector<128x128xf32>
    %exp3A_2194 = math.exp %mul3A_2193 : vector<128x128xf32>
    %ge3A_2195 = arith.constant 1.000000e+00 : f32
    %ge3A_2196 = vector.broadcast %ge3A_2195 : f32 to vector<128x128xf32>
    %ge3A_2197 = arith.cmpf oge, %exp3A_2194, %ge3A_2196 : vector<128x128xf32>
    %convert_element_type3A_2198 = arith.extui %ge3A_2197 : vector<128x128xi1> to vector<128x128xi32>
    %convert_element_type3A_2199 = arith.sitofp %convert_element_type3A_2198 : vector<128x128xi32> to vector<128x128xf32>
    %sub3A_2200 = arith.subf %exp3A_2194, %convert_element_type3A_2199 : vector<128x128xf32>
    %convert_element_type3A_2201 = arith.fptosi %convert_element_type3A_2199 : vector<128x128xf32> to vector<128x128xi8>
    %swap3A_2202 = arith.constant 0 : index
    %swap3A_2203 = arith.constant 15 : index
    %swap3A_2204 = arith.constant 0 : index
    %swap3A_2205 = arith.constant 0 : index
    %swap3A_2206 = vector.load %arg2[%swap3A_2202, %swap3A_2203, %swap3A_2204, %swap3A_2205] : memref<8x16x128x128xi8, #tpu.memory_space<vmem>>, vector<1x1x128x128xi8>
    %swap3A_2207 = vector.shape_cast %swap3A_2206 : vector<1x1x128x128xi8> to vector<128x128xi8>
    %swap3A_2208 = vector.shape_cast %convert_element_type3A_2201 : vector<128x128xi8> to vector<1x1x128x128xi8>
    tpu.vector_store %arg2[%swap3A_2202, %swap3A_2203, %swap3A_2204, %swap3A_2205], %swap3A_2208 {strides = array<i32>} : memref<8x16x128x128xi8, #tpu.memory_space<vmem>>, vector<1x1x128x128xi8>,
    %add3A_2209 = arith.addf %sub3A_2200, %exp3A_2194 : vector<128x128xf32>
    %ge3A_2210 = arith.constant 1.000000e+00 : f32
    %ge3A_2211 = vector.broadcast %ge3A_2210 : f32 to vector<128x128xf32>
    %ge3A_2212 = arith.cmpf oge, %add3A_2209, %ge3A_2211 : vector<128x128xf32>
    %convert_element_type3A_2213 = arith.extui %ge3A_2212 : vector<128x128xi1> to vector<128x128xi32>
    %convert_element_type3A_2214 = arith.sitofp %convert_element_type3A_2213 : vector<128x128xi32> to vector<128x128xf32>
    %sub3A_2215 = arith.subf %add3A_2209, %convert_element_type3A_2214 : vector<128x128xf32>
    %convert_element_type3A_2216 = arith.fptosi %convert_element_type3A_2214 : vector<128x128xf32> to vector<128x128xi8>
    %swap3A_2217 = arith.constant 1 : index
    %swap3A_2218 = arith.constant 15 : index
    %swap3A_2219 = arith.constant 0 : index
    %swap3A_2220 = arith.constant 0 : index
    %swap3A_2221 = vector.load %arg2[%swap3A_2217, %swap3A_2218, %swap3A_2219, %swap3A_2220] : memref<8x16x128x128xi8, #tpu.memory_space<vmem>>, vector<1x1x128x128xi8>
    %swap3A_2222 = vector.shape_cast %swap3A_2221 : vector<1x1x128x128xi8> to vector<128x128xi8>
    %swap3A_2223 = vector.shape_cast %convert_element_type3A_2216 : vector<128x128xi8> to vector<1x1x128x128xi8>
    tpu.vector_store %arg2[%swap3A_2217, %swap3A_2218, %swap3A_2219, %swap3A_2220], %swap3A_2223 {strides = array<i32>} : memref<8x16x128x128xi8, #tpu.memory_space<vmem>>, vector<1x1x128x128xi8>,
    %add3A_2224 = arith.addf %convert_element_type3A_2199, %convert_element_type3A_2214 : vector<128x128xf32>
    %add3A_2225 = arith.addf %sub3A_2215, %exp3A_2194 : vector<128x128xf32>
    %ge3A_2226 = arith.constant 1.000000e+00 : f32
    %ge3A_2227 = vector.broadcast %ge3A_2226 : f32 to vector<128x128xf32>
    %ge3A_2228 = arith.cmpf oge, %add3A_2225, %ge3A_2227 : vector<128x128xf32>
    %convert_element_type3A_2229 = arith.extui %ge3A_2228 : vector<128x128xi1> to vector<128x128xi32>
    %convert_element_type3A_2230 = arith.sitofp %convert_element_type3A_2229 : vector<128x128xi32> to vector<128x128xf32>
    %sub3A_2231 = arith.subf %add3A_2225, %convert_element_type3A_2230 : vector<128x128xf32>
    %convert_element_type3A_2232 = arith.fptosi %convert_element_type3A_2230 : vector<128x128xf32> to vector<128x128xi8>
    %swap3A_2233 = arith.constant 2 : index
    %swap3A_2234 = arith.constant 15 : index
    %swap3A_2235 = arith.constant 0 : index
    %swap3A_2236 = arith.constant 0 : index
    %swap3A_2237 = vector.load %arg2[%swap3A_2233, %swap3A_2234, %swap3A_2235, %swap3A_2236] : memref<8x16x128x128xi8, #tpu.memory_space<vmem>>, vector<1x1x128x128xi8>
    %swap3A_2238 = vector.shape_cast %swap3A_2237 : vector<1x1x128x128xi8> to vector<128x128xi8>
    %swap3A_2239 = vector.shape_cast %convert_element_type3A_2232 : vector<128x128xi8> to vector<1x1x128x128xi8>
    tpu.vector_store %arg2[%swap3A_2233, %swap3A_2234, %swap3A_2235, %swap3A_2236], %swap3A_2239 {strides = array<i32>} : memref<8x16x128x128xi8, #tpu.memory_space<vmem>>, vector<1x1x128x128xi8>,
    %add3A_2240 = arith.addf %add3A_2224, %convert_element_type3A_2230 : vector<128x128xf32>
    %add3A_2241 = arith.addf %sub3A_2231, %exp3A_2194 : vector<128x128xf32>
    %ge3A_2242 = arith.constant 1.000000e+00 : f32
    %ge3A_2243 = vector.broadcast %ge3A_2242 : f32 to vector<128x128xf32>
    %ge3A_2244 = arith.cmpf oge, %add3A_2241, %ge3A_2243 : vector<128x128xf32>
    %convert_element_type3A_2245 = arith.extui %ge3A_2244 : vector<128x128xi1> to vector<128x128xi32>
    %convert_element_type3A_2246 = arith.sitofp %convert_element_type3A_2245 : vector<128x128xi32> to vector<128x128xf32>
    %sub3A_2247 = arith.subf %add3A_2241, %convert_element_type3A_2246 : vector<128x128xf32>
    %convert_element_type3A_2248 = arith.fptosi %convert_element_type3A_2246 : vector<128x128xf32> to vector<128x128xi8>
    %swap3A_2249 = arith.constant 3 : index
    %swap3A_2250 = arith.constant 15 : index
    %swap3A_2251 = arith.constant 0 : index
    %swap3A_2252 = arith.constant 0 : index
    %swap3A_2253 = vector.load %arg2[%swap3A_2249, %swap3A_2250, %swap3A_2251, %swap3A_2252] : memref<8x16x128x128xi8, #tpu.memory_space<vmem>>, vector<1x1x128x128xi8>
    %swap3A_2254 = vector.shape_cast %swap3A_2253 : vector<1x1x128x128xi8> to vector<128x128xi8>
    %swap3A_2255 = vector.shape_cast %convert_element_type3A_2248 : vector<128x128xi8> to vector<1x1x128x128xi8>
    tpu.vector_store %arg2[%swap3A_2249, %swap3A_2250, %swap3A_2251, %swap3A_2252], %swap3A_2255 {strides = array<i32>} : memref<8x16x128x128xi8, #tpu.memory_space<vmem>>, vector<1x1x128x128xi8>,
    %add3A_2256 = arith.addf %add3A_2240, %convert_element_type3A_2246 : vector<128x128xf32>
    %add3A_2257 = arith.addf %sub3A_2247, %exp3A_2194 : vector<128x128xf32>
    %ge3A_2258 = arith.constant 1.000000e+00 : f32
    %ge3A_2259 = vector.broadcast %ge3A_2258 : f32 to vector<128x128xf32>
    %ge3A_2260 = arith.cmpf oge, %add3A_2257, %ge3A_2259 : vector<128x128xf32>
    %convert_element_type3A_2261 = arith.extui %ge3A_2260 : vector<128x128xi1> to vector<128x128xi32>
    %convert_element_type3A_2262 = arith.sitofp %convert_element_type3A_2261 : vector<128x128xi32> to vector<128x128xf32>
    %sub3A_2263 = arith.subf %add3A_2257, %convert_element_type3A_2262 : vector<128x128xf32>
    %convert_element_type3A_2264 = arith.fptosi %convert_element_type3A_2262 : vector<128x128xf32> to vector<128x128xi8>
    %swap3A_2265 = arith.constant 4 : index
    %swap3A_2266 = arith.constant 15 : index
    %swap3A_2267 = arith.constant 0 : index
    %swap3A_2268 = arith.constant 0 : index
    %swap3A_2269 = vector.load %arg2[%swap3A_2265, %swap3A_2266, %swap3A_2267, %swap3A_2268] : memref<8x16x128x128xi8, #tpu.memory_space<vmem>>, vector<1x1x128x128xi8>
    %swap3A_2270 = vector.shape_cast %swap3A_2269 : vector<1x1x128x128xi8> to vector<128x128xi8>
    %swap3A_2271 = vector.shape_cast %convert_element_type3A_2264 : vector<128x128xi8> to vector<1x1x128x128xi8>
    tpu.vector_store %arg2[%swap3A_2265, %swap3A_2266, %swap3A_2267, %swap3A_2268], %swap3A_2271 {strides = array<i32>} : memref<8x16x128x128xi8, #tpu.memory_space<vmem>>, vector<1x1x128x128xi8>,
    %add3A_2272 = arith.addf %add3A_2256, %convert_element_type3A_2262 : vector<128x128xf32>
    %add3A_2273 = arith.addf %sub3A_2263, %exp3A_2194 : vector<128x128xf32>
    %ge3A_2274 = arith.constant 1.000000e+00 : f32
    %ge3A_2275 = vector.broadcast %ge3A_2274 : f32 to vector<128x128xf32>
    %ge3A_2276 = arith.cmpf oge, %add3A_2273, %ge3A_2275 : vector<128x128xf32>
    %convert_element_type3A_2277 = arith.extui %ge3A_2276 : vector<128x128xi1> to vector<128x128xi32>
    %convert_element_type3A_2278 = arith.sitofp %convert_element_type3A_2277 : vector<128x128xi32> to vector<128x128xf32>
    %sub3A_2279 = arith.subf %add3A_2273, %convert_element_type3A_2278 : vector<128x128xf32>
    %convert_element_type3A_2280 = arith.fptosi %convert_element_type3A_2278 : vector<128x128xf32> to vector<128x128xi8>
    %swap3A_2281 = arith.constant 5 : index
    %swap3A_2282 = arith.constant 15 : index
    %swap3A_2283 = arith.constant 0 : index
    %swap3A_2284 = arith.constant 0 : index
    %swap3A_2285 = vector.load %arg2[%swap3A_2281, %swap3A_2282, %swap3A_2283, %swap3A_2284] : memref<8x16x128x128xi8, #tpu.memory_space<vmem>>, vector<1x1x128x128xi8>
    %swap3A_2286 = vector.shape_cast %swap3A_2285 : vector<1x1x128x128xi8> to vector<128x128xi8>
    %swap3A_2287 = vector.shape_cast %convert_element_type3A_2280 : vector<128x128xi8> to vector<1x1x128x128xi8>
    tpu.vector_store %arg2[%swap3A_2281, %swap3A_2282, %swap3A_2283, %swap3A_2284], %swap3A_2287 {strides = array<i32>} : memref<8x16x128x128xi8, #tpu.memory_space<vmem>>, vector<1x1x128x128xi8>,
    %add3A_2288 = arith.addf %add3A_2272, %convert_element_type3A_2278 : vector<128x128xf32>
    %add3A_2289 = arith.addf %sub3A_2279, %exp3A_2194 : vector<128x128xf32>
    %ge3A_2290 = arith.constant 1.000000e+00 : f32
    %ge3A_2291 = vector.broadcast %ge3A_2290 : f32 to vector<128x128xf32>
    %ge3A_2292 = arith.cmpf oge, %add3A_2289, %ge3A_2291 : vector<128x128xf32>
    %convert_element_type3A_2293 = arith.extui %ge3A_2292 : vector<128x128xi1> to vector<128x128xi32>
    %convert_element_type3A_2294 = arith.sitofp %convert_element_type3A_2293 : vector<128x128xi32> to vector<128x128xf32>
    %sub3A_2295 = arith.subf %add3A_2289, %convert_element_type3A_2294 : vector<128x128xf32>
    %convert_element_type3A_2296 = arith.fptosi %convert_element_type3A_2294 : vector<128x128xf32> to vector<128x128xi8>
    %swap3A_2297 = arith.constant 6 : index
    %swap3A_2298 = arith.constant 15 : index
    %swap3A_2299 = arith.constant 0 : index
    %swap3A_2300 = arith.constant 0 : index
    %swap3A_2301 = vector.load %arg2[%swap3A_2297, %swap3A_2298, %swap3A_2299, %swap3A_2300] : memref<8x16x128x128xi8, #tpu.memory_space<vmem>>, vector<1x1x128x128xi8>
    %swap3A_2302 = vector.shape_cast %swap3A_2301 : vector<1x1x128x128xi8> to vector<128x128xi8>
    %swap3A_2303 = vector.shape_cast %convert_element_type3A_2296 : vector<128x128xi8> to vector<1x1x128x128xi8>
    tpu.vector_store %arg2[%swap3A_2297, %swap3A_2298, %swap3A_2299, %swap3A_2300], %swap3A_2303 {strides = array<i32>} : memref<8x16x128x128xi8, #tpu.memory_space<vmem>>, vector<1x1x128x128xi8>,
    %add3A_2304 = arith.addf %add3A_2288, %convert_element_type3A_2294 : vector<128x128xf32>
    %add3A_2305 = arith.addf %sub3A_2295, %exp3A_2194 : vector<128x128xf32>
    %ge3A_2306 = arith.constant 1.000000e+00 : f32
    %ge3A_2307 = vector.broadcast %ge3A_2306 : f32 to vector<128x128xf32>
    %ge3A_2308 = arith.cmpf oge, %add3A_2305, %ge3A_2307 : vector<128x128xf32>
    %convert_element_type3A_2309 = arith.extui %ge3A_2308 : vector<128x128xi1> to vector<128x128xi32>
    %convert_element_type3A_2310 = arith.sitofp %convert_element_type3A_2309 : vector<128x128xi32> to vector<128x128xf32>
    %convert_element_type3A_2311 = arith.fptosi %convert_element_type3A_2310 : vector<128x128xf32> to vector<128x128xi8>
    %swap3A_2312 = arith.constant 7 : index
    %swap3A_2313 = arith.constant 15 : index
    %swap3A_2314 = arith.constant 0 : index
    %swap3A_2315 = arith.constant 0 : index
    %swap3A_2316 = vector.load %arg2[%swap3A_2312, %swap3A_2313, %swap3A_2314, %swap3A_2315] : memref<8x16x128x128xi8, #tpu.memory_space<vmem>>, vector<1x1x128x128xi8>
    %swap3A_2317 = vector.shape_cast %swap3A_2316 : vector<1x1x128x128xi8> to vector<128x128xi8>
    %swap3A_2318 = vector.shape_cast %convert_element_type3A_2311 : vector<128x128xi8> to vector<1x1x128x128xi8>
    tpu.vector_store %arg2[%swap3A_2312, %swap3A_2313, %swap3A_2314, %swap3A_2315], %swap3A_2318 {strides = array<i32>} : memref<8x16x128x128xi8, #tpu.memory_space<vmem>>, vector<1x1x128x128xi8>,
    %add3A_2319 = arith.addf %add3A_2304, %convert_element_type3A_2310 : vector<128x128xf32>
    %mul3A_2320 = arith.constant 1.250000e-01 : f32
    %mul3A_2321 = vector.broadcast %mul3A_2320 : f32 to vector<128x128xf32>
    %mul3A_2322 = arith.mulf %add3A_2319, %mul3A_2321 : vector<128x128xf32>
    %swap3A_2323 = arith.constant 15 : index
    %swap3A_2324 = arith.constant 0 : index
    %swap3A_2325 = arith.constant 0 : index
    %swap3A_2326 = vector.load %arg3[%swap3A_2323, %swap3A_2324, %swap3A_2325] : memref<16x128x128xf32, #tpu.memory_space<vmem>>, vector<1x128x128xf32>
    %swap3A_2327 = vector.shape_cast %swap3A_2326 : vector<1x128x128xf32> to vector<128x128xf32>
    %swap3A_2328 = vector.shape_cast %mul3A_2322 : vector<128x128xf32> to vector<1x128x128xf32>
    tpu.vector_store %arg3[%swap3A_2323, %swap3A_2324, %swap3A_2325], %swap3A_2328 {strides = array<i32>} : memref<16x128x128xf32, #tpu.memory_space<vmem>>, vector<1x128x128xf32>,
    return
  }
  func.func @transform_0(%arg0: i32) -> (i32, i32) {
    %c0_i32 = arith.constant 0 : i32
    %c0_i32_0 = arith.constant 0 : i32
    %c0_i32_1 = arith.constant 0 : i32
    return %c0_i32, %c0_i32_0 : i32, i32
  }
  func.func @transform_1(%arg0: i32) -> (i32, i32, i32, i32) {
    %c0_i32 = arith.constant 0 : i32
    %c0_i32_0 = arith.constant 0 : i32
    %c0_i32_1 = arith.constant 0 : i32
    %c0_i32_2 = arith.constant 0 : i32
    return %c0_i32, %c0_i32_0, %arg0, %c0_i32_1 : i32, i32, i32, i32
  }
  func.func @transform_2(%arg0: i32) -> (i32, i32, i32) {
    %c0_i32 = arith.constant 0 : i32
    %c0_i32_0 = arith.constant 0 : i32
    %c0_i32_1 = arith.constant 0 : i32
    return %c0_i32, %arg0, %c0_i32_0 : i32, i32, i32
  }
}

</mosaic_0001>

<sc_bundles>
// kernel: sparse-core-data-format-call.cloned.1.call-start
scs
called_computation_lowered:
.L_overlay_start_0:
0x0: {  	s2 =	sld [smem:$0x3FD9]  }
0x1: {  	s3 =	sld [smem:$0x3FFE];
	_ =	sdelay $0x1  }
0x2: {  	s1 =	srdreg.scid  }
0x3: {  	s0 =	sand.u32 $0x1, s1  }
0x4: {  	s15 =	sshll.u32 s0, $0xA;
	s2 =	sadd.s32 s3, s2  }
0x5: {  	s2 =	sadd.s32 s2, s15  }
0x6: {  	[smem:$0x3FC7] =	sst s2  }
0x7: {  	_ = 	snop  }
0x8: {  	s2 =	sld [smem:$0x3FD0];
	_ =	sdelay $0x2  }
0x9: {  	s16 =	simm.s32 $0xA;
	s4 =	simm.s32 $0x10  }
0xa: {  	[smem:s4], [sflag:s16] =	dma.local [hbm:s2], $0x1  }
0xb: {  	_ =	swait.eq [sflag:s16], $0x1  }
0xc: {  	[sflag:s16] =	ssyncset.done $0x0  }
0xd: {  	[sflag:s16] =	ssyncadd.s32 $0xFFFFFFFF  }
0xe: {  	s17 =	sld [smem:$0x10];
	(tm) =	ssettm $0x1  }
0xf: {  	s18 =	sld [smem:$0x3FFB];
	_ =	sdelay $0x3  }
0x10: {  	_ =	strace s18  }
0x11: {  	s3 =	sld [smem:$0x3FFC];
	_ =	sdelay $0x3  }
0x12: {  	_ =	strace s3  }
0x13: {  	s3 =	sld [smem:$0x3FFD];
	_ =	sdelay $0x3  }
0x14: {  	_ =	strace s3  }
0x15: {  	_ =	strace $0x8FFFFFFF  }
0x16: {  	s19 =	sld [smem:$0x3FDB];
	_ =	sdelay $0x1  }
0x17: {  	s20 =	simm.s32 $_scs_section_size  }
0x18: {  	s5 =	simm.s32 $_size__tile_overlayer_lowered;
	s6 =	simm.s32 $_tile_overlayer_lowered  }
0x19: {  	s23 =	simm.s32 $0x1BFF;
	s22 =	sshll.u32 s6, $0x1;
	s3 =	sadd.s32 s20, s19  }
0x1a: {  	s7 =	simm.s32 $0x0;
	s21 =	sshll.u32 s5, $0x1;
	s5 =	sadd.s32 s22, s3  }
0x1b: {  	[timem:s7], [sflag:s23] =	dma.local [hbm:s5], s21  }
0x1c: {  	_ =	swait.ge [sflag:s23], s21  }
0x1d: {  	s4 =	ssub.s32 $0x0, s21;
	[sflag:s23] =	ssyncset.done $0x0  }
0x1e: {  	[sflag:s23] =	ssyncadd.s32 s4;
	_ =	sdelay $0x1  }
0x1f: {  	s24 =	simm.s32 $0x1B8B  }
0x20: {  	_ =	swait.ge [sflag:s24], $0x1  }
0x21: {  	[sflag:s24] =	ssyncset.done $0x0  }
0x22: {  	s26 =	simm.s32 $0x1B8E;
	s25 =	sld [smem:$0x3FFE];
	[sflag:s24] =	ssyncadd.s32 $0xFFFFFFFF  }
0x23: {  	s27 =	simm.s32 $execute0_lowered;
	[smem:$0x3FD2] =	sst s26  }
0x24: {  	s5 =	sshll.u32 s27, $0x1;
	_ =	strace $0x80000046;
	[dreg:$0x1] =	wrdreg $0xFFFFFFFF  }
0x25: {  	s28 =	simm.s32 $_size_execute0_lowered;
	s3 =	sadd.s32 s3, s5;
	[dreg:$0x0] =	wrdreg $0x0  }
0x26: {  	s5 =	sshll.u32 s28, $0x1;
	[dreg:$0x2] =	wrdreg s3  }
0x27: {  	[dreg:$0x3] =	wrdreg s5  }
0x28: {  	[dreg:$0x4] =	wrdreg $0xC0  }
0x29: {  	_ =	task [dreg:s7], $0x5FFFF  }
0x2a: {  	[dreg:$0x1] =	wrdreg $0xFFFFFFFF  }
0x2b: {  	[dreg:$0x0] =	wrdreg $0x60  }
0x2c: {  	[dreg:$0x2] =	wrdreg s25  }
0x2d: {  	[dreg:$0x3] =	wrdreg s17  }
0x2e: {  	[dreg:$0x4] =	wrdreg $0x9  }
0x2f: {  	_ =	task.clear_ibuf [dreg:s7], $0x5FFFF;
	_ =	strace $0x90000046  }
0x30: {  	s29 =	simm.s32 $0x9;
	_ =	strace $0x80000048  }
0x31: {  	_ =	swait.ge [sflag:s29], $0x1  }
0x32: {  	[sflag:s29] =	ssyncadd.s32 $0xFFFFFFFF  }
0x33: {  	_ =	strace $0x90000048  }
0x34: {  	_ =	sfence  }
0x35: {  	s30 =	sld [smem:$0x0];
	_ =	sdelay $0x2  }
0x36: {  	s31 =	sshll.u32 s1, $0xD;
	s1 =	sshrl.u32 s1, $0x2  }
0x37: {  	s3 =	sand.u32 $0x4000, s31;
	s1 =	sadd.s32 s1, s30  }
0x38: {  	s0 =	sor.u32 s3, s0;
	s1 =	sshll.u32 s1, $0x11  }
0x39: {  	s0 =	sor.u32 s1, s0  }
0x3a: {  	s0 =	sadd.s32 $0x8F2B, s0  }
0x3b: {  	[sflag:s0] =	ssyncadd.remote.s32 $0x1  }
0x3c: {  	_ =	sfence.sel $0xFFFF  }
0x3d: {  	[dreg:$0x0] =	wrdreg $0xFFFFFFFF;
	(pc) =	sbr.abs _section_cstart, $3  }
0x3e: {  	[dreg:$0x1] =	wrdreg $0xFFFFFFFF  }
0x3f: {  	_ =	task.clear_ibuf [dreg:s7], $0x2FFFF;
	_ =	strace $0x9FFFFFFF  }
0x40: {  	(tm) =	ssettm $0x7FFFFFFF  }
0x41: {  	_ =	shalt  }
tec
execute0_lowered:
.L_overlay_start_1:
0x0: {  	(tag) =	ssettag $0x1  }
0x1: {  	s1 =	srdreg.scid  }
0x2: {  	s0 =	stileid.u32;
	s8 =	rddreg [dreg:$0x0]  }
0x3: {  	s2 =	rddreg [dreg:$0x1];
	s7 =	simm.s32 $0x1;
	s1 =	sshll.u32 s1, $0x4  }
0x4: {  	s9 =	simm.s32 $0x2;
	s15 =	simm.s32 $0x0;
	s1 =	sor.u32 s0, s1  }
0x5: {  	s10 =	simm.s32 $0x8000;
	s16 =	simm.s32 $0x0;
	s1 =	sshrl.u32 s1, $0x2  }
0x6: {  	s17 =	simm.s32 $0x0;
	s11 =	simm.s32 $0x0;
	s3 =	sand.u32 $0x6, s1  }
0x7: {  	s14 =	simm.s32 $0x0;
	s4 =	sadd.s32 $0xA00, s8;
	s6 =	ssub.s32 $0x10, s3  }
0x8: {  	s8 =	sadd.s32 $0x10A00, s8;
	s1 =	rddreg [dreg:$0x2];
	s5 =	sand.u32 $0x6, s6  }
.Ltmp0:
0x9: {  	_ =	strace $0x80000047;
	p0 =	sne.s32 s5, $0x0;
	(pc) =	sbr.rel .LBB1_1-.Ltmp0, $4  }
0xa: {  	s6 =	sshrl.u32 s6, $0x3;
	s5 =	simm.s32 $0x1;
	s7 =	simm.s32 @!p0 $0x0  }
0xb: {  	s12 =	smov.u32 s3;
	[sflag:s5] =	ssyncpa.u1 $0x0;
	s7 =	sadd.s32 s7, s6  }
0xc: {  	p0 =	por $0x0, $0x0;
	s6 =	sand.u32 $0x7, s0;
	s7 =	sshll.u32 s7, $0x5  }
0xd: {  	[sflag:s9] =	ssyncpa.u1 $0x0;
	s13 =	smov.u32 s6;
	s9 =	sor.u32 $0x1, s7  }
.LBB1_7:
0xe: {  	s18 =	sadd.s32 $0x80, s11  }
0xf: {  	s15 =	sadd.s32 $0x8, s12;
	s19 =	smov.u32 s12;
	p2 =	sgt.s32 s18, $0xFFF  }
0x10: {  	s19 =	smov.u32 @p2 s15  }
0x11: {  	s21 =	smov.u32 s13;
	s15 =	sadd.s32 $0x8, s13;
	p3 =	sgt.s32 s19, $0xF  }
0x12: {  	s21 =	smov.u32 @p3 s15  }
0x13: {  	s18 =	simm.s32 @p2 $0x0;
	p2 =	sgt.s32 s21, $0x7  }
0x14: {  	p1 =	slt.u32 s14, $0x2;
	s21 =	smov.u32 @p2 s6;
	p2 =	sne.s32 s14, s9  }
.Ltmp1:
0x15: {  	s20 =	simm.s32 @!p1 $0x2;
	(pc) =	sbr.rel @!p2 .LBB1_8-.Ltmp1, $4  }
0x16: {  	s16 =	smov.u32 s12;
	s17 =	smov.u32 s13;
	_ =	swait.ge @!p1 [sflag:s20], $0x4000  }
0x17: {  	p0 =	por !p0, !p0;
	[sflag:s20] =	ssyncset.done @!p1 $0x0;
	s19 =	smov.u32 @p3 s3  }
0x18: {  	s15 =	smov.u32 s11;
	[sflag:s20] =	ssyncadd.s32 @!p1 $0xFFFFC000;
	s11 =	smov.u32 s18  }
0x19: {  	s12 =	smov.u32 s19;
	s14 =	sadd.s32 $0x1, s14;
	s13 =	smov.u32 s21  }
.LBB1_1:
0x1a: {  	p1 =	sge.u32 s14, s7  }
0x1b: {  	s18 =	sxor.u32 @!p1 $0xFFFFFFFF, s14;
	s19 =	sshll.u32 @!p1 s13, $0x14  }
0x1c: {  	s20 =	sshll.u32 @!p1 s12, $0x10;
	s22 =	sshll.u32 @!p1 s11, $0x4;
	s23 =	simm.s32 @!p1 $0x40  }
0x1d: {  	s24 =	simm.s32 @!p1 $0x80;
	s18 =	sshll.u32 @!p1 s18, $0xE;
	s21 =	sadd.s32 @!p1 s19, s20  }
0x1e: {  	s22 =	sand.u32 @!p1 $0xFFF0, s22;
	s19 =	sadd.s32 @!p1 s19, s8;
	s21 =	sadd.s32 @!p1 s4, s21  }
0x1f: {  	s18 =	sand.u32 @!p1 $0x4000, s18;
	s19 =	sadd.s32 @!p1 s20, s19;
	s21 =	sadd.s32 @!p1 s22, s21  }
0x20: {  	[tilespmem:s18], [sflag:$0x1] =	stream.strided.gather @!p1 [hbm4b:s21+s23], $0x2000, s24, s23, $0x38;
	[tilespmem:$0x10100] =	vst v63  }
0x21: {  	s31 =	sadd.s32 $0xFFFFFFFF, s14;
	s19 =	sadd.s32 @!p1 s22, s19;
	s18 =	sor.u32 @!p1 $0x2000, s18  }
0x22: {  	[tilespmem:s18], [sflag:$0x1] =	stream.strided.gather @!p1 [hbm4b:s19+s23], $0x2000, s24, s23, $0x38;
	[tilespmem:$0x10100] =	vst v63  }
0x23: {  	p1 =	sge.u32 s31, s7  }
.Ltmp2:
0x24: {  	_ = 	snop;
	(pc) =	sbr.rel @p1 .LBB1_7-.Ltmp2, $1  }
0x25: {  	_ =	sdelay $0x3  }
0x26: {  	s18 =	simm.s32 $0x1;
	s20 =	sand.u32 $0x1, s14  }
0x27: {  	_ =	swait.ge [sflag:s5], $0x4000;
	s18 =	simm.s32 @!p0 $0x0;
	s20 =	smul.u32 $0x10200, s20  }
0x28: {  	p2 =	por $0x1, $0x1;
	[sflag:s5] =	ssyncset.done $0x0;
	s19 =	smul.u32 $0x10200, s18  }
0x29: {  	s21 =	sshll.u32 s18, $0x10;
	[sflag:s5] =	ssyncadd.s32 $0xFFFFC000;
	s30 =	sshrl.u32 s20, $0x2  }
0x2a: {  	s31 =	sshrl.u32 s21, $0x2;
	s21 =	simm.s32 $0x0;
	s19 =	sshrl.u32 s19, $0x2  }
0x2b: {  	s18 =	sor.u32 $0x8000, s30;
	s20 =	sadd.s32 $0x20, s31;
	s19 =	sor.u32 $0x8000, s19  }
.LBB1_3:
0x2c: {  	s22 =	sshll.u32 s21, $0xD  }
0x2d: {  	s22 =	sand.u32 $0x3FFFE000, s22  }
0x2e: {  	s24 =	sadd.s32 s22, s20  }
0x2f: {  	s31 =	smul.u32 $0x8100, s21;
	v3 =	vld [tilespmem:s24+$0x10]  }
0x30: {  	v1 =	vld [tilespmem:s24+$0xFFFFFFF0]  }
0x31: {  	s21 =	sshra.s32 s31, $0x2;
	v0 =	vld [tilespmem:s24+$0x0]  }
0x32: {  	s21 =	sadd.s32 s21, s19;
	v2 =	vld [tilespmem:s24+$0xFFFFFFE0]  }
0x33: {  	s22 =	sadd.s32 $0x0, s21  }
0x34: {  	p1 =	por p2, p2;
	s23 =	simm.s32 $0x4;
	s24 =	sadd.s32 $0x40, s24;
	[tilespmem:s22+$0x1830 ss:$0x81] =	vst.msk $0xffff, v3  }
.LBB1_4:
0x35: {  	v3 =	vld [tilespmem:s24+$0x10];
	p2 =	sne.s32 s23, $0x1FC;
	[tilespmem:s22+$0x810 ss:$0x81] =	vst.msk $0xffff, v1;
	s25 =	smov.u32 s23;
	s23 =	sadd.s32 $0x4, s23  }
.Ltmp3:
0x36: {  	v1 =	vld [tilespmem:s24+$0xFFFFFFF0];
	[tilespmem:s22+$0x1020 ss:$0x81] =	vst.msk $0xffff, v0;
	(pc) =	sbr.rel @p2 .LBB1_4-.Ltmp3, $4  }
0x37: {  	v0 =	vld [tilespmem:s24+$0x0];
	[tilespmem:s22+$0x0 ss:$0x81] =	vst.msk $0xffff, v2  }
0x38: {  	s22 =	sshra.s32 s25, $0x2;
	v2 =	vld [tilespmem:s24+$0xFFFFFFE0]  }
0x39: {  	s22 =	sadd.s32 s22, s21  }
0x3a: {  	s24 =	sadd.s32 $0x40, s24;
	[tilespmem:s22+$0x1830 ss:$0x81] =	vst.msk $0xffff, v3  }
.Ltmp4:
0x3b: {  	(pc) =	sbr.rel @p1 .LBB1_3-.Ltmp4, $4  }
0x3c: {  	_ = 	snop  }
0x3d: {  	[tilespmem:s22+$0x810 ss:$0x81] =	vst.msk $0xffff, v1  }
0x3e: {  	[tilespmem:s22+$0x1020 ss:$0x81] =	vst.msk $0xffff, v0  }
0x3f: {  	s21 =	simm.s32 $0x1;
	p2 =	por $0x0, $0x0;
	[tilespmem:s22+$0x0 ss:$0x81] =	vst.msk $0xffff, v2  }
0x40: {  	s19 =	sshll.u32 s15, $0x3;
	s20 =	sand.u32 $0x78, s15  }
0x41: {  	s17 =	sshll.u32 s17, $0x13;
	s16 =	sshll.u32 s16, $0xF;
	s29 =	sand.u32 $0x7E00, s15  }
.Ltmp5:
0x42: {  	s19 =	sand.u32 $0xC00, s19;
	s17 =	sadd.s32 s2, s17;
	(pc) =	sbr.rel .LBB1_7-.Ltmp5, $4  }
0x43: {  	s30 =	sand.u32 $0x7, s15;
	s19 =	sor.u32 s20, s19;
	s16 =	sadd.s32 s16, s17  }
0x44: {  	s15 =	sshll.u32 s30, $0x12;
	s31 =	sshrl.u32 s19, $0x3;
	s16 =	sadd.s32 s29, s16  }
0x45: {  	s15 =	sor.u32 $0x400, s15;
	s16 =	sadd.s32 s31, s16  }
0x46: {  	[hbm4b:s16+s15] =	stream.strided.scatter [tilespmem:s18], [sflag:$0x2], $0x4000, s10, s15, $0x20;
	[tilespmem:$0x10100] =	vst v63  }
.LBB1_8:
0x47: {  	_ =	sfence.sel $0x180000  }
0x48: {  	s2 =	simm.s32 $0x1;
	[bflag:$0x0] =	sbarrier.arrive $0xFFFF  }
0x49: {  	s31 =	simm.s32 $0x2;
	[sflag:s2] =	ssyncpa.u1 $0x1  }
0x4a: {  	[sflag:s31] =	ssyncpa.u1 $0x1  }
0x4b: {  	p0 =	sne.s32 s0, $0x0;
	_ =	strace $0x90000047  }
0x4c: {  	s0 =	sadd.s32 @!p0 $0x100000, s1;
	[bflag:$0x2] =	sbarrier.arrive $0xFFFF  }
0x4d: {  	[sflag:s0] =	ssyncadd.tile.s32 @!p0 $0x1;
	_ =	shalt  }
.Lfunc_end1:
_tile_overlayer_lowered:
.L_overlay_start_2:
0x4e: {  	(tag) =	ssettag $0x2  }
0x4f: {  	s0 =	rddreg [dreg:$0x0];
	s2 =	stileid.u32  }
0x50: {  	s1 =	rddreg [dreg:$0x1];
	p0 =	sne.s32 s2, $0x0  }
0x51: {  	s3 =	rddreg [dreg:$0x2];
	[bflag:$0x3] =	sbarrier.arrive $0xFFFF;
	s2 =	simm.s32 @!p0 $0x1C01  }
0x52: {  	[timem:s3], [sflag:s2] =	dma.local @!p0 [hbm:s0], s1  }
0x53: {  	s0 =	simm.s32 @!p0 $0x1  }
0x54: {  	_ =	swait.ge @!p0 [sflag:s0], s1  }
0x55: {  	s1 =	ssub.s32 @!p0 $0x0, s1;
	[sflag:s0] =	ssyncset.done @!p0 $0x0  }
0x56: {  	[sflag:s0] =	ssyncadd.s32 @!p0 s1  }
0x57: {  	[bflag:$0x3] =	sbarrier.arrive $0xFFFF  }
0x58: {  	_ =	shalt  }

</sc_bundles>
